<compile_context>
chip_gen: v7x
topology: tpu7x:2x2x1
jax: 0.10.2.dev20260603
libtpu: 0.0.44.dev20260713+nightly
codegen_flags: <defaults>
</compile_context>

<pallas_src>
import jax
import jax.numpy as jnp
from jax import lax
from jax.experimental import pallas as pl
from jax.experimental.pallas import tpu as pltpu
from jax.experimental.pallas import tpu_sc as plsc

E = 320000
D = 128
NW = 32
C = 80
CH = E // (NW * C)
NB = 5
LEAD = 3
ROUNDS = CH // NB


def _sc_body(src_hbm, tgt_hbm, eidx_hbm, out_hbm,
             sidx_v, tidx_v, a_v,
             sem_g0, sem_g1, sem_g2, sem_g3, sem_g4,
             sem_o0, sem_o1, sem_o2, sem_o3, sem_o4):
    cid = lax.axis_index("c")
    sid = lax.axis_index("s")
    wid = sid * 2 + cid
    row0 = wid * (CH * C)

    sem_g = [sem_g0, sem_g1, sem_g2, sem_g3, sem_g4]
    sem_o = [sem_o0, sem_o1, sem_o2, sem_o3, sem_o4]

    pltpu.sync_copy(eidx_hbm.at[pl.ds(wid * (CH * C), CH * C)], sidx_v)
    pltpu.sync_copy(eidx_hbm.at[pl.ds(E + wid * (CH * C), CH * C)], tidx_v)

    def fire(chunk, b):
        sl = pl.ds(chunk * C, C)
        pltpu.async_copy(src_hbm.at[sidx_v.at[sl]],
                         a_v.at[b, pl.ds(0, C)], sem_g[b])
        pltpu.async_copy(tgt_hbm.at[tidx_v.at[sl]],
                         a_v.at[b, pl.ds(C, C)], sem_g[b])

    def wait_gathers(chunk, b):
        sl = pl.ds(chunk * C, C)
        pltpu.make_async_copy(src_hbm.at[sidx_v.at[sl]],
                              a_v.at[b, pl.ds(0, C)], sem_g[b]).wait()
        pltpu.make_async_copy(tgt_hbm.at[tidx_v.at[sl]],
                              a_v.at[b, pl.ds(C, C)], sem_g[b]).wait()

    def wait_out(chunk, b):
        pltpu.make_async_copy(a_v.at[b, pl.ds(0, C)],
                              out_hbm.at[pl.ds(row0 + chunk * C, C)],
                              sem_o[b]).wait()

    for b in range(LEAD):
        fire(b, b)

    def round_body(r, carry):
        base = r * NB
        for b in range(NB):
            chunk = base + b

            wait_gathers(chunk, b)

            def row_body(row, c2):
                for j in range(D // 16):
                    sl = pl.ds(j * 16, 16)
                    a_v[b, row, sl] = a_v[b, row, sl] * a_v[b, C + row, sl]
                return c2

            lax.fori_loop(0, C, row_body, 0, unroll=2)

            pltpu.async_copy(a_v.at[b, pl.ds(0, C)],
                             out_hbm.at[pl.ds(row0 + chunk * C, C)], sem_o[b])

            nb_ = (b + LEAD) % NB

            @pl.when(chunk < CH - LEAD)
            def _():
                @pl.when(chunk >= NB - LEAD)
                def _():
                    wait_out(chunk + LEAD - NB, nb_)
                fire(chunk + LEAD, nb_)
        return carry

    lax.fori_loop(0, ROUNDS, round_body, 0)

    for k in range(NB):
        chunk = CH - NB + k
        wait_out(chunk, chunk % NB)


def kernel(node_src_feats, node_tgt_feats, edge_ids):
    eids = edge_ids.astype(jnp.int32).reshape(2 * E)

    mesh = plsc.VectorSubcoreMesh(core_axis_name="c", subcore_axis_name="s")
    f = pl.kernel(
        _sc_body,
        mesh=mesh,
        out_type=jax.ShapeDtypeStruct((E, D), jnp.float32),
        scratch_types=[
            pltpu.VMEM((CH * C,), jnp.int32),
            pltpu.VMEM((CH * C,), jnp.int32),
            pltpu.VMEM((NB, 2 * C, D), jnp.float32),
        ] + [pltpu.SemaphoreType.DMA] * (2 * NB),
    )
    return f(node_src_feats, node_tgt_feats, eids)

# --- scband reference (transcript-rebuilt; emitter-appended) ---
"""Pipeline reference for scband-node-to-edge-24824910971396 (READ-ONLY COPY).

The authoritative reference and input builder live on the scoring server;
editing this copy changes nothing except your own understanding.
"""

import jax, jax.numpy as jnp
import numpy as np


def setup_inputs(seed: int = 0) -> dict:
    key = jax.random.key(seed)
    k1, k2, k3 = jax.random.split(key, 3)
    node_src_feats = jax.random.normal(k1, (10000, 128), dtype=jnp.float32)
    node_tgt_feats = jax.random.normal(k2, (10000, 128), dtype=jnp.float32)
    edge_ids = jax.random.randint(k3, (2, 320000), 0, 10000, dtype=jnp.int64)
    return {
        "node_src_feats": node_src_feats,
        "node_tgt_feats": node_tgt_feats,
        "edge_ids": edge_ids,
    }


def reference(node_src_feats, node_tgt_feats, edge_ids):
    # NodeToEdge with reduction='mul':
    # gather source-node features for each edge's source index,
    # gather target-node features for each edge's target index,
    # then reduce with elementwise multiplication.
    src_feats = jnp.take(node_src_feats, edge_ids[0], axis=0)
    tgt_feats = jnp.take(node_tgt_feats, edge_ids[1], axis=0)
    edge_feats = src_feats * tgt_feats
    return edge_feats

if __name__ == "__main__":
    import jax
    _d = setup_inputs()
    print(jax.jit(kernel)(*tuple(_d.values())))

</pallas_src>

<mosaic_0001>
#map = affine_map<(d0, d1) -> (0, 0)>
#map1 = affine_map<(d0, d1) -> (0)>
module attributes {stable_mosaic.version = 14 : i64} {
  func.func @_sc_body(%arg0: i32, %arg1: i32, %arg2: memref<10000x128xf32, #tpu.memory_space<hbm>>, %arg3: memref<10000x128xf32, #tpu.memory_space<hbm>>, %arg4: memref<640000xi32, #tpu.memory_space<hbm>>, %arg5: memref<320000x128xf32, #tpu.memory_space<hbm>>, %arg6: memref<10000xi32, #tpu.memory_space<vmem>>, %arg7: memref<10000xi32, #tpu.memory_space<vmem>>, %arg8: memref<5x160x128xf32, #tpu.memory_space<vmem>>, %arg9: memref<!tpu.dma_semaphore, #tpu.memory_space<semaphore_mem>>, %arg10: memref<!tpu.dma_semaphore, #tpu.memory_space<semaphore_mem>>, %arg11: memref<!tpu.dma_semaphore, #tpu.memory_space<semaphore_mem>>, %arg12: memref<!tpu.dma_semaphore, #tpu.memory_space<semaphore_mem>>, %arg13: memref<!tpu.dma_semaphore, #tpu.memory_space<semaphore_mem>>, %arg14: memref<!tpu.dma_semaphore, #tpu.memory_space<semaphore_mem>>, %arg15: memref<!tpu.dma_semaphore, #tpu.memory_space<semaphore_mem>>, %arg16: memref<!tpu.dma_semaphore, #tpu.memory_space<semaphore_mem>>, %arg17: memref<!tpu.dma_semaphore, #tpu.memory_space<semaphore_mem>>, %arg18: memref<!tpu.dma_semaphore, #tpu.memory_space<semaphore_mem>>) attributes {dimension_semantics = [#tpu.dimension_semantics<core_parallel>, #tpu.dimension_semantics<subcore_parallel>], iteration_bounds = array<i64: 2, 16>, scalar_prefetch = 0 : i64, scratch_operands = 13 : i64, tpu.core_type = #tpu.core_type<sc_vector_subcore>, window_params = [{transform_indices = #map}, {transform_indices = #map}, {transform_indices = #map1}, {transform_indices = #map}]} {
    %mul3A = arith.constant 2 : i32
    %mul3A_0 = arith.muli %arg1, %mul3A : i32
    %add3A = arith.addi %mul3A_0, %arg0 : i32
    %mul3A_1 = arith.constant 10000 : i32
    %mul3A_2 = arith.muli %add3A, %mul3A_1 : i32
    %mul3A_3 = arith.constant 10000 : i32
    %mul3A_4 = arith.muli %add3A, %mul3A_3 : i32
    "tpu.region"() ({
      %run_scoped3A = tpu.sem_alloc : memref<!tpu.dma_semaphore, #tpu.memory_space<semaphore_mem>>
      %dma_start3A_147 = tpu.memref_slice %arg4[%mul3A_4] : memref<640000xi32, #tpu.memory_space<hbm>> -> memref<10000xi32, #tpu.memory_space<hbm>>
      %dma_start3A_148 = tpu.memref_slice %arg4[%mul3A_4] : memref<640000xi32, #tpu.memory_space<hbm>> -> memref<10000xi32, #tpu.memory_space<hbm>>
      tpu.enqueue_dma source(%dma_start3A_148 : memref<10000xi32, #tpu.memory_space<hbm>>) target(%arg6 : memref<10000xi32, #tpu.memory_space<vmem>>) target_semaphore(%run_scoped3A : memref<!tpu.dma_semaphore, #tpu.memory_space<semaphore_mem>>)
      %dma_wait3A_149 = tpu.memref_slice %arg4[%mul3A_4] : memref<640000xi32, #tpu.memory_space<hbm>> -> memref<10000xi32, #tpu.memory_space<hbm>>
      %dma_wait3A_150 = tpu.memref_slice %arg4[%mul3A_4] : memref<640000xi32, #tpu.memory_space<hbm>> -> memref<10000xi32, #tpu.memory_space<hbm>>
      tpu.wait_dma2 semaphore(%run_scoped3A : memref<!tpu.dma_semaphore, #tpu.memory_space<semaphore_mem>>) src(%dma_wait3A_150 : memref<10000xi32, #tpu.memory_space<hbm>>) dst(%arg6 : memref<10000xi32, #tpu.memory_space<vmem>>)
      tpu.yield
    }) : () -> ()
    %mul3A_5 = arith.constant 10000 : i32
    %mul3A_6 = arith.muli %add3A, %mul3A_5 : i32
    %add3A_7 = arith.constant 320000 : i32
    %add3A_8 = arith.addi %add3A_7, %mul3A_6 : i32
    "tpu.region"() ({
      %run_scoped3A = tpu.sem_alloc : memref<!tpu.dma_semaphore, #tpu.memory_space<semaphore_mem>>
      %dma_start3A_147 = tpu.memref_slice %arg4[%add3A_8] : memref<640000xi32, #tpu.memory_space<hbm>> -> memref<10000xi32, #tpu.memory_space<hbm>>
      %dma_start3A_148 = tpu.memref_slice %arg4[%add3A_8] : memref<640000xi32, #tpu.memory_space<hbm>> -> memref<10000xi32, #tpu.memory_space<hbm>>
      tpu.enqueue_dma source(%dma_start3A_148 : memref<10000xi32, #tpu.memory_space<hbm>>) target(%arg7 : memref<10000xi32, #tpu.memory_space<vmem>>) target_semaphore(%run_scoped3A : memref<!tpu.dma_semaphore, #tpu.memory_space<semaphore_mem>>)
      %dma_wait3A_149 = tpu.memref_slice %arg4[%add3A_8] : memref<640000xi32, #tpu.memory_space<hbm>> -> memref<10000xi32, #tpu.memory_space<hbm>>
      %dma_wait3A_150 = tpu.memref_slice %arg4[%add3A_8] : memref<640000xi32, #tpu.memory_space<hbm>> -> memref<10000xi32, #tpu.memory_space<hbm>>
      tpu.wait_dma2 semaphore(%run_scoped3A : memref<!tpu.dma_semaphore, #tpu.memory_space<semaphore_mem>>) src(%dma_wait3A_150 : memref<10000xi32, #tpu.memory_space<hbm>>) dst(%arg7 : memref<10000xi32, #tpu.memory_space<vmem>>)
      tpu.yield
    }) : () -> ()
    %dma_start3A = arith.constant 0 : i32
    %dma_start3A_9 = arith.constant 0 : i32
    %dma_start3A_10 = arith.constant 0 : i32
    %dma_start3A_11 = tpu.memref_slice %arg8[%dma_start3A, %dma_start3A_9, %dma_start3A_10] : memref<5x160x128xf32, #tpu.memory_space<vmem>> -> memref<1x80x128xf32, #tpu.memory_space<vmem>>
    %dma_start3A_12 = tpu.memref_squeeze %dma_start3A_11 : memref<1x80x128xf32, #tpu.memory_space<vmem>> -> memref<80x128xf32, #tpu.memory_space<vmem>>
    %dma_start3A_13 = arith.constant 0 : i32
    %dma_start3A_14 = tpu.memref_slice %arg6[%dma_start3A_13] : memref<10000xi32, #tpu.memory_space<vmem>> -> memref<80xi32, #tpu.memory_space<vmem>>
    %dma_start3A_15 = arith.constant 0 : i32
    %dma_start3A_16 = arith.constant 0 : i32
    %dma_start3A_17 = tpu.memref_slice %arg2[%dma_start3A_15, %dma_start3A_16] : memref<10000x128xf32, #tpu.memory_space<hbm>> -> memref<10000x128xf32, #tpu.memory_space<hbm>>
    tpu.enqueue_indirect_dma source(%dma_start3A_17 : memref<10000x128xf32, #tpu.memory_space<hbm>>) target(%dma_start3A_12 : memref<80x128xf32, #tpu.memory_space<vmem>>) offsets(%dma_start3A_14 : memref<80xi32, #tpu.memory_space<vmem>>) semaphore(%arg9 : memref<!tpu.dma_semaphore, #tpu.memory_space<semaphore_mem>>)
    %dma_start3A_18 = arith.constant 0 : i32
    %dma_start3A_19 = arith.constant 80 : i32
    %dma_start3A_20 = arith.constant 0 : i32
    %dma_start3A_21 = tpu.memref_slice %arg8[%dma_start3A_18, %dma_start3A_19, %dma_start3A_20] : memref<5x160x128xf32, #tpu.memory_space<vmem>> -> memref<1x80x128xf32, #tpu.memory_space<vmem>>
    %dma_start3A_22 = tpu.memref_squeeze %dma_start3A_21 : memref<1x80x128xf32, #tpu.memory_space<vmem>> -> memref<80x128xf32, #tpu.memory_space<vmem>>
    %dma_start3A_23 = arith.constant 0 : i32
    %dma_start3A_24 = tpu.memref_slice %arg7[%dma_start3A_23] : memref<10000xi32, #tpu.memory_space<vmem>> -> memref<80xi32, #tpu.memory_space<vmem>>
    %dma_start3A_25 = arith.constant 0 : i32
    %dma_start3A_26 = arith.constant 0 : i32
    %dma_start3A_27 = tpu.memref_slice %arg3[%dma_start3A_25, %dma_start3A_26] : memref<10000x128xf32, #tpu.memory_space<hbm>> -> memref<10000x128xf32, #tpu.memory_space<hbm>>
    tpu.enqueue_indirect_dma source(%dma_start3A_27 : memref<10000x128xf32, #tpu.memory_space<hbm>>) target(%dma_start3A_22 : memref<80x128xf32, #tpu.memory_space<vmem>>) offsets(%dma_start3A_24 : memref<80xi32, #tpu.memory_space<vmem>>) semaphore(%arg9 : memref<!tpu.dma_semaphore, #tpu.memory_space<semaphore_mem>>)
    %dma_start3A_28 = arith.constant 1 : i32
    %dma_start3A_29 = arith.constant 0 : i32
    %dma_start3A_30 = arith.constant 0 : i32
    %dma_start3A_31 = tpu.memref_slice %arg8[%dma_start3A_28, %dma_start3A_29, %dma_start3A_30] : memref<5x160x128xf32, #tpu.memory_space<vmem>> -> memref<1x80x128xf32, #tpu.memory_space<vmem>>
    %dma_start3A_32 = tpu.memref_squeeze %dma_start3A_31 : memref<1x80x128xf32, #tpu.memory_space<vmem>> -> memref<80x128xf32, #tpu.memory_space<vmem>>
    %dma_start3A_33 = arith.constant 80 : i32
    %dma_start3A_34 = tpu.memref_slice %arg6[%dma_start3A_33] : memref<10000xi32, #tpu.memory_space<vmem>> -> memref<80xi32, #tpu.memory_space<vmem>>
    %dma_start3A_35 = arith.constant 0 : i32
    %dma_start3A_36 = arith.constant 0 : i32
    %dma_start3A_37 = tpu.memref_slice %arg2[%dma_start3A_35, %dma_start3A_36] : memref<10000x128xf32, #tpu.memory_space<hbm>> -> memref<10000x128xf32, #tpu.memory_space<hbm>>
    tpu.enqueue_indirect_dma source(%dma_start3A_37 : memref<10000x128xf32, #tpu.memory_space<hbm>>) target(%dma_start3A_32 : memref<80x128xf32, #tpu.memory_space<vmem>>) offsets(%dma_start3A_34 : memref<80xi32, #tpu.memory_space<vmem>>) semaphore(%arg10 : memref<!tpu.dma_semaphore, #tpu.memory_space<semaphore_mem>>)
    %dma_start3A_38 = arith.constant 1 : i32
    %dma_start3A_39 = arith.constant 80 : i32
    %dma_start3A_40 = arith.constant 0 : i32
    %dma_start3A_41 = tpu.memref_slice %arg8[%dma_start3A_38, %dma_start3A_39, %dma_start3A_40] : memref<5x160x128xf32, #tpu.memory_space<vmem>> -> memref<1x80x128xf32, #tpu.memory_space<vmem>>
    %dma_start3A_42 = tpu.memref_squeeze %dma_start3A_41 : memref<1x80x128xf32, #tpu.memory_space<vmem>> -> memref<80x128xf32, #tpu.memory_space<vmem>>
    %dma_start3A_43 = arith.constant 80 : i32
    %dma_start3A_44 = tpu.memref_slice %arg7[%dma_start3A_43] : memref<10000xi32, #tpu.memory_space<vmem>> -> memref<80xi32, #tpu.memory_space<vmem>>
    %dma_start3A_45 = arith.constant 0 : i32
    %dma_start3A_46 = arith.constant 0 : i32
    %dma_start3A_47 = tpu.memref_slice %arg3[%dma_start3A_45, %dma_start3A_46] : memref<10000x128xf32, #tpu.memory_space<hbm>> -> memref<10000x128xf32, #tpu.memory_space<hbm>>
    tpu.enqueue_indirect_dma source(%dma_start3A_47 : memref<10000x128xf32, #tpu.memory_space<hbm>>) target(%dma_start3A_42 : memref<80x128xf32, #tpu.memory_space<vmem>>) offsets(%dma_start3A_44 : memref<80xi32, #tpu.memory_space<vmem>>) semaphore(%arg10 : memref<!tpu.dma_semaphore, #tpu.memory_space<semaphore_mem>>)
    %dma_start3A_48 = arith.constant 2 : i32
    %dma_start3A_49 = arith.constant 0 : i32
    %dma_start3A_50 = arith.constant 0 : i32
    %dma_start3A_51 = tpu.memref_slice %arg8[%dma_start3A_48, %dma_start3A_49, %dma_start3A_50] : memref<5x160x128xf32, #tpu.memory_space<vmem>> -> memref<1x80x128xf32, #tpu.memory_space<vmem>>
    %dma_start3A_52 = tpu.memref_squeeze %dma_start3A_51 : memref<1x80x128xf32, #tpu.memory_space<vmem>> -> memref<80x128xf32, #tpu.memory_space<vmem>>
    %dma_start3A_53 = arith.constant 160 : i32
    %dma_start3A_54 = tpu.memref_slice %arg6[%dma_start3A_53] : memref<10000xi32, #tpu.memory_space<vmem>> -> memref<80xi32, #tpu.memory_space<vmem>>
    %dma_start3A_55 = arith.constant 0 : i32
    %dma_start3A_56 = arith.constant 0 : i32
    %dma_start3A_57 = tpu.memref_slice %arg2[%dma_start3A_55, %dma_start3A_56] : memref<10000x128xf32, #tpu.memory_space<hbm>> -> memref<10000x128xf32, #tpu.memory_space<hbm>>
    tpu.enqueue_indirect_dma source(%dma_start3A_57 : memref<10000x128xf32, #tpu.memory_space<hbm>>) target(%dma_start3A_52 : memref<80x128xf32, #tpu.memory_space<vmem>>) offsets(%dma_start3A_54 : memref<80xi32, #tpu.memory_space<vmem>>) semaphore(%arg11 : memref<!tpu.dma_semaphore, #tpu.memory_space<semaphore_mem>>)
    %dma_start3A_58 = arith.constant 2 : i32
    %dma_start3A_59 = arith.constant 80 : i32
    %dma_start3A_60 = arith.constant 0 : i32
    %dma_start3A_61 = tpu.memref_slice %arg8[%dma_start3A_58, %dma_start3A_59, %dma_start3A_60] : memref<5x160x128xf32, #tpu.memory_space<vmem>> -> memref<1x80x128xf32, #tpu.memory_space<vmem>>
    %dma_start3A_62 = tpu.memref_squeeze %dma_start3A_61 : memref<1x80x128xf32, #tpu.memory_space<vmem>> -> memref<80x128xf32, #tpu.memory_space<vmem>>
    %dma_start3A_63 = arith.constant 160 : i32
    %dma_start3A_64 = tpu.memref_slice %arg7[%dma_start3A_63] : memref<10000xi32, #tpu.memory_space<vmem>> -> memref<80xi32, #tpu.memory_space<vmem>>
    %dma_start3A_65 = arith.constant 0 : i32
    %dma_start3A_66 = arith.constant 0 : i32
    %dma_start3A_67 = tpu.memref_slice %arg3[%dma_start3A_65, %dma_start3A_66] : memref<10000x128xf32, #tpu.memory_space<hbm>> -> memref<10000x128xf32, #tpu.memory_space<hbm>>
    tpu.enqueue_indirect_dma source(%dma_start3A_67 : memref<10000x128xf32, #tpu.memory_space<hbm>>) target(%dma_start3A_62 : memref<80x128xf32, #tpu.memory_space<vmem>>) offsets(%dma_start3A_64 : memref<80xi32, #tpu.memory_space<vmem>>) semaphore(%arg11 : memref<!tpu.dma_semaphore, #tpu.memory_space<semaphore_mem>>)
    %scan3A = arith.constant 0 : i32
    %scan3A_68 = arith.constant 0 : i32
    %scan3A_69 = arith.constant 25 : i32
    %scan3A_70 = arith.addi %scan3A_68, %scan3A_69 : i32
    %scan3A_71 = arith.constant 1 : i32
    scf.for %scan3A_147 = %scan3A_68 to %scan3A_70 step %scan3A_71  : i32 {
      %mul3A_148 = arith.constant 5 : i32
      %mul3A_149 = arith.muli %scan3A_147, %mul3A_148 : i32
      %add3A_150 = arith.constant 0 : i32
      %add3A_151 = arith.addi %mul3A_149, %add3A_150 : i32
      %mul3A_152 = arith.constant 80 : i32
      %mul3A_153 = arith.muli %add3A_151, %mul3A_152 : i32
      %dma_wait3A_154 = arith.constant 0 : i32
      %dma_wait3A_155 = arith.constant 0 : i32
      %dma_wait3A_156 = arith.constant 0 : i32
      %dma_wait3A_157 = tpu.memref_slice %arg8[%dma_wait3A_154, %dma_wait3A_155, %dma_wait3A_156] : memref<5x160x128xf32, #tpu.memory_space<vmem>> -> memref<1x80x128xf32, #tpu.memory_space<vmem>>
      %dma_wait3A_158 = tpu.memref_squeeze %dma_wait3A_157 : memref<1x80x128xf32, #tpu.memory_space<vmem>> -> memref<80x128xf32, #tpu.memory_space<vmem>>
      %dma_wait3A_159 = tpu.memref_slice %arg6[%mul3A_153] : memref<10000xi32, #tpu.memory_space<vmem>> -> memref<80xi32, #tpu.memory_space<vmem>>
      %dma_wait3A_160 = arith.constant 0 : i32
      %dma_wait3A_161 = arith.constant 0 : i32
      %dma_wait3A_162 = tpu.memref_slice %arg2[%dma_wait3A_160, %dma_wait3A_161] : memref<10000x128xf32, #tpu.memory_space<hbm>> -> memref<10000x128xf32, #tpu.memory_space<hbm>>
      tpu.wait_indirect_dma semaphore(%arg9 : memref<!tpu.dma_semaphore, #tpu.memory_space<semaphore_mem>>) src(%dma_wait3A_162 : memref<10000x128xf32, #tpu.memory_space<hbm>>) dst(%dma_wait3A_158 : memref<80x128xf32, #tpu.memory_space<vmem>>)
      %dma_wait3A_163 = arith.constant 0 : i32
      %dma_wait3A_164 = arith.constant 80 : i32
      %dma_wait3A_165 = arith.constant 0 : i32
      %dma_wait3A_166 = tpu.memref_slice %arg8[%dma_wait3A_163, %dma_wait3A_164, %dma_wait3A_165] : memref<5x160x128xf32, #tpu.memory_space<vmem>> -> memref<1x80x128xf32, #tpu.memory_space<vmem>>
      %dma_wait3A_167 = tpu.memref_squeeze %dma_wait3A_166 : memref<1x80x128xf32, #tpu.memory_space<vmem>> -> memref<80x128xf32, #tpu.memory_space<vmem>>
      %dma_wait3A_168 = tpu.memref_slice %arg7[%mul3A_153] : memref<10000xi32, #tpu.memory_space<vmem>> -> memref<80xi32, #tpu.memory_space<vmem>>
      %dma_wait3A_169 = arith.constant 0 : i32
      %dma_wait3A_170 = arith.constant 0 : i32
      %dma_wait3A_171 = tpu.memref_slice %arg3[%dma_wait3A_169, %dma_wait3A_170] : memref<10000x128xf32, #tpu.memory_space<hbm>> -> memref<10000x128xf32, #tpu.memory_space<hbm>>
      tpu.wait_indirect_dma semaphore(%arg9 : memref<!tpu.dma_semaphore, #tpu.memory_space<semaphore_mem>>) src(%dma_wait3A_171 : memref<10000x128xf32, #tpu.memory_space<hbm>>) dst(%dma_wait3A_167 : memref<80x128xf32, #tpu.memory_space<vmem>>)
      %scan3A_172 = arith.constant 0 : i32
      %scan3A_173 = arith.constant 0 : i32
      %scan3A_174 = arith.constant 80 : i32
      %scan3A_175 = arith.addi %scan3A_173, %scan3A_174 : i32
      %scan3A_176 = arith.constant 2 : i32
      scf.for %scan3A_392 = %scan3A_173 to %scan3A_175 step %scan3A_176  : i32 {
        %get3A = arith.constant 0 : i32
        %get3A_393 = arith.index_cast %get3A : i32 to index
        %get3A_394 = arith.index_cast %scan3A_392 : i32 to index
        %get3A_395 = arith.constant 0 : index
        %get3A_396 = tpu.vector_load %arg8[%get3A_393, %get3A_394, %get3A_395] {strides = array<i32>} : memref<5x160x128xf32, #tpu.memory_space<vmem>>, vector<1x1x16xf32>,
        %get3A_397 = vector.shape_cast %get3A_396 : vector<1x1x16xf32> to vector<16xf32>
        %add3A_398 = arith.constant 80 : i32
        %add3A_399 = arith.addi %add3A_398, %scan3A_392 : i32
        %get3A_400 = arith.constant 0 : i32
        %get3A_401 = arith.index_cast %get3A_400 : i32 to index
        %get3A_402 = arith.index_cast %add3A_399 : i32 to index
        %get3A_403 = arith.constant 0 : index
        %get3A_404 = tpu.vector_load %arg8[%get3A_401, %get3A_402, %get3A_403] {strides = array<i32>} : memref<5x160x128xf32, #tpu.memory_space<vmem>>, vector<1x1x16xf32>,
        %get3A_405 = vector.shape_cast %get3A_404 : vector<1x1x16xf32> to vector<16xf32>
        %mul3A_406 = arith.mulf %get3A_397, %get3A_405 : vector<16xf32>
        %swap3A = arith.constant 0 : i32
        %swap3A_407 = arith.index_cast %swap3A : i32 to index
        %swap3A_408 = arith.index_cast %scan3A_392 : i32 to index
        %swap3A_409 = arith.constant 0 : index
        %swap3A_410 = tpu.vector_load %arg8[%swap3A_407, %swap3A_408, %swap3A_409] {strides = array<i32>} : memref<5x160x128xf32, #tpu.memory_space<vmem>>, vector<1x1x16xf32>,
        %swap3A_411 = vector.shape_cast %swap3A_410 : vector<1x1x16xf32> to vector<16xf32>
        %swap3A_412 = vector.shape_cast %mul3A_406 : vector<16xf32> to vector<1x1x16xf32>
        tpu.vector_store %arg8[%swap3A_407, %swap3A_408, %swap3A_409], %swap3A_412 {strides = array<i32>} : memref<5x160x128xf32, #tpu.memory_space<vmem>>, vector<1x1x16xf32>,
        %get3A_413 = arith.constant 0 : i32
        %get3A_414 = arith.index_cast %get3A_413 : i32 to index
        %get3A_415 = arith.index_cast %scan3A_392 : i32 to index
        %get3A_416 = arith.constant 16 : index
        %get3A_417 = tpu.vector_load %arg8[%get3A_414, %get3A_415, %get3A_416] {strides = array<i32>} : memref<5x160x128xf32, #tpu.memory_space<vmem>>, vector<1x1x16xf32>,
        %get3A_418 = vector.shape_cast %get3A_417 : vector<1x1x16xf32> to vector<16xf32>
        %add3A_419 = arith.constant 80 : i32
        %add3A_420 = arith.addi %add3A_419, %scan3A_392 : i32
        %get3A_421 = arith.constant 0 : i32
        %get3A_422 = arith.index_cast %get3A_421 : i32 to index
        %get3A_423 = arith.index_cast %add3A_420 : i32 to index
        %get3A_424 = arith.constant 16 : index
        %get3A_425 = tpu.vector_load %arg8[%get3A_422, %get3A_423, %get3A_424] {strides = array<i32>} : memref<5x160x128xf32, #tpu.memory_space<vmem>>, vector<1x1x16xf32>,
        %get3A_426 = vector.shape_cast %get3A_425 : vector<1x1x16xf32> to vector<16xf32>
        %mul3A_427 = arith.mulf %get3A_418, %get3A_426 : vector<16xf32>
        %swap3A_428 = arith.constant 0 : i32
        %swap3A_429 = arith.index_cast %swap3A_428 : i32 to index
        %swap3A_430 = arith.index_cast %scan3A_392 : i32 to index
        %swap3A_431 = arith.constant 16 : index
        %swap3A_432 = tpu.vector_load %arg8[%swap3A_429, %swap3A_430, %swap3A_431] {strides = array<i32>} : memref<5x160x128xf32, #tpu.memory_space<vmem>>, vector<1x1x16xf32>,
        %swap3A_433 = vector.shape_cast %swap3A_432 : vector<1x1x16xf32> to vector<16xf32>
        %swap3A_434 = vector.shape_cast %mul3A_427 : vector<16xf32> to vector<1x1x16xf32>
        tpu.vector_store %arg8[%swap3A_429, %swap3A_430, %swap3A_431], %swap3A_434 {strides = array<i32>} : memref<5x160x128xf32, #tpu.memory_space<vmem>>, vector<1x1x16xf32>,
        %get3A_435 = arith.constant 0 : i32
        %get3A_436 = arith.index_cast %get3A_435 : i32 to index
        %get3A_437 = arith.index_cast %scan3A_392 : i32 to index
        %get3A_438 = arith.constant 32 : index
        %get3A_439 = tpu.vector_load %arg8[%get3A_436, %get3A_437, %get3A_438] {strides = array<i32>} : memref<5x160x128xf32, #tpu.memory_space<vmem>>, vector<1x1x16xf32>,
        %get3A_440 = vector.shape_cast %get3A_439 : vector<1x1x16xf32> to vector<16xf32>
        %add3A_441 = arith.constant 80 : i32
        %add3A_442 = arith.addi %add3A_441, %scan3A_392 : i32
        %get3A_443 = arith.constant 0 : i32
        %get3A_444 = arith.index_cast %get3A_443 : i32 to index
        %get3A_445 = arith.index_cast %add3A_442 : i32 to index
        %get3A_446 = arith.constant 32 : index
        %get3A_447 = tpu.vector_load %arg8[%get3A_444, %get3A_445, %get3A_446] {strides = array<i32>} : memref<5x160x128xf32, #tpu.memory_space<vmem>>, vector<1x1x16xf32>,
        %get3A_448 = vector.shape_cast %get3A_447 : vector<1x1x16xf32> to vector<16xf32>
        %mul3A_449 = arith.mulf %get3A_440, %get3A_448 : vector<16xf32>
        %swap3A_450 = arith.constant 0 : i32
        %swap3A_451 = arith.index_cast %swap3A_450 : i32 to index
        %swap3A_452 = arith.index_cast %scan3A_392 : i32 to index
        %swap3A_453 = arith.constant 32 : index
        %swap3A_454 = tpu.vector_load %arg8[%swap3A_451, %swap3A_452, %swap3A_453] {strides = array<i32>} : memref<5x160x128xf32, #tpu.memory_space<vmem>>, vector<1x1x16xf32>,
        %swap3A_455 = vector.shape_cast %swap3A_454 : vector<1x1x16xf32> to vector<16xf32>
        %swap3A_456 = vector.shape_cast %mul3A_449 : vector<16xf32> to vector<1x1x16xf32>
        tpu.vector_store %arg8[%swap3A_451, %swap3A_452, %swap3A_453], %swap3A_456 {strides = array<i32>} : memref<5x160x128xf32, #tpu.memory_space<vmem>>, vector<1x1x16xf32>,
        %get3A_457 = arith.constant 0 : i32
        %get3A_458 = arith.index_cast %get3A_457 : i32 to index
        %get3A_459 = arith.index_cast %scan3A_392 : i32 to index
        %get3A_460 = arith.constant 48 : index
        %get3A_461 = tpu.vector_load %arg8[%get3A_458, %get3A_459, %get3A_460] {strides = array<i32>} : memref<5x160x128xf32, #tpu.memory_space<vmem>>, vector<1x1x16xf32>,
        %get3A_462 = vector.shape_cast %get3A_461 : vector<1x1x16xf32> to vector<16xf32>
        %add3A_463 = arith.constant 80 : i32
        %add3A_464 = arith.addi %add3A_463, %scan3A_392 : i32
        %get3A_465 = arith.constant 0 : i32
        %get3A_466 = arith.index_cast %get3A_465 : i32 to index
        %get3A_467 = arith.index_cast %add3A_464 : i32 to index
        %get3A_468 = arith.constant 48 : index
        %get3A_469 = tpu.vector_load %arg8[%get3A_466, %get3A_467, %get3A_468] {strides = array<i32>} : memref<5x160x128xf32, #tpu.memory_space<vmem>>, vector<1x1x16xf32>,
        %get3A_470 = vector.shape_cast %get3A_469 : vector<1x1x16xf32> to vector<16xf32>
        %mul3A_471 = arith.mulf %get3A_462, %get3A_470 : vector<16xf32>
        %swap3A_472 = arith.constant 0 : i32
        %swap3A_473 = arith.index_cast %swap3A_472 : i32 to index
        %swap3A_474 = arith.index_cast %scan3A_392 : i32 to index
        %swap3A_475 = arith.constant 48 : index
        %swap3A_476 = tpu.vector_load %arg8[%swap3A_473, %swap3A_474, %swap3A_475] {strides = array<i32>} : memref<5x160x128xf32, #tpu.memory_space<vmem>>, vector<1x1x16xf32>,
        %swap3A_477 = vector.shape_cast %swap3A_476 : vector<1x1x16xf32> to vector<16xf32>
        %swap3A_478 = vector.shape_cast %mul3A_471 : vector<16xf32> to vector<1x1x16xf32>
        tpu.vector_store %arg8[%swap3A_473, %swap3A_474, %swap3A_475], %swap3A_478 {strides = array<i32>} : memref<5x160x128xf32, #tpu.memory_space<vmem>>, vector<1x1x16xf32>,
        %get3A_479 = arith.constant 0 : i32
        %get3A_480 = arith.index_cast %get3A_479 : i32 to index
        %get3A_481 = arith.index_cast %scan3A_392 : i32 to index
        %get3A_482 = arith.constant 64 : index
        %get3A_483 = tpu.vector_load %arg8[%get3A_480, %get3A_481, %get3A_482] {strides = array<i32>} : memref<5x160x128xf32, #tpu.memory_space<vmem>>, vector<1x1x16xf32>,
        %get3A_484 = vector.shape_cast %get3A_483 : vector<1x1x16xf32> to vector<16xf32>
        %add3A_485 = arith.constant 80 : i32
        %add3A_486 = arith.addi %add3A_485, %scan3A_392 : i32
        %get3A_487 = arith.constant 0 : i32
        %get3A_488 = arith.index_cast %get3A_487 : i32 to index
        %get3A_489 = arith.index_cast %add3A_486 : i32 to index
        %get3A_490 = arith.constant 64 : index
        %get3A_491 = tpu.vector_load %arg8[%get3A_488, %get3A_489, %get3A_490] {strides = array<i32>} : memref<5x160x128xf32, #tpu.memory_space<vmem>>, vector<1x1x16xf32>,
        %get3A_492 = vector.shape_cast %get3A_491 : vector<1x1x16xf32> to vector<16xf32>
        %mul3A_493 = arith.mulf %get3A_484, %get3A_492 : vector<16xf32>
        %swap3A_494 = arith.constant 0 : i32
        %swap3A_495 = arith.index_cast %swap3A_494 : i32 to index
        %swap3A_496 = arith.index_cast %scan3A_392 : i32 to index
        %swap3A_497 = arith.constant 64 : index
        %swap3A_498 = tpu.vector_load %arg8[%swap3A_495, %swap3A_496, %swap3A_497] {strides = array<i32>} : memref<5x160x128xf32, #tpu.memory_space<vmem>>, vector<1x1x16xf32>,
        %swap3A_499 = vector.shape_cast %swap3A_498 : vector<1x1x16xf32> to vector<16xf32>
        %swap3A_500 = vector.shape_cast %mul3A_493 : vector<16xf32> to vector<1x1x16xf32>
        tpu.vector_store %arg8[%swap3A_495, %swap3A_496, %swap3A_497], %swap3A_500 {strides = array<i32>} : memref<5x160x128xf32, #tpu.memory_space<vmem>>, vector<1x1x16xf32>,
        %get3A_501 = arith.constant 0 : i32
        %get3A_502 = arith.index_cast %get3A_501 : i32 to index
        %get3A_503 = arith.index_cast %scan3A_392 : i32 to index
        %get3A_504 = arith.constant 80 : index
        %get3A_505 = tpu.vector_load %arg8[%get3A_502, %get3A_503, %get3A_504] {strides = array<i32>} : memref<5x160x128xf32, #tpu.memory_space<vmem>>, vector<1x1x16xf32>,
        %get3A_506 = vector.shape_cast %get3A_505 : vector<1x1x16xf32> to vector<16xf32>
        %add3A_507 = arith.constant 80 : i32
        %add3A_508 = arith.addi %add3A_507, %scan3A_392 : i32
        %get3A_509 = arith.constant 0 : i32
        %get3A_510 = arith.index_cast %get3A_509 : i32 to index
        %get3A_511 = arith.index_cast %add3A_508 : i32 to index
        %get3A_512 = arith.constant 80 : index
        %get3A_513 = tpu.vector_load %arg8[%get3A_510, %get3A_511, %get3A_512] {strides = array<i32>} : memref<5x160x128xf32, #tpu.memory_space<vmem>>, vector<1x1x16xf32>,
        %get3A_514 = vector.shape_cast %get3A_513 : vector<1x1x16xf32> to vector<16xf32>
        %mul3A_515 = arith.mulf %get3A_506, %get3A_514 : vector<16xf32>
        %swap3A_516 = arith.constant 0 : i32
        %swap3A_517 = arith.index_cast %swap3A_516 : i32 to index
        %swap3A_518 = arith.index_cast %scan3A_392 : i32 to index
        %swap3A_519 = arith.constant 80 : index
        %swap3A_520 = tpu.vector_load %arg8[%swap3A_517, %swap3A_518, %swap3A_519] {strides = array<i32>} : memref<5x160x128xf32, #tpu.memory_space<vmem>>, vector<1x1x16xf32>,
        %swap3A_521 = vector.shape_cast %swap3A_520 : vector<1x1x16xf32> to vector<16xf32>
        %swap3A_522 = vector.shape_cast %mul3A_515 : vector<16xf32> to vector<1x1x16xf32>
        tpu.vector_store %arg8[%swap3A_517, %swap3A_518, %swap3A_519], %swap3A_522 {strides = array<i32>} : memref<5x160x128xf32, #tpu.memory_space<vmem>>, vector<1x1x16xf32>,
        %get3A_523 = arith.constant 0 : i32
        %get3A_524 = arith.index_cast %get3A_523 : i32 to index
        %get3A_525 = arith.index_cast %scan3A_392 : i32 to index
        %get3A_526 = arith.constant 96 : index
        %get3A_527 = tpu.vector_load %arg8[%get3A_524, %get3A_525, %get3A_526] {strides = array<i32>} : memref<5x160x128xf32, #tpu.memory_space<vmem>>, vector<1x1x16xf32>,
        %get3A_528 = vector.shape_cast %get3A_527 : vector<1x1x16xf32> to vector<16xf32>
        %add3A_529 = arith.constant 80 : i32
        %add3A_530 = arith.addi %add3A_529, %scan3A_392 : i32
        %get3A_531 = arith.constant 0 : i32
        %get3A_532 = arith.index_cast %get3A_531 : i32 to index
        %get3A_533 = arith.index_cast %add3A_530 : i32 to index
        %get3A_534 = arith.constant 96 : index
        %get3A_535 = tpu.vector_load %arg8[%get3A_532, %get3A_533, %get3A_534] {strides = array<i32>} : memref<5x160x128xf32, #tpu.memory_space<vmem>>, vector<1x1x16xf32>,
        %get3A_536 = vector.shape_cast %get3A_535 : vector<1x1x16xf32> to vector<16xf32>
        %mul3A_537 = arith.mulf %get3A_528, %get3A_536 : vector<16xf32>
        %swap3A_538 = arith.constant 0 : i32
        %swap3A_539 = arith.index_cast %swap3A_538 : i32 to index
        %swap3A_540 = arith.index_cast %scan3A_392 : i32 to index
        %swap3A_541 = arith.constant 96 : index
        %swap3A_542 = tpu.vector_load %arg8[%swap3A_539, %swap3A_540, %swap3A_541] {strides = array<i32>} : memref<5x160x128xf32, #tpu.memory_space<vmem>>, vector<1x1x16xf32>,
        %swap3A_543 = vector.shape_cast %swap3A_542 : vector<1x1x16xf32> to vector<16xf32>
        %swap3A_544 = vector.shape_cast %mul3A_537 : vector<16xf32> to vector<1x1x16xf32>
        tpu.vector_store %arg8[%swap3A_539, %swap3A_540, %swap3A_541], %swap3A_544 {strides = array<i32>} : memref<5x160x128xf32, #tpu.memory_space<vmem>>, vector<1x1x16xf32>,
        %get3A_545 = arith.constant 0 : i32
        %get3A_546 = arith.index_cast %get3A_545 : i32 to index
        %get3A_547 = arith.index_cast %scan3A_392 : i32 to index
        %get3A_548 = arith.constant 112 : index
        %get3A_549 = tpu.vector_load %arg8[%get3A_546, %get3A_547, %get3A_548] {strides = array<i32>} : memref<5x160x128xf32, #tpu.memory_space<vmem>>, vector<1x1x16xf32>,
        %get3A_550 = vector.shape_cast %get3A_549 : vector<1x1x16xf32> to vector<16xf32>
        %add3A_551 = arith.constant 80 : i32
        %add3A_552 = arith.addi %add3A_551, %scan3A_392 : i32
        %get3A_553 = arith.constant 0 : i32
        %get3A_554 = arith.index_cast %get3A_553 : i32 to index
        %get3A_555 = arith.index_cast %add3A_552 : i32 to index
        %get3A_556 = arith.constant 112 : index
        %get3A_557 = tpu.vector_load %arg8[%get3A_554, %get3A_555, %get3A_556] {strides = array<i32>} : memref<5x160x128xf32, #tpu.memory_space<vmem>>, vector<1x1x16xf32>,
        %get3A_558 = vector.shape_cast %get3A_557 : vector<1x1x16xf32> to vector<16xf32>
        %mul3A_559 = arith.mulf %get3A_550, %get3A_558 : vector<16xf32>
        %swap3A_560 = arith.constant 0 : i32
        %swap3A_561 = arith.index_cast %swap3A_560 : i32 to index
        %swap3A_562 = arith.index_cast %scan3A_392 : i32 to index
        %swap3A_563 = arith.constant 112 : index
        %swap3A_564 = tpu.vector_load %arg8[%swap3A_561, %swap3A_562, %swap3A_563] {strides = array<i32>} : memref<5x160x128xf32, #tpu.memory_space<vmem>>, vector<1x1x16xf32>,
        %swap3A_565 = vector.shape_cast %swap3A_564 : vector<1x1x16xf32> to vector<16xf32>
        %swap3A_566 = vector.shape_cast %mul3A_559 : vector<16xf32> to vector<1x1x16xf32>
        tpu.vector_store %arg8[%swap3A_561, %swap3A_562, %swap3A_563], %swap3A_566 {strides = array<i32>} : memref<5x160x128xf32, #tpu.memory_space<vmem>>, vector<1x1x16xf32>,
        %scan3A_567 = arith.constant 1 : i32
        %scan3A_568 = arith.addi %scan3A_392, %scan3A_567 : i32
        %get3A_569 = arith.constant 0 : i32
        %get3A_570 = arith.index_cast %get3A_569 : i32 to index
        %get3A_571 = arith.index_cast %scan3A_568 : i32 to index
        %get3A_572 = arith.constant 0 : index
        %get3A_573 = tpu.vector_load %arg8[%get3A_570, %get3A_571, %get3A_572] {strides = array<i32>} : memref<5x160x128xf32, #tpu.memory_space<vmem>>, vector<1x1x16xf32>,
        %get3A_574 = vector.shape_cast %get3A_573 : vector<1x1x16xf32> to vector<16xf32>
        %add3A_575 = arith.constant 80 : i32
        %add3A_576 = arith.addi %add3A_575, %scan3A_568 : i32
        %get3A_577 = arith.constant 0 : i32
        %get3A_578 = arith.index_cast %get3A_577 : i32 to index
        %get3A_579 = arith.index_cast %add3A_576 : i32 to index
        %get3A_580 = arith.constant 0 : index
        %get3A_581 = tpu.vector_load %arg8[%get3A_578, %get3A_579, %get3A_580] {strides = array<i32>} : memref<5x160x128xf32, #tpu.memory_space<vmem>>, vector<1x1x16xf32>,
        %get3A_582 = vector.shape_cast %get3A_581 : vector<1x1x16xf32> to vector<16xf32>
        %mul3A_583 = arith.mulf %get3A_574, %get3A_582 : vector<16xf32>
        %swap3A_584 = arith.constant 0 : i32
        %swap3A_585 = arith.index_cast %swap3A_584 : i32 to index
        %swap3A_586 = arith.index_cast %scan3A_568 : i32 to index
        %swap3A_587 = arith.constant 0 : index
        %swap3A_588 = tpu.vector_load %arg8[%swap3A_585, %swap3A_586, %swap3A_587] {strides = array<i32>} : memref<5x160x128xf32, #tpu.memory_space<vmem>>, vector<1x1x16xf32>,
        %swap3A_589 = vector.shape_cast %swap3A_588 : vector<1x1x16xf32> to vector<16xf32>
        %swap3A_590 = vector.shape_cast %mul3A_583 : vector<16xf32> to vector<1x1x16xf32>
        tpu.vector_store %arg8[%swap3A_585, %swap3A_586, %swap3A_587], %swap3A_590 {strides = array<i32>} : memref<5x160x128xf32, #tpu.memory_space<vmem>>, vector<1x1x16xf32>,
        %get3A_591 = arith.constant 0 : i32
        %get3A_592 = arith.index_cast %get3A_591 : i32 to index
        %get3A_593 = arith.index_cast %scan3A_568 : i32 to index
        %get3A_594 = arith.constant 16 : index
        %get3A_595 = tpu.vector_load %arg8[%get3A_592, %get3A_593, %get3A_594] {strides = array<i32>} : memref<5x160x128xf32, #tpu.memory_space<vmem>>, vector<1x1x16xf32>,
        %get3A_596 = vector.shape_cast %get3A_595 : vector<1x1x16xf32> to vector<16xf32>
        %add3A_597 = arith.constant 80 : i32
        %add3A_598 = arith.addi %add3A_597, %scan3A_568 : i32
        %get3A_599 = arith.constant 0 : i32
        %get3A_600 = arith.index_cast %get3A_599 : i32 to index
        %get3A_601 = arith.index_cast %add3A_598 : i32 to index
        %get3A_602 = arith.constant 16 : index
        %get3A_603 = tpu.vector_load %arg8[%get3A_600, %get3A_601, %get3A_602] {strides = array<i32>} : memref<5x160x128xf32, #tpu.memory_space<vmem>>, vector<1x1x16xf32>,
        %get3A_604 = vector.shape_cast %get3A_603 : vector<1x1x16xf32> to vector<16xf32>
        %mul3A_605 = arith.mulf %get3A_596, %get3A_604 : vector<16xf32>
        %swap3A_606 = arith.constant 0 : i32
        %swap3A_607 = arith.index_cast %swap3A_606 : i32 to index
        %swap3A_608 = arith.index_cast %scan3A_568 : i32 to index
        %swap3A_609 = arith.constant 16 : index
        %swap3A_610 = tpu.vector_load %arg8[%swap3A_607, %swap3A_608, %swap3A_609] {strides = array<i32>} : memref<5x160x128xf32, #tpu.memory_space<vmem>>, vector<1x1x16xf32>,
        %swap3A_611 = vector.shape_cast %swap3A_610 : vector<1x1x16xf32> to vector<16xf32>
        %swap3A_612 = vector.shape_cast %mul3A_605 : vector<16xf32> to vector<1x1x16xf32>
        tpu.vector_store %arg8[%swap3A_607, %swap3A_608, %swap3A_609], %swap3A_612 {strides = array<i32>} : memref<5x160x128xf32, #tpu.memory_space<vmem>>, vector<1x1x16xf32>,
        %get3A_613 = arith.constant 0 : i32
        %get3A_614 = arith.index_cast %get3A_613 : i32 to index
        %get3A_615 = arith.index_cast %scan3A_568 : i32 to index
        %get3A_616 = arith.constant 32 : index
        %get3A_617 = tpu.vector_load %arg8[%get3A_614, %get3A_615, %get3A_616] {strides = array<i32>} : memref<5x160x128xf32, #tpu.memory_space<vmem>>, vector<1x1x16xf32>,
        %get3A_618 = vector.shape_cast %get3A_617 : vector<1x1x16xf32> to vector<16xf32>
        %add3A_619 = arith.constant 80 : i32
        %add3A_620 = arith.addi %add3A_619, %scan3A_568 : i32
        %get3A_621 = arith.constant 0 : i32
        %get3A_622 = arith.index_cast %get3A_621 : i32 to index
        %get3A_623 = arith.index_cast %add3A_620 : i32 to index
        %get3A_624 = arith.constant 32 : index
        %get3A_625 = tpu.vector_load %arg8[%get3A_622, %get3A_623, %get3A_624] {strides = array<i32>} : memref<5x160x128xf32, #tpu.memory_space<vmem>>, vector<1x1x16xf32>,
        %get3A_626 = vector.shape_cast %get3A_625 : vector<1x1x16xf32> to vector<16xf32>
        %mul3A_627 = arith.mulf %get3A_618, %get3A_626 : vector<16xf32>
        %swap3A_628 = arith.constant 0 : i32
        %swap3A_629 = arith.index_cast %swap3A_628 : i32 to index
        %swap3A_630 = arith.index_cast %scan3A_568 : i32 to index
        %swap3A_631 = arith.constant 32 : index
        %swap3A_632 = tpu.vector_load %arg8[%swap3A_629, %swap3A_630, %swap3A_631] {strides = array<i32>} : memref<5x160x128xf32, #tpu.memory_space<vmem>>, vector<1x1x16xf32>,
        %swap3A_633 = vector.shape_cast %swap3A_632 : vector<1x1x16xf32> to vector<16xf32>
        %swap3A_634 = vector.shape_cast %mul3A_627 : vector<16xf32> to vector<1x1x16xf32>
        tpu.vector_store %arg8[%swap3A_629, %swap3A_630, %swap3A_631], %swap3A_634 {strides = array<i32>} : memref<5x160x128xf32, #tpu.memory_space<vmem>>, vector<1x1x16xf32>,
        %get3A_635 = arith.constant 0 : i32
        %get3A_636 = arith.index_cast %get3A_635 : i32 to index
        %get3A_637 = arith.index_cast %scan3A_568 : i32 to index
        %get3A_638 = arith.constant 48 : index
        %get3A_639 = tpu.vector_load %arg8[%get3A_636, %get3A_637, %get3A_638] {strides = array<i32>} : memref<5x160x128xf32, #tpu.memory_space<vmem>>, vector<1x1x16xf32>,
        %get3A_640 = vector.shape_cast %get3A_639 : vector<1x1x16xf32> to vector<16xf32>
        %add3A_641 = arith.constant 80 : i32
        %add3A_642 = arith.addi %add3A_641, %scan3A_568 : i32
        %get3A_643 = arith.constant 0 : i32
        %get3A_644 = arith.index_cast %get3A_643 : i32 to index
        %get3A_645 = arith.index_cast %add3A_642 : i32 to index
        %get3A_646 = arith.constant 48 : index
        %get3A_647 = tpu.vector_load %arg8[%get3A_644, %get3A_645, %get3A_646] {strides = array<i32>} : memref<5x160x128xf32, #tpu.memory_space<vmem>>, vector<1x1x16xf32>,
        %get3A_648 = vector.shape_cast %get3A_647 : vector<1x1x16xf32> to vector<16xf32>
        %mul3A_649 = arith.mulf %get3A_640, %get3A_648 : vector<16xf32>
        %swap3A_650 = arith.constant 0 : i32
        %swap3A_651 = arith.index_cast %swap3A_650 : i32 to index
        %swap3A_652 = arith.index_cast %scan3A_568 : i32 to index
        %swap3A_653 = arith.constant 48 : index
        %swap3A_654 = tpu.vector_load %arg8[%swap3A_651, %swap3A_652, %swap3A_653] {strides = array<i32>} : memref<5x160x128xf32, #tpu.memory_space<vmem>>, vector<1x1x16xf32>,
        %swap3A_655 = vector.shape_cast %swap3A_654 : vector<1x1x16xf32> to vector<16xf32>
        %swap3A_656 = vector.shape_cast %mul3A_649 : vector<16xf32> to vector<1x1x16xf32>
        tpu.vector_store %arg8[%swap3A_651, %swap3A_652, %swap3A_653], %swap3A_656 {strides = array<i32>} : memref<5x160x128xf32, #tpu.memory_space<vmem>>, vector<1x1x16xf32>,
        %get3A_657 = arith.constant 0 : i32
        %get3A_658 = arith.index_cast %get3A_657 : i32 to index
        %get3A_659 = arith.index_cast %scan3A_568 : i32 to index
        %get3A_660 = arith.constant 64 : index
        %get3A_661 = tpu.vector_load %arg8[%get3A_658, %get3A_659, %get3A_660] {strides = array<i32>} : memref<5x160x128xf32, #tpu.memory_space<vmem>>, vector<1x1x16xf32>,
        %get3A_662 = vector.shape_cast %get3A_661 : vector<1x1x16xf32> to vector<16xf32>
        %add3A_663 = arith.constant 80 : i32
        %add3A_664 = arith.addi %add3A_663, %scan3A_568 : i32
        %get3A_665 = arith.constant 0 : i32
        %get3A_666 = arith.index_cast %get3A_665 : i32 to index
        %get3A_667 = arith.index_cast %add3A_664 : i32 to index
        %get3A_668 = arith.constant 64 : index
        %get3A_669 = tpu.vector_load %arg8[%get3A_666, %get3A_667, %get3A_668] {strides = array<i32>} : memref<5x160x128xf32, #tpu.memory_space<vmem>>, vector<1x1x16xf32>,
        %get3A_670 = vector.shape_cast %get3A_669 : vector<1x1x16xf32> to vector<16xf32>
        %mul3A_671 = arith.mulf %get3A_662, %get3A_670 : vector<16xf32>
        %swap3A_672 = arith.constant 0 : i32
        %swap3A_673 = arith.index_cast %swap3A_672 : i32 to index
        %swap3A_674 = arith.index_cast %scan3A_568 : i32 to index
        %swap3A_675 = arith.constant 64 : index
        %swap3A_676 = tpu.vector_load %arg8[%swap3A_673, %swap3A_674, %swap3A_675] {strides = array<i32>} : memref<5x160x128xf32, #tpu.memory_space<vmem>>, vector<1x1x16xf32>,
        %swap3A_677 = vector.shape_cast %swap3A_676 : vector<1x1x16xf32> to vector<16xf32>
        %swap3A_678 = vector.shape_cast %mul3A_671 : vector<16xf32> to vector<1x1x16xf32>
        tpu.vector_store %arg8[%swap3A_673, %swap3A_674, %swap3A_675], %swap3A_678 {strides = array<i32>} : memref<5x160x128xf32, #tpu.memory_space<vmem>>, vector<1x1x16xf32>,
        %get3A_679 = arith.constant 0 : i32
        %get3A_680 = arith.index_cast %get3A_679 : i32 to index
        %get3A_681 = arith.index_cast %scan3A_568 : i32 to index
        %get3A_682 = arith.constant 80 : index
        %get3A_683 = tpu.vector_load %arg8[%get3A_680, %get3A_681, %get3A_682] {strides = array<i32>} : memref<5x160x128xf32, #tpu.memory_space<vmem>>, vector<1x1x16xf32>,
        %get3A_684 = vector.shape_cast %get3A_683 : vector<1x1x16xf32> to vector<16xf32>
        %add3A_685 = arith.constant 80 : i32
        %add3A_686 = arith.addi %add3A_685, %scan3A_568 : i32
        %get3A_687 = arith.constant 0 : i32
        %get3A_688 = arith.index_cast %get3A_687 : i32 to index
        %get3A_689 = arith.index_cast %add3A_686 : i32 to index
        %get3A_690 = arith.constant 80 : index
        %get3A_691 = tpu.vector_load %arg8[%get3A_688, %get3A_689, %get3A_690] {strides = array<i32>} : memref<5x160x128xf32, #tpu.memory_space<vmem>>, vector<1x1x16xf32>,
        %get3A_692 = vector.shape_cast %get3A_691 : vector<1x1x16xf32> to vector<16xf32>
        %mul3A_693 = arith.mulf %get3A_684, %get3A_692 : vector<16xf32>
        %swap3A_694 = arith.constant 0 : i32
        %swap3A_695 = arith.index_cast %swap3A_694 : i32 to index
        %swap3A_696 = arith.index_cast %scan3A_568 : i32 to index
        %swap3A_697 = arith.constant 80 : index
        %swap3A_698 = tpu.vector_load %arg8[%swap3A_695, %swap3A_696, %swap3A_697] {strides = array<i32>} : memref<5x160x128xf32, #tpu.memory_space<vmem>>, vector<1x1x16xf32>,
        %swap3A_699 = vector.shape_cast %swap3A_698 : vector<1x1x16xf32> to vector<16xf32>
        %swap3A_700 = vector.shape_cast %mul3A_693 : vector<16xf32> to vector<1x1x16xf32>
        tpu.vector_store %arg8[%swap3A_695, %swap3A_696, %swap3A_697], %swap3A_700 {strides = array<i32>} : memref<5x160x128xf32, #tpu.memory_space<vmem>>, vector<1x1x16xf32>,
        %get3A_701 = arith.constant 0 : i32
        %get3A_702 = arith.index_cast %get3A_701 : i32 to index
        %get3A_703 = arith.index_cast %scan3A_568 : i32 to index
        %get3A_704 = arith.constant 96 : index
        %get3A_705 = tpu.vector_load %arg8[%get3A_702, %get3A_703, %get3A_704] {strides = array<i32>} : memref<5x160x128xf32, #tpu.memory_space<vmem>>, vector<1x1x16xf32>,
        %get3A_706 = vector.shape_cast %get3A_705 : vector<1x1x16xf32> to vector<16xf32>
        %add3A_707 = arith.constant 80 : i32
        %add3A_708 = arith.addi %add3A_707, %scan3A_568 : i32
        %get3A_709 = arith.constant 0 : i32
        %get3A_710 = arith.index_cast %get3A_709 : i32 to index
        %get3A_711 = arith.index_cast %add3A_708 : i32 to index
        %get3A_712 = arith.constant 96 : index
        %get3A_713 = tpu.vector_load %arg8[%get3A_710, %get3A_711, %get3A_712] {strides = array<i32>} : memref<5x160x128xf32, #tpu.memory_space<vmem>>, vector<1x1x16xf32>,
        %get3A_714 = vector.shape_cast %get3A_713 : vector<1x1x16xf32> to vector<16xf32>
        %mul3A_715 = arith.mulf %get3A_706, %get3A_714 : vector<16xf32>
        %swap3A_716 = arith.constant 0 : i32
        %swap3A_717 = arith.index_cast %swap3A_716 : i32 to index
        %swap3A_718 = arith.index_cast %scan3A_568 : i32 to index
        %swap3A_719 = arith.constant 96 : index
        %swap3A_720 = tpu.vector_load %arg8[%swap3A_717, %swap3A_718, %swap3A_719] {strides = array<i32>} : memref<5x160x128xf32, #tpu.memory_space<vmem>>, vector<1x1x16xf32>,
        %swap3A_721 = vector.shape_cast %swap3A_720 : vector<1x1x16xf32> to vector<16xf32>
        %swap3A_722 = vector.shape_cast %mul3A_715 : vector<16xf32> to vector<1x1x16xf32>
        tpu.vector_store %arg8[%swap3A_717, %swap3A_718, %swap3A_719], %swap3A_722 {strides = array<i32>} : memref<5x160x128xf32, #tpu.memory_space<vmem>>, vector<1x1x16xf32>,
        %get3A_723 = arith.constant 0 : i32
        %get3A_724 = arith.index_cast %get3A_723 : i32 to index
        %get3A_725 = arith.index_cast %scan3A_568 : i32 to index
        %get3A_726 = arith.constant 112 : index
        %get3A_727 = tpu.vector_load %arg8[%get3A_724, %get3A_725, %get3A_726] {strides = array<i32>} : memref<5x160x128xf32, #tpu.memory_space<vmem>>, vector<1x1x16xf32>,
        %get3A_728 = vector.shape_cast %get3A_727 : vector<1x1x16xf32> to vector<16xf32>
        %add3A_729 = arith.constant 80 : i32
        %add3A_730 = arith.addi %add3A_729, %scan3A_568 : i32
        %get3A_731 = arith.constant 0 : i32
        %get3A_732 = arith.index_cast %get3A_731 : i32 to index
        %get3A_733 = arith.index_cast %add3A_730 : i32 to index
        %get3A_734 = arith.constant 112 : index
        %get3A_735 = tpu.vector_load %arg8[%get3A_732, %get3A_733, %get3A_734] {strides = array<i32>} : memref<5x160x128xf32, #tpu.memory_space<vmem>>, vector<1x1x16xf32>,
        %get3A_736 = vector.shape_cast %get3A_735 : vector<1x1x16xf32> to vector<16xf32>
        %mul3A_737 = arith.mulf %get3A_728, %get3A_736 : vector<16xf32>
        %swap3A_738 = arith.constant 0 : i32
        %swap3A_739 = arith.index_cast %swap3A_738 : i32 to index
        %swap3A_740 = arith.index_cast %scan3A_568 : i32 to index
        %swap3A_741 = arith.constant 112 : index
        %swap3A_742 = tpu.vector_load %arg8[%swap3A_739, %swap3A_740, %swap3A_741] {strides = array<i32>} : memref<5x160x128xf32, #tpu.memory_space<vmem>>, vector<1x1x16xf32>,
        %swap3A_743 = vector.shape_cast %swap3A_742 : vector<1x1x16xf32> to vector<16xf32>
        %swap3A_744 = vector.shape_cast %mul3A_737 : vector<16xf32> to vector<1x1x16xf32>
        tpu.vector_store %arg8[%swap3A_739, %swap3A_740, %swap3A_741], %swap3A_744 {strides = array<i32>} : memref<5x160x128xf32, #tpu.memory_space<vmem>>, vector<1x1x16xf32>,
      }
      %scan3A_177 = arith.constant 80 : i32
      %mul3A_178 = arith.constant 80 : i32
      %mul3A_179 = arith.muli %add3A_151, %mul3A_178 : i32
      %add3A_180 = arith.addi %mul3A_2, %mul3A_179 : i32
      %dma_start3A_181 = arith.constant 0 : i32
      %dma_start3A_182 = arith.constant 0 : i32
      %dma_start3A_183 = arith.constant 0 : i32
      %dma_start3A_184 = tpu.memref_slice %arg8[%dma_start3A_181, %dma_start3A_182, %dma_start3A_183] : memref<5x160x128xf32, #tpu.memory_space<vmem>> -> memref<1x80x128xf32, #tpu.memory_space<vmem>>
      %dma_start3A_185 = tpu.memref_squeeze %dma_start3A_184 : memref<1x80x128xf32, #tpu.memory_space<vmem>> -> memref<80x128xf32, #tpu.memory_space<vmem>>
      %dma_start3A_186 = arith.constant 0 : i32
      %dma_start3A_187 = tpu.memref_slice %arg5[%add3A_180, %dma_start3A_186] : memref<320000x128xf32, #tpu.memory_space<hbm>> -> memref<80x128xf32, #tpu.memory_space<hbm>>
      %dma_start3A_188 = arith.constant 0 : i32
      %dma_start3A_189 = tpu.memref_slice %arg5[%add3A_180, %dma_start3A_188] : memref<320000x128xf32, #tpu.memory_space<hbm>> -> memref<80x128xf32, #tpu.memory_space<hbm>>
      %dma_start3A_190 = arith.constant 0 : i32
      %dma_start3A_191 = arith.constant 0 : i32
      %dma_start3A_192 = tpu.memref_slice %arg8[%dma_start3A_181, %dma_start3A_190, %dma_start3A_191] : memref<5x160x128xf32, #tpu.memory_space<vmem>> -> memref<1x80x128xf32, #tpu.memory_space<vmem>>
      %dma_start3A_193 = tpu.memref_squeeze %dma_start3A_192 : memref<1x80x128xf32, #tpu.memory_space<vmem>> -> memref<80x128xf32, #tpu.memory_space<vmem>>
      tpu.enqueue_dma source(%dma_start3A_193 : memref<80x128xf32, #tpu.memory_space<vmem>>) target(%dma_start3A_189 : memref<80x128xf32, #tpu.memory_space<hbm>>) target_semaphore(%arg14 : memref<!tpu.dma_semaphore, #tpu.memory_space<semaphore_mem>>)
      %lt3A = arith.constant 122 : i32
      %lt3A_194 = arith.cmpi slt, %add3A_151, %lt3A : i32
      %convert_element_type3A = arith.extui %lt3A_194 : i1 to i32
      %cond3A = arith.constant 0 : i32
      %cond3A_195 = arith.cmpi ne, %convert_element_type3A, %cond3A : i32
      scf.if %cond3A_195 {
        %ge3A = arith.constant 2 : i32
        %ge3A_392 = arith.cmpi sge, %add3A_151, %ge3A : i32
        %convert_element_type3A_393 = arith.extui %ge3A_392 : i1 to i32
        %cond3A_394 = arith.constant 0 : i32
        %cond3A_395 = arith.cmpi ne, %convert_element_type3A_393, %cond3A_394 : i32
        scf.if %cond3A_395 {
          %add3A_418 = arith.constant 3 : i32
          %add3A_419 = arith.addi %add3A_151, %add3A_418 : i32
          %sub3A = arith.constant 5 : i32
          %sub3A_420 = arith.subi %add3A_419, %sub3A : i32
          %mul3A_421 = arith.constant 80 : i32
          %mul3A_422 = arith.muli %sub3A_420, %mul3A_421 : i32
          %add3A_423 = arith.addi %mul3A_2, %mul3A_422 : i32
          %dma_wait3A_424 = arith.constant 3 : i32
          %dma_wait3A_425 = arith.constant 0 : i32
          %dma_wait3A_426 = arith.constant 0 : i32
          %dma_wait3A_427 = tpu.memref_slice %arg8[%dma_wait3A_424, %dma_wait3A_425, %dma_wait3A_426] : memref<5x160x128xf32, #tpu.memory_space<vmem>> -> memref<1x80x128xf32, #tpu.memory_space<vmem>>
          %dma_wait3A_428 = tpu.memref_squeeze %dma_wait3A_427 : memref<1x80x128xf32, #tpu.memory_space<vmem>> -> memref<80x128xf32, #tpu.memory_space<vmem>>
          %dma_wait3A_429 = arith.constant 0 : i32
          %dma_wait3A_430 = tpu.memref_slice %arg5[%add3A_423, %dma_wait3A_429] : memref<320000x128xf32, #tpu.memory_space<hbm>> -> memref<80x128xf32, #tpu.memory_space<hbm>>
          %dma_wait3A_431 = arith.constant 0 : i32
          %dma_wait3A_432 = tpu.memref_slice %arg5[%add3A_423, %dma_wait3A_431] : memref<320000x128xf32, #tpu.memory_space<hbm>> -> memref<80x128xf32, #tpu.memory_space<hbm>>
          %dma_wait3A_433 = arith.constant 0 : i32
          %dma_wait3A_434 = arith.constant 0 : i32
          %dma_wait3A_435 = tpu.memref_slice %arg8[%dma_wait3A_424, %dma_wait3A_433, %dma_wait3A_434] : memref<5x160x128xf32, #tpu.memory_space<vmem>> -> memref<1x80x128xf32, #tpu.memory_space<vmem>>
          %dma_wait3A_436 = tpu.memref_squeeze %dma_wait3A_435 : memref<1x80x128xf32, #tpu.memory_space<vmem>> -> memref<80x128xf32, #tpu.memory_space<vmem>>
          tpu.wait_dma2 semaphore(%arg17 : memref<!tpu.dma_semaphore, #tpu.memory_space<semaphore_mem>>) src(%dma_wait3A_436 : memref<80x128xf32, #tpu.memory_space<vmem>>) dst(%dma_wait3A_432 : memref<80x128xf32, #tpu.memory_space<hbm>>)
        } else {
        }
        %add3A_396 = arith.constant 3 : i32
        %add3A_397 = arith.addi %add3A_151, %add3A_396 : i32
        %mul3A_398 = arith.constant 80 : i32
        %mul3A_399 = arith.muli %add3A_397, %mul3A_398 : i32
        %dma_start3A_400 = arith.constant 3 : i32
        %dma_start3A_401 = arith.constant 0 : i32
        %dma_start3A_402 = arith.constant 0 : i32
        %dma_start3A_403 = tpu.memref_slice %arg8[%dma_start3A_400, %dma_start3A_401, %dma_start3A_402] : memref<5x160x128xf32, #tpu.memory_space<vmem>> -> memref<1x80x128xf32, #tpu.memory_space<vmem>>
        %dma_start3A_404 = tpu.memref_squeeze %dma_start3A_403 : memref<1x80x128xf32, #tpu.memory_space<vmem>> -> memref<80x128xf32, #tpu.memory_space<vmem>>
        %dma_start3A_405 = tpu.memref_slice %arg6[%mul3A_399] : memref<10000xi32, #tpu.memory_space<vmem>> -> memref<80xi32, #tpu.memory_space<vmem>>
        %dma_start3A_406 = arith.constant 0 : i32
        %dma_start3A_407 = arith.constant 0 : i32
        %dma_start3A_408 = tpu.memref_slice %arg2[%dma_start3A_406, %dma_start3A_407] : memref<10000x128xf32, #tpu.memory_space<hbm>> -> memref<10000x128xf32, #tpu.memory_space<hbm>>
        tpu.enqueue_indirect_dma source(%dma_start3A_408 : memref<10000x128xf32, #tpu.memory_space<hbm>>) target(%dma_start3A_404 : memref<80x128xf32, #tpu.memory_space<vmem>>) offsets(%dma_start3A_405 : memref<80xi32, #tpu.memory_space<vmem>>) semaphore(%arg12 : memref<!tpu.dma_semaphore, #tpu.memory_space<semaphore_mem>>)
        %dma_start3A_409 = arith.constant 3 : i32
        %dma_start3A_410 = arith.constant 80 : i32
        %dma_start3A_411 = arith.constant 0 : i32
        %dma_start3A_412 = tpu.memref_slice %arg8[%dma_start3A_409, %dma_start3A_410, %dma_start3A_411] : memref<5x160x128xf32, #tpu.memory_space<vmem>> -> memref<1x80x128xf32, #tpu.memory_space<vmem>>
        %dma_start3A_413 = tpu.memref_squeeze %dma_start3A_412 : memref<1x80x128xf32, #tpu.memory_space<vmem>> -> memref<80x128xf32, #tpu.memory_space<vmem>>
        %dma_start3A_414 = tpu.memref_slice %arg7[%mul3A_399] : memref<10000xi32, #tpu.memory_space<vmem>> -> memref<80xi32, #tpu.memory_space<vmem>>
        %dma_start3A_415 = arith.constant 0 : i32
        %dma_start3A_416 = arith.constant 0 : i32
        %dma_start3A_417 = tpu.memref_slice %arg3[%dma_start3A_415, %dma_start3A_416] : memref<10000x128xf32, #tpu.memory_space<hbm>> -> memref<10000x128xf32, #tpu.memory_space<hbm>>
        tpu.enqueue_indirect_dma source(%dma_start3A_417 : memref<10000x128xf32, #tpu.memory_space<hbm>>) target(%dma_start3A_413 : memref<80x128xf32, #tpu.memory_space<vmem>>) offsets(%dma_start3A_414 : memref<80xi32, #tpu.memory_space<vmem>>) semaphore(%arg12 : memref<!tpu.dma_semaphore, #tpu.memory_space<semaphore_mem>>)
      } else {
      }
      %add3A_196 = arith.constant 1 : i32
      %add3A_197 = arith.addi %mul3A_149, %add3A_196 : i32
      %mul3A_198 = arith.constant 80 : i32
      %mul3A_199 = arith.muli %add3A_197, %mul3A_198 : i32
      %dma_wait3A_200 = arith.constant 1 : i32
      %dma_wait3A_201 = arith.constant 0 : i32
      %dma_wait3A_202 = arith.constant 0 : i32
      %dma_wait3A_203 = tpu.memref_slice %arg8[%dma_wait3A_200, %dma_wait3A_201, %dma_wait3A_202] : memref<5x160x128xf32, #tpu.memory_space<vmem>> -> memref<1x80x128xf32, #tpu.memory_space<vmem>>
      %dma_wait3A_204 = tpu.memref_squeeze %dma_wait3A_203 : memref<1x80x128xf32, #tpu.memory_space<vmem>> -> memref<80x128xf32, #tpu.memory_space<vmem>>
      %dma_wait3A_205 = tpu.memref_slice %arg6[%mul3A_199] : memref<10000xi32, #tpu.memory_space<vmem>> -> memref<80xi32, #tpu.memory_space<vmem>>
      %dma_wait3A_206 = arith.constant 0 : i32
      %dma_wait3A_207 = arith.constant 0 : i32
      %dma_wait3A_208 = tpu.memref_slice %arg2[%dma_wait3A_206, %dma_wait3A_207] : memref<10000x128xf32, #tpu.memory_space<hbm>> -> memref<10000x128xf32, #tpu.memory_space<hbm>>
      tpu.wait_indirect_dma semaphore(%arg10 : memref<!tpu.dma_semaphore, #tpu.memory_space<semaphore_mem>>) src(%dma_wait3A_208 : memref<10000x128xf32, #tpu.memory_space<hbm>>) dst(%dma_wait3A_204 : memref<80x128xf32, #tpu.memory_space<vmem>>)
      %dma_wait3A_209 = arith.constant 1 : i32
      %dma_wait3A_210 = arith.constant 80 : i32
      %dma_wait3A_211 = arith.constant 0 : i32
      %dma_wait3A_212 = tpu.memref_slice %arg8[%dma_wait3A_209, %dma_wait3A_210, %dma_wait3A_211] : memref<5x160x128xf32, #tpu.memory_space<vmem>> -> memref<1x80x128xf32, #tpu.memory_space<vmem>>
      %dma_wait3A_213 = tpu.memref_squeeze %dma_wait3A_212 : memref<1x80x128xf32, #tpu.memory_space<vmem>> -> memref<80x128xf32, #tpu.memory_space<vmem>>
      %dma_wait3A_214 = tpu.memref_slice %arg7[%mul3A_199] : memref<10000xi32, #tpu.memory_space<vmem>> -> memref<80xi32, #tpu.memory_space<vmem>>
      %dma_wait3A_215 = arith.constant 0 : i32
      %dma_wait3A_216 = arith.constant 0 : i32
      %dma_wait3A_217 = tpu.memref_slice %arg3[%dma_wait3A_215, %dma_wait3A_216] : memref<10000x128xf32, #tpu.memory_space<hbm>> -> memref<10000x128xf32, #tpu.memory_space<hbm>>
      tpu.wait_indirect_dma semaphore(%arg10 : memref<!tpu.dma_semaphore, #tpu.memory_space<semaphore_mem>>) src(%dma_wait3A_217 : memref<10000x128xf32, #tpu.memory_space<hbm>>) dst(%dma_wait3A_213 : memref<80x128xf32, #tpu.memory_space<vmem>>)
      %scan3A_218 = arith.constant 0 : i32
      %scan3A_219 = arith.constant 0 : i32
      %scan3A_220 = arith.constant 80 : i32
      %scan3A_221 = arith.addi %scan3A_219, %scan3A_220 : i32
      %scan3A_222 = arith.constant 2 : i32
      scf.for %scan3A_392 = %scan3A_219 to %scan3A_221 step %scan3A_222  : i32 {
        %get3A = arith.constant 1 : i32
        %get3A_393 = arith.index_cast %get3A : i32 to index
        %get3A_394 = arith.index_cast %scan3A_392 : i32 to index
        %get3A_395 = arith.constant 0 : index
        %get3A_396 = tpu.vector_load %arg8[%get3A_393, %get3A_394, %get3A_395] {strides = array<i32>} : memref<5x160x128xf32, #tpu.memory_space<vmem>>, vector<1x1x16xf32>,
        %get3A_397 = vector.shape_cast %get3A_396 : vector<1x1x16xf32> to vector<16xf32>
        %add3A_398 = arith.constant 80 : i32
        %add3A_399 = arith.addi %add3A_398, %scan3A_392 : i32
        %get3A_400 = arith.constant 1 : i32
        %get3A_401 = arith.index_cast %get3A_400 : i32 to index
        %get3A_402 = arith.index_cast %add3A_399 : i32 to index
        %get3A_403 = arith.constant 0 : index
        %get3A_404 = tpu.vector_load %arg8[%get3A_401, %get3A_402, %get3A_403] {strides = array<i32>} : memref<5x160x128xf32, #tpu.memory_space<vmem>>, vector<1x1x16xf32>,
        %get3A_405 = vector.shape_cast %get3A_404 : vector<1x1x16xf32> to vector<16xf32>
        %mul3A_406 = arith.mulf %get3A_397, %get3A_405 : vector<16xf32>
        %swap3A = arith.constant 1 : i32
        %swap3A_407 = arith.index_cast %swap3A : i32 to index
        %swap3A_408 = arith.index_cast %scan3A_392 : i32 to index
        %swap3A_409 = arith.constant 0 : index
        %swap3A_410 = tpu.vector_load %arg8[%swap3A_407, %swap3A_408, %swap3A_409] {strides = array<i32>} : memref<5x160x128xf32, #tpu.memory_space<vmem>>, vector<1x1x16xf32>,
        %swap3A_411 = vector.shape_cast %swap3A_410 : vector<1x1x16xf32> to vector<16xf32>
        %swap3A_412 = vector.shape_cast %mul3A_406 : vector<16xf32> to vector<1x1x16xf32>
        tpu.vector_store %arg8[%swap3A_407, %swap3A_408, %swap3A_409], %swap3A_412 {strides = array<i32>} : memref<5x160x128xf32, #tpu.memory_space<vmem>>, vector<1x1x16xf32>,
        %get3A_413 = arith.constant 1 : i32
        %get3A_414 = arith.index_cast %get3A_413 : i32 to index
        %get3A_415 = arith.index_cast %scan3A_392 : i32 to index
        %get3A_416 = arith.constant 16 : index
        %get3A_417 = tpu.vector_load %arg8[%get3A_414, %get3A_415, %get3A_416] {strides = array<i32>} : memref<5x160x128xf32, #tpu.memory_space<vmem>>, vector<1x1x16xf32>,
        %get3A_418 = vector.shape_cast %get3A_417 : vector<1x1x16xf32> to vector<16xf32>
        %add3A_419 = arith.constant 80 : i32
        %add3A_420 = arith.addi %add3A_419, %scan3A_392 : i32
        %get3A_421 = arith.constant 1 : i32
        %get3A_422 = arith.index_cast %get3A_421 : i32 to index
        %get3A_423 = arith.index_cast %add3A_420 : i32 to index
        %get3A_424 = arith.constant 16 : index
        %get3A_425 = tpu.vector_load %arg8[%get3A_422, %get3A_423, %get3A_424] {strides = array<i32>} : memref<5x160x128xf32, #tpu.memory_space<vmem>>, vector<1x1x16xf32>,
        %get3A_426 = vector.shape_cast %get3A_425 : vector<1x1x16xf32> to vector<16xf32>
        %mul3A_427 = arith.mulf %get3A_418, %get3A_426 : vector<16xf32>
        %swap3A_428 = arith.constant 1 : i32
        %swap3A_429 = arith.index_cast %swap3A_428 : i32 to index
        %swap3A_430 = arith.index_cast %scan3A_392 : i32 to index
        %swap3A_431 = arith.constant 16 : index
        %swap3A_432 = tpu.vector_load %arg8[%swap3A_429, %swap3A_430, %swap3A_431] {strides = array<i32>} : memref<5x160x128xf32, #tpu.memory_space<vmem>>, vector<1x1x16xf32>,
        %swap3A_433 = vector.shape_cast %swap3A_432 : vector<1x1x16xf32> to vector<16xf32>
        %swap3A_434 = vector.shape_cast %mul3A_427 : vector<16xf32> to vector<1x1x16xf32>
        tpu.vector_store %arg8[%swap3A_429, %swap3A_430, %swap3A_431], %swap3A_434 {strides = array<i32>} : memref<5x160x128xf32, #tpu.memory_space<vmem>>, vector<1x1x16xf32>,
        %get3A_435 = arith.constant 1 : i32
        %get3A_436 = arith.index_cast %get3A_435 : i32 to index
        %get3A_437 = arith.index_cast %scan3A_392 : i32 to index
        %get3A_438 = arith.constant 32 : index
        %get3A_439 = tpu.vector_load %arg8[%get3A_436, %get3A_437, %get3A_438] {strides = array<i32>} : memref<5x160x128xf32, #tpu.memory_space<vmem>>, vector<1x1x16xf32>,
        %get3A_440 = vector.shape_cast %get3A_439 : vector<1x1x16xf32> to vector<16xf32>
        %add3A_441 = arith.constant 80 : i32
        %add3A_442 = arith.addi %add3A_441, %scan3A_392 : i32
        %get3A_443 = arith.constant 1 : i32
        %get3A_444 = arith.index_cast %get3A_443 : i32 to index
        %get3A_445 = arith.index_cast %add3A_442 : i32 to index
        %get3A_446 = arith.constant 32 : index
        %get3A_447 = tpu.vector_load %arg8[%get3A_444, %get3A_445, %get3A_446] {strides = array<i32>} : memref<5x160x128xf32, #tpu.memory_space<vmem>>, vector<1x1x16xf32>,
        %get3A_448 = vector.shape_cast %get3A_447 : vector<1x1x16xf32> to vector<16xf32>
        %mul3A_449 = arith.mulf %get3A_440, %get3A_448 : vector<16xf32>
        %swap3A_450 = arith.constant 1 : i32
        %swap3A_451 = arith.index_cast %swap3A_450 : i32 to index
        %swap3A_452 = arith.index_cast %scan3A_392 : i32 to index
        %swap3A_453 = arith.constant 32 : index
        %swap3A_454 = tpu.vector_load %arg8[%swap3A_451, %swap3A_452, %swap3A_453] {strides = array<i32>} : memref<5x160x128xf32, #tpu.memory_space<vmem>>, vector<1x1x16xf32>,
        %swap3A_455 = vector.shape_cast %swap3A_454 : vector<1x1x16xf32> to vector<16xf32>
        %swap3A_456 = vector.shape_cast %mul3A_449 : vector<16xf32> to vector<1x1x16xf32>
        tpu.vector_store %arg8[%swap3A_451, %swap3A_452, %swap3A_453], %swap3A_456 {strides = array<i32>} : memref<5x160x128xf32, #tpu.memory_space<vmem>>, vector<1x1x16xf32>,
        %get3A_457 = arith.constant 1 : i32
        %get3A_458 = arith.index_cast %get3A_457 : i32 to index
        %get3A_459 = arith.index_cast %scan3A_392 : i32 to index
        %get3A_460 = arith.constant 48 : index
        %get3A_461 = tpu.vector_load %arg8[%get3A_458, %get3A_459, %get3A_460] {strides = array<i32>} : memref<5x160x128xf32, #tpu.memory_space<vmem>>, vector<1x1x16xf32>,
        %get3A_462 = vector.shape_cast %get3A_461 : vector<1x1x16xf32> to vector<16xf32>
        %add3A_463 = arith.constant 80 : i32
        %add3A_464 = arith.addi %add3A_463, %scan3A_392 : i32
        %get3A_465 = arith.constant 1 : i32
        %get3A_466 = arith.index_cast %get3A_465 : i32 to index
        %get3A_467 = arith.index_cast %add3A_464 : i32 to index
        %get3A_468 = arith.constant 48 : index
        %get3A_469 = tpu.vector_load %arg8[%get3A_466, %get3A_467, %get3A_468] {strides = array<i32>} : memref<5x160x128xf32, #tpu.memory_space<vmem>>, vector<1x1x16xf32>,
        %get3A_470 = vector.shape_cast %get3A_469 : vector<1x1x16xf32> to vector<16xf32>
        %mul3A_471 = arith.mulf %get3A_462, %get3A_470 : vector<16xf32>
        %swap3A_472 = arith.constant 1 : i32
        %swap3A_473 = arith.index_cast %swap3A_472 : i32 to index
        %swap3A_474 = arith.index_cast %scan3A_392 : i32 to index
        %swap3A_475 = arith.constant 48 : index
        %swap3A_476 = tpu.vector_load %arg8[%swap3A_473, %swap3A_474, %swap3A_475] {strides = array<i32>} : memref<5x160x128xf32, #tpu.memory_space<vmem>>, vector<1x1x16xf32>,
        %swap3A_477 = vector.shape_cast %swap3A_476 : vector<1x1x16xf32> to vector<16xf32>
        %swap3A_478 = vector.shape_cast %mul3A_471 : vector<16xf32> to vector<1x1x16xf32>
        tpu.vector_store %arg8[%swap3A_473, %swap3A_474, %swap3A_475], %swap3A_478 {strides = array<i32>} : memref<5x160x128xf32, #tpu.memory_space<vmem>>, vector<1x1x16xf32>,
        %get3A_479 = arith.constant 1 : i32
        %get3A_480 = arith.index_cast %get3A_479 : i32 to index
        %get3A_481 = arith.index_cast %scan3A_392 : i32 to index
        %get3A_482 = arith.constant 64 : index
        %get3A_483 = tpu.vector_load %arg8[%get3A_480, %get3A_481, %get3A_482] {strides = array<i32>} : memref<5x160x128xf32, #tpu.memory_space<vmem>>, vector<1x1x16xf32>,
        %get3A_484 = vector.shape_cast %get3A_483 : vector<1x1x16xf32> to vector<16xf32>
        %add3A_485 = arith.constant 80 : i32
        %add3A_486 = arith.addi %add3A_485, %scan3A_392 : i32
        %get3A_487 = arith.constant 1 : i32
        %get3A_488 = arith.index_cast %get3A_487 : i32 to index
        %get3A_489 = arith.index_cast %add3A_486 : i32 to index
        %get3A_490 = arith.constant 64 : index
        %get3A_491 = tpu.vector_load %arg8[%get3A_488, %get3A_489, %get3A_490] {strides = array<i32>} : memref<5x160x128xf32, #tpu.memory_space<vmem>>, vector<1x1x16xf32>,
        %get3A_492 = vector.shape_cast %get3A_491 : vector<1x1x16xf32> to vector<16xf32>
        %mul3A_493 = arith.mulf %get3A_484, %get3A_492 : vector<16xf32>
        %swap3A_494 = arith.constant 1 : i32
        %swap3A_495 = arith.index_cast %swap3A_494 : i32 to index
        %swap3A_496 = arith.index_cast %scan3A_392 : i32 to index
        %swap3A_497 = arith.constant 64 : index
        %swap3A_498 = tpu.vector_load %arg8[%swap3A_495, %swap3A_496, %swap3A_497] {strides = array<i32>} : memref<5x160x128xf32, #tpu.memory_space<vmem>>, vector<1x1x16xf32>,
        %swap3A_499 = vector.shape_cast %swap3A_498 : vector<1x1x16xf32> to vector<16xf32>
        %swap3A_500 = vector.shape_cast %mul3A_493 : vector<16xf32> to vector<1x1x16xf32>
        tpu.vector_store %arg8[%swap3A_495, %swap3A_496, %swap3A_497], %swap3A_500 {strides = array<i32>} : memref<5x160x128xf32, #tpu.memory_space<vmem>>, vector<1x1x16xf32>,
        %get3A_501 = arith.constant 1 : i32
        %get3A_502 = arith.index_cast %get3A_501 : i32 to index
        %get3A_503 = arith.index_cast %scan3A_392 : i32 to index
        %get3A_504 = arith.constant 80 : index
        %get3A_505 = tpu.vector_load %arg8[%get3A_502, %get3A_503, %get3A_504] {strides = array<i32>} : memref<5x160x128xf32, #tpu.memory_space<vmem>>, vector<1x1x16xf32>,
        %get3A_506 = vector.shape_cast %get3A_505 : vector<1x1x16xf32> to vector<16xf32>
        %add3A_507 = arith.constant 80 : i32
        %add3A_508 = arith.addi %add3A_507, %scan3A_392 : i32
        %get3A_509 = arith.constant 1 : i32
        %get3A_510 = arith.index_cast %get3A_509 : i32 to index
        %get3A_511 = arith.index_cast %add3A_508 : i32 to index
        %get3A_512 = arith.constant 80 : index
        %get3A_513 = tpu.vector_load %arg8[%get3A_510, %get3A_511, %get3A_512] {strides = array<i32>} : memref<5x160x128xf32, #tpu.memory_space<vmem>>, vector<1x1x16xf32>,
        %get3A_514 = vector.shape_cast %get3A_513 : vector<1x1x16xf32> to vector<16xf32>
        %mul3A_515 = arith.mulf %get3A_506, %get3A_514 : vector<16xf32>
        %swap3A_516 = arith.constant 1 : i32
        %swap3A_517 = arith.index_cast %swap3A_516 : i32 to index
        %swap3A_518 = arith.index_cast %scan3A_392 : i32 to index
        %swap3A_519 = arith.constant 80 : index
        %swap3A_520 = tpu.vector_load %arg8[%swap3A_517, %swap3A_518, %swap3A_519] {strides = array<i32>} : memref<5x160x128xf32, #tpu.memory_space<vmem>>, vector<1x1x16xf32>,
        %swap3A_521 = vector.shape_cast %swap3A_520 : vector<1x1x16xf32> to vector<16xf32>
        %swap3A_522 = vector.shape_cast %mul3A_515 : vector<16xf32> to vector<1x1x16xf32>
        tpu.vector_store %arg8[%swap3A_517, %swap3A_518, %swap3A_519], %swap3A_522 {strides = array<i32>} : memref<5x160x128xf32, #tpu.memory_space<vmem>>, vector<1x1x16xf32>,
        %get3A_523 = arith.constant 1 : i32
        %get3A_524 = arith.index_cast %get3A_523 : i32 to index
        %get3A_525 = arith.index_cast %scan3A_392 : i32 to index
        %get3A_526 = arith.constant 96 : index
        %get3A_527 = tpu.vector_load %arg8[%get3A_524, %get3A_525, %get3A_526] {strides = array<i32>} : memref<5x160x128xf32, #tpu.memory_space<vmem>>, vector<1x1x16xf32>,
        %get3A_528 = vector.shape_cast %get3A_527 : vector<1x1x16xf32> to vector<16xf32>
        %add3A_529 = arith.constant 80 : i32
        %add3A_530 = arith.addi %add3A_529, %scan3A_392 : i32
        %get3A_531 = arith.constant 1 : i32
        %get3A_532 = arith.index_cast %get3A_531 : i32 to index
        %get3A_533 = arith.index_cast %add3A_530 : i32 to index
        %get3A_534 = arith.constant 96 : index
        %get3A_535 = tpu.vector_load %arg8[%get3A_532, %get3A_533, %get3A_534] {strides = array<i32>} : memref<5x160x128xf32, #tpu.memory_space<vmem>>, vector<1x1x16xf32>,
        %get3A_536 = vector.shape_cast %get3A_535 : vector<1x1x16xf32> to vector<16xf32>
        %mul3A_537 = arith.mulf %get3A_528, %get3A_536 : vector<16xf32>
        %swap3A_538 = arith.constant 1 : i32
        %swap3A_539 = arith.index_cast %swap3A_538 : i32 to index
        %swap3A_540 = arith.index_cast %scan3A_392 : i32 to index
        %swap3A_541 = arith.constant 96 : index
        %swap3A_542 = tpu.vector_load %arg8[%swap3A_539, %swap3A_540, %swap3A_541] {strides = array<i32>} : memref<5x160x128xf32, #tpu.memory_space<vmem>>, vector<1x1x16xf32>,
        %swap3A_543 = vector.shape_cast %swap3A_542 : vector<1x1x16xf32> to vector<16xf32>
        %swap3A_544 = vector.shape_cast %mul3A_537 : vector<16xf32> to vector<1x1x16xf32>
        tpu.vector_store %arg8[%swap3A_539, %swap3A_540, %swap3A_541], %swap3A_544 {strides = array<i32>} : memref<5x160x128xf32, #tpu.memory_space<vmem>>, vector<1x1x16xf32>,
        %get3A_545 = arith.constant 1 : i32
        %get3A_546 = arith.index_cast %get3A_545 : i32 to index
        %get3A_547 = arith.index_cast %scan3A_392 : i32 to index
        %get3A_548 = arith.constant 112 : index
        %get3A_549 = tpu.vector_load %arg8[%get3A_546, %get3A_547, %get3A_548] {strides = array<i32>} : memref<5x160x128xf32, #tpu.memory_space<vmem>>, vector<1x1x16xf32>,
        %get3A_550 = vector.shape_cast %get3A_549 : vector<1x1x16xf32> to vector<16xf32>
        %add3A_551 = arith.constant 80 : i32
        %add3A_552 = arith.addi %add3A_551, %scan3A_392 : i32
        %get3A_553 = arith.constant 1 : i32
        %get3A_554 = arith.index_cast %get3A_553 : i32 to index
        %get3A_555 = arith.index_cast %add3A_552 : i32 to index
        %get3A_556 = arith.constant 112 : index
        %get3A_557 = tpu.vector_load %arg8[%get3A_554, %get3A_555, %get3A_556] {strides = array<i32>} : memref<5x160x128xf32, #tpu.memory_space<vmem>>, vector<1x1x16xf32>,
        %get3A_558 = vector.shape_cast %get3A_557 : vector<1x1x16xf32> to vector<16xf32>
        %mul3A_559 = arith.mulf %get3A_550, %get3A_558 : vector<16xf32>
        %swap3A_560 = arith.constant 1 : i32
        %swap3A_561 = arith.index_cast %swap3A_560 : i32 to index
        %swap3A_562 = arith.index_cast %scan3A_392 : i32 to index
        %swap3A_563 = arith.constant 112 : index
        %swap3A_564 = tpu.vector_load %arg8[%swap3A_561, %swap3A_562, %swap3A_563] {strides = array<i32>} : memref<5x160x128xf32, #tpu.memory_space<vmem>>, vector<1x1x16xf32>,
        %swap3A_565 = vector.shape_cast %swap3A_564 : vector<1x1x16xf32> to vector<16xf32>
        %swap3A_566 = vector.shape_cast %mul3A_559 : vector<16xf32> to vector<1x1x16xf32>
        tpu.vector_store %arg8[%swap3A_561, %swap3A_562, %swap3A_563], %swap3A_566 {strides = array<i32>} : memref<5x160x128xf32, #tpu.memory_space<vmem>>, vector<1x1x16xf32>,
        %scan3A_567 = arith.constant 1 : i32
        %scan3A_568 = arith.addi %scan3A_392, %scan3A_567 : i32
        %get3A_569 = arith.constant 1 : i32
        %get3A_570 = arith.index_cast %get3A_569 : i32 to index
        %get3A_571 = arith.index_cast %scan3A_568 : i32 to index
        %get3A_572 = arith.constant 0 : index
        %get3A_573 = tpu.vector_load %arg8[%get3A_570, %get3A_571, %get3A_572] {strides = array<i32>} : memref<5x160x128xf32, #tpu.memory_space<vmem>>, vector<1x1x16xf32>,
        %get3A_574 = vector.shape_cast %get3A_573 : vector<1x1x16xf32> to vector<16xf32>
        %add3A_575 = arith.constant 80 : i32
        %add3A_576 = arith.addi %add3A_575, %scan3A_568 : i32
        %get3A_577 = arith.constant 1 : i32
        %get3A_578 = arith.index_cast %get3A_577 : i32 to index
        %get3A_579 = arith.index_cast %add3A_576 : i32 to index
        %get3A_580 = arith.constant 0 : index
        %get3A_581 = tpu.vector_load %arg8[%get3A_578, %get3A_579, %get3A_580] {strides = array<i32>} : memref<5x160x128xf32, #tpu.memory_space<vmem>>, vector<1x1x16xf32>,
        %get3A_582 = vector.shape_cast %get3A_581 : vector<1x1x16xf32> to vector<16xf32>
        %mul3A_583 = arith.mulf %get3A_574, %get3A_582 : vector<16xf32>
        %swap3A_584 = arith.constant 1 : i32
        %swap3A_585 = arith.index_cast %swap3A_584 : i32 to index
        %swap3A_586 = arith.index_cast %scan3A_568 : i32 to index
        %swap3A_587 = arith.constant 0 : index
        %swap3A_588 = tpu.vector_load %arg8[%swap3A_585, %swap3A_586, %swap3A_587] {strides = array<i32>} : memref<5x160x128xf32, #tpu.memory_space<vmem>>, vector<1x1x16xf32>,
        %swap3A_589 = vector.shape_cast %swap3A_588 : vector<1x1x16xf32> to vector<16xf32>
        %swap3A_590 = vector.shape_cast %mul3A_583 : vector<16xf32> to vector<1x1x16xf32>
        tpu.vector_store %arg8[%swap3A_585, %swap3A_586, %swap3A_587], %swap3A_590 {strides = array<i32>} : memref<5x160x128xf32, #tpu.memory_space<vmem>>, vector<1x1x16xf32>,
        %get3A_591 = arith.constant 1 : i32
        %get3A_592 = arith.index_cast %get3A_591 : i32 to index
        %get3A_593 = arith.index_cast %scan3A_568 : i32 to index
        %get3A_594 = arith.constant 16 : index
        %get3A_595 = tpu.vector_load %arg8[%get3A_592, %get3A_593, %get3A_594] {strides = array<i32>} : memref<5x160x128xf32, #tpu.memory_space<vmem>>, vector<1x1x16xf32>,
        %get3A_596 = vector.shape_cast %get3A_595 : vector<1x1x16xf32> to vector<16xf32>
        %add3A_597 = arith.constant 80 : i32
        %add3A_598 = arith.addi %add3A_597, %scan3A_568 : i32
        %get3A_599 = arith.constant 1 : i32
        %get3A_600 = arith.index_cast %get3A_599 : i32 to index
        %get3A_601 = arith.index_cast %add3A_598 : i32 to index
        %get3A_602 = arith.constant 16 : index
        %get3A_603 = tpu.vector_load %arg8[%get3A_600, %get3A_601, %get3A_602] {strides = array<i32>} : memref<5x160x128xf32, #tpu.memory_space<vmem>>, vector<1x1x16xf32>,
        %get3A_604 = vector.shape_cast %get3A_603 : vector<1x1x16xf32> to vector<16xf32>
        %mul3A_605 = arith.mulf %get3A_596, %get3A_604 : vector<16xf32>
        %swap3A_606 = arith.constant 1 : i32
        %swap3A_607 = arith.index_cast %swap3A_606 : i32 to index
        %swap3A_608 = arith.index_cast %scan3A_568 : i32 to index
        %swap3A_609 = arith.constant 16 : index
        %swap3A_610 = tpu.vector_load %arg8[%swap3A_607, %swap3A_608, %swap3A_609] {strides = array<i32>} : memref<5x160x128xf32, #tpu.memory_space<vmem>>, vector<1x1x16xf32>,
        %swap3A_611 = vector.shape_cast %swap3A_610 : vector<1x1x16xf32> to vector<16xf32>
        %swap3A_612 = vector.shape_cast %mul3A_605 : vector<16xf32> to vector<1x1x16xf32>
        tpu.vector_store %arg8[%swap3A_607, %swap3A_608, %swap3A_609], %swap3A_612 {strides = array<i32>} : memref<5x160x128xf32, #tpu.memory_space<vmem>>, vector<1x1x16xf32>,
        %get3A_613 = arith.constant 1 : i32
        %get3A_614 = arith.index_cast %get3A_613 : i32 to index
        %get3A_615 = arith.index_cast %scan3A_568 : i32 to index
        %get3A_616 = arith.constant 32 : index
        %get3A_617 = tpu.vector_load %arg8[%get3A_614, %get3A_615, %get3A_616] {strides = array<i32>} : memref<5x160x128xf32, #tpu.memory_space<vmem>>, vector<1x1x16xf32>,
        %get3A_618 = vector.shape_cast %get3A_617 : vector<1x1x16xf32> to vector<16xf32>
        %add3A_619 = arith.constant 80 : i32
        %add3A_620 = arith.addi %add3A_619, %scan3A_568 : i32
        %get3A_621 = arith.constant 1 : i32
        %get3A_622 = arith.index_cast %get3A_621 : i32 to index
        %get3A_623 = arith.index_cast %add3A_620 : i32 to index
        %get3A_624 = arith.constant 32 : index
        %get3A_625 = tpu.vector_load %arg8[%get3A_622, %get3A_623, %get3A_624] {strides = array<i32>} : memref<5x160x128xf32, #tpu.memory_space<vmem>>, vector<1x1x16xf32>,
        %get3A_626 = vector.shape_cast %get3A_625 : vector<1x1x16xf32> to vector<16xf32>
        %mul3A_627 = arith.mulf %get3A_618, %get3A_626 : vector<16xf32>
        %swap3A_628 = arith.constant 1 : i32
        %swap3A_629 = arith.index_cast %swap3A_628 : i32 to index
        %swap3A_630 = arith.index_cast %scan3A_568 : i32 to index
        %swap3A_631 = arith.constant 32 : index
        %swap3A_632 = tpu.vector_load %arg8[%swap3A_629, %swap3A_630, %swap3A_631] {strides = array<i32>} : memref<5x160x128xf32, #tpu.memory_space<vmem>>, vector<1x1x16xf32>,
        %swap3A_633 = vector.shape_cast %swap3A_632 : vector<1x1x16xf32> to vector<16xf32>
        %swap3A_634 = vector.shape_cast %mul3A_627 : vector<16xf32> to vector<1x1x16xf32>
        tpu.vector_store %arg8[%swap3A_629, %swap3A_630, %swap3A_631], %swap3A_634 {strides = array<i32>} : memref<5x160x128xf32, #tpu.memory_space<vmem>>, vector<1x1x16xf32>,
        %get3A_635 = arith.constant 1 : i32
        %get3A_636 = arith.index_cast %get3A_635 : i32 to index
        %get3A_637 = arith.index_cast %scan3A_568 : i32 to index
        %get3A_638 = arith.constant 48 : index
        %get3A_639 = tpu.vector_load %arg8[%get3A_636, %get3A_637, %get3A_638] {strides = array<i32>} : memref<5x160x128xf32, #tpu.memory_space<vmem>>, vector<1x1x16xf32>,
        %get3A_640 = vector.shape_cast %get3A_639 : vector<1x1x16xf32> to vector<16xf32>
        %add3A_641 = arith.constant 80 : i32
        %add3A_642 = arith.addi %add3A_641, %scan3A_568 : i32
        %get3A_643 = arith.constant 1 : i32
        %get3A_644 = arith.index_cast %get3A_643 : i32 to index
        %get3A_645 = arith.index_cast %add3A_642 : i32 to index
        %get3A_646 = arith.constant 48 : index
        %get3A_647 = tpu.vector_load %arg8[%get3A_644, %get3A_645, %get3A_646] {strides = array<i32>} : memref<5x160x128xf32, #tpu.memory_space<vmem>>, vector<1x1x16xf32>,
        %get3A_648 = vector.shape_cast %get3A_647 : vector<1x1x16xf32> to vector<16xf32>
        %mul3A_649 = arith.mulf %get3A_640, %get3A_648 : vector<16xf32>
        %swap3A_650 = arith.constant 1 : i32
        %swap3A_651 = arith.index_cast %swap3A_650 : i32 to index
        %swap3A_652 = arith.index_cast %scan3A_568 : i32 to index
        %swap3A_653 = arith.constant 48 : index
        %swap3A_654 = tpu.vector_load %arg8[%swap3A_651, %swap3A_652, %swap3A_653] {strides = array<i32>} : memref<5x160x128xf32, #tpu.memory_space<vmem>>, vector<1x1x16xf32>,
        %swap3A_655 = vector.shape_cast %swap3A_654 : vector<1x1x16xf32> to vector<16xf32>
        %swap3A_656 = vector.shape_cast %mul3A_649 : vector<16xf32> to vector<1x1x16xf32>
        tpu.vector_store %arg8[%swap3A_651, %swap3A_652, %swap3A_653], %swap3A_656 {strides = array<i32>} : memref<5x160x128xf32, #tpu.memory_space<vmem>>, vector<1x1x16xf32>,
        %get3A_657 = arith.constant 1 : i32
        %get3A_658 = arith.index_cast %get3A_657 : i32 to index
        %get3A_659 = arith.index_cast %scan3A_568 : i32 to index
        %get3A_660 = arith.constant 64 : index
        %get3A_661 = tpu.vector_load %arg8[%get3A_658, %get3A_659, %get3A_660] {strides = array<i32>} : memref<5x160x128xf32, #tpu.memory_space<vmem>>, vector<1x1x16xf32>,
        %get3A_662 = vector.shape_cast %get3A_661 : vector<1x1x16xf32> to vector<16xf32>
        %add3A_663 = arith.constant 80 : i32
        %add3A_664 = arith.addi %add3A_663, %scan3A_568 : i32
        %get3A_665 = arith.constant 1 : i32
        %get3A_666 = arith.index_cast %get3A_665 : i32 to index
        %get3A_667 = arith.index_cast %add3A_664 : i32 to index
        %get3A_668 = arith.constant 64 : index
        %get3A_669 = tpu.vector_load %arg8[%get3A_666, %get3A_667, %get3A_668] {strides = array<i32>} : memref<5x160x128xf32, #tpu.memory_space<vmem>>, vector<1x1x16xf32>,
        %get3A_670 = vector.shape_cast %get3A_669 : vector<1x1x16xf32> to vector<16xf32>
        %mul3A_671 = arith.mulf %get3A_662, %get3A_670 : vector<16xf32>
        %swap3A_672 = arith.constant 1 : i32
        %swap3A_673 = arith.index_cast %swap3A_672 : i32 to index
        %swap3A_674 = arith.index_cast %scan3A_568 : i32 to index
        %swap3A_675 = arith.constant 64 : index
        %swap3A_676 = tpu.vector_load %arg8[%swap3A_673, %swap3A_674, %swap3A_675] {strides = array<i32>} : memref<5x160x128xf32, #tpu.memory_space<vmem>>, vector<1x1x16xf32>,
        %swap3A_677 = vector.shape_cast %swap3A_676 : vector<1x1x16xf32> to vector<16xf32>
        %swap3A_678 = vector.shape_cast %mul3A_671 : vector<16xf32> to vector<1x1x16xf32>
        tpu.vector_store %arg8[%swap3A_673, %swap3A_674, %swap3A_675], %swap3A_678 {strides = array<i32>} : memref<5x160x128xf32, #tpu.memory_space<vmem>>, vector<1x1x16xf32>,
        %get3A_679 = arith.constant 1 : i32
        %get3A_680 = arith.index_cast %get3A_679 : i32 to index
        %get3A_681 = arith.index_cast %scan3A_568 : i32 to index
        %get3A_682 = arith.constant 80 : index
        %get3A_683 = tpu.vector_load %arg8[%get3A_680, %get3A_681, %get3A_682] {strides = array<i32>} : memref<5x160x128xf32, #tpu.memory_space<vmem>>, vector<1x1x16xf32>,
        %get3A_684 = vector.shape_cast %get3A_683 : vector<1x1x16xf32> to vector<16xf32>
        %add3A_685 = arith.constant 80 : i32
        %add3A_686 = arith.addi %add3A_685, %scan3A_568 : i32
        %get3A_687 = arith.constant 1 : i32
        %get3A_688 = arith.index_cast %get3A_687 : i32 to index
        %get3A_689 = arith.index_cast %add3A_686 : i32 to index
        %get3A_690 = arith.constant 80 : index
        %get3A_691 = tpu.vector_load %arg8[%get3A_688, %get3A_689, %get3A_690] {strides = array<i32>} : memref<5x160x128xf32, #tpu.memory_space<vmem>>, vector<1x1x16xf32>,
        %get3A_692 = vector.shape_cast %get3A_691 : vector<1x1x16xf32> to vector<16xf32>
        %mul3A_693 = arith.mulf %get3A_684, %get3A_692 : vector<16xf32>
        %swap3A_694 = arith.constant 1 : i32
        %swap3A_695 = arith.index_cast %swap3A_694 : i32 to index
        %swap3A_696 = arith.index_cast %scan3A_568 : i32 to index
        %swap3A_697 = arith.constant 80 : index
        %swap3A_698 = tpu.vector_load %arg8[%swap3A_695, %swap3A_696, %swap3A_697] {strides = array<i32>} : memref<5x160x128xf32, #tpu.memory_space<vmem>>, vector<1x1x16xf32>,
        %swap3A_699 = vector.shape_cast %swap3A_698 : vector<1x1x16xf32> to vector<16xf32>
        %swap3A_700 = vector.shape_cast %mul3A_693 : vector<16xf32> to vector<1x1x16xf32>
        tpu.vector_store %arg8[%swap3A_695, %swap3A_696, %swap3A_697], %swap3A_700 {strides = array<i32>} : memref<5x160x128xf32, #tpu.memory_space<vmem>>, vector<1x1x16xf32>,
        %get3A_701 = arith.constant 1 : i32
        %get3A_702 = arith.index_cast %get3A_701 : i32 to index
        %get3A_703 = arith.index_cast %scan3A_568 : i32 to index
        %get3A_704 = arith.constant 96 : index
        %get3A_705 = tpu.vector_load %arg8[%get3A_702, %get3A_703, %get3A_704] {strides = array<i32>} : memref<5x160x128xf32, #tpu.memory_space<vmem>>, vector<1x1x16xf32>,
        %get3A_706 = vector.shape_cast %get3A_705 : vector<1x1x16xf32> to vector<16xf32>
        %add3A_707 = arith.constant 80 : i32
        %add3A_708 = arith.addi %add3A_707, %scan3A_568 : i32
        %get3A_709 = arith.constant 1 : i32
        %get3A_710 = arith.index_cast %get3A_709 : i32 to index
        %get3A_711 = arith.index_cast %add3A_708 : i32 to index
        %get3A_712 = arith.constant 96 : index
        %get3A_713 = tpu.vector_load %arg8[%get3A_710, %get3A_711, %get3A_712] {strides = array<i32>} : memref<5x160x128xf32, #tpu.memory_space<vmem>>, vector<1x1x16xf32>,
        %get3A_714 = vector.shape_cast %get3A_713 : vector<1x1x16xf32> to vector<16xf32>
        %mul3A_715 = arith.mulf %get3A_706, %get3A_714 : vector<16xf32>
        %swap3A_716 = arith.constant 1 : i32
        %swap3A_717 = arith.index_cast %swap3A_716 : i32 to index
        %swap3A_718 = arith.index_cast %scan3A_568 : i32 to index
        %swap3A_719 = arith.constant 96 : index
        %swap3A_720 = tpu.vector_load %arg8[%swap3A_717, %swap3A_718, %swap3A_719] {strides = array<i32>} : memref<5x160x128xf32, #tpu.memory_space<vmem>>, vector<1x1x16xf32>,
        %swap3A_721 = vector.shape_cast %swap3A_720 : vector<1x1x16xf32> to vector<16xf32>
        %swap3A_722 = vector.shape_cast %mul3A_715 : vector<16xf32> to vector<1x1x16xf32>
        tpu.vector_store %arg8[%swap3A_717, %swap3A_718, %swap3A_719], %swap3A_722 {strides = array<i32>} : memref<5x160x128xf32, #tpu.memory_space<vmem>>, vector<1x1x16xf32>,
        %get3A_723 = arith.constant 1 : i32
        %get3A_724 = arith.index_cast %get3A_723 : i32 to index
        %get3A_725 = arith.index_cast %scan3A_568 : i32 to index
        %get3A_726 = arith.constant 112 : index
        %get3A_727 = tpu.vector_load %arg8[%get3A_724, %get3A_725, %get3A_726] {strides = array<i32>} : memref<5x160x128xf32, #tpu.memory_space<vmem>>, vector<1x1x16xf32>,
        %get3A_728 = vector.shape_cast %get3A_727 : vector<1x1x16xf32> to vector<16xf32>
        %add3A_729 = arith.constant 80 : i32
        %add3A_730 = arith.addi %add3A_729, %scan3A_568 : i32
        %get3A_731 = arith.constant 1 : i32
        %get3A_732 = arith.index_cast %get3A_731 : i32 to index
        %get3A_733 = arith.index_cast %add3A_730 : i32 to index
        %get3A_734 = arith.constant 112 : index
        %get3A_735 = tpu.vector_load %arg8[%get3A_732, %get3A_733, %get3A_734] {strides = array<i32>} : memref<5x160x128xf32, #tpu.memory_space<vmem>>, vector<1x1x16xf32>,
        %get3A_736 = vector.shape_cast %get3A_735 : vector<1x1x16xf32> to vector<16xf32>
        %mul3A_737 = arith.mulf %get3A_728, %get3A_736 : vector<16xf32>
        %swap3A_738 = arith.constant 1 : i32
        %swap3A_739 = arith.index_cast %swap3A_738 : i32 to index
        %swap3A_740 = arith.index_cast %scan3A_568 : i32 to index
        %swap3A_741 = arith.constant 112 : index
        %swap3A_742 = tpu.vector_load %arg8[%swap3A_739, %swap3A_740, %swap3A_741] {strides = array<i32>} : memref<5x160x128xf32, #tpu.memory_space<vmem>>, vector<1x1x16xf32>,
        %swap3A_743 = vector.shape_cast %swap3A_742 : vector<1x1x16xf32> to vector<16xf32>
        %swap3A_744 = vector.shape_cast %mul3A_737 : vector<16xf32> to vector<1x1x16xf32>
        tpu.vector_store %arg8[%swap3A_739, %swap3A_740, %swap3A_741], %swap3A_744 {strides = array<i32>} : memref<5x160x128xf32, #tpu.memory_space<vmem>>, vector<1x1x16xf32>,
      }
      %scan3A_223 = arith.constant 80 : i32
      %mul3A_224 = arith.constant 80 : i32
      %mul3A_225 = arith.muli %add3A_197, %mul3A_224 : i32
      %add3A_226 = arith.addi %mul3A_2, %mul3A_225 : i32
      %dma_start3A_227 = arith.constant 1 : i32
      %dma_start3A_228 = arith.constant 0 : i32
      %dma_start3A_229 = arith.constant 0 : i32
      %dma_start3A_230 = tpu.memref_slice %arg8[%dma_start3A_227, %dma_start3A_228, %dma_start3A_229] : memref<5x160x128xf32, #tpu.memory_space<vmem>> -> memref<1x80x128xf32, #tpu.memory_space<vmem>>
      %dma_start3A_231 = tpu.memref_squeeze %dma_start3A_230 : memref<1x80x128xf32, #tpu.memory_space<vmem>> -> memref<80x128xf32, #tpu.memory_space<vmem>>
      %dma_start3A_232 = arith.constant 0 : i32
      %dma_start3A_233 = tpu.memref_slice %arg5[%add3A_226, %dma_start3A_232] : memref<320000x128xf32, #tpu.memory_space<hbm>> -> memref<80x128xf32, #tpu.memory_space<hbm>>
      %dma_start3A_234 = arith.constant 0 : i32
      %dma_start3A_235 = tpu.memref_slice %arg5[%add3A_226, %dma_start3A_234] : memref<320000x128xf32, #tpu.memory_space<hbm>> -> memref<80x128xf32, #tpu.memory_space<hbm>>
      %dma_start3A_236 = arith.constant 0 : i32
      %dma_start3A_237 = arith.constant 0 : i32
      %dma_start3A_238 = tpu.memref_slice %arg8[%dma_start3A_227, %dma_start3A_236, %dma_start3A_237] : memref<5x160x128xf32, #tpu.memory_space<vmem>> -> memref<1x80x128xf32, #tpu.memory_space<vmem>>
      %dma_start3A_239 = tpu.memref_squeeze %dma_start3A_238 : memref<1x80x128xf32, #tpu.memory_space<vmem>> -> memref<80x128xf32, #tpu.memory_space<vmem>>
      tpu.enqueue_dma source(%dma_start3A_239 : memref<80x128xf32, #tpu.memory_space<vmem>>) target(%dma_start3A_235 : memref<80x128xf32, #tpu.memory_space<hbm>>) target_semaphore(%arg15 : memref<!tpu.dma_semaphore, #tpu.memory_space<semaphore_mem>>)
      %lt3A_240 = arith.constant 122 : i32
      %lt3A_241 = arith.cmpi slt, %add3A_197, %lt3A_240 : i32
      %convert_element_type3A_242 = arith.extui %lt3A_241 : i1 to i32
      %cond3A_243 = arith.constant 0 : i32
      %cond3A_244 = arith.cmpi ne, %convert_element_type3A_242, %cond3A_243 : i32
      scf.if %cond3A_244 {
        %ge3A = arith.constant 2 : i32
        %ge3A_392 = arith.cmpi sge, %add3A_197, %ge3A : i32
        %convert_element_type3A_393 = arith.extui %ge3A_392 : i1 to i32
        %cond3A_394 = arith.constant 0 : i32
        %cond3A_395 = arith.cmpi ne, %convert_element_type3A_393, %cond3A_394 : i32
        scf.if %cond3A_395 {
          %add3A_418 = arith.constant 3 : i32
          %add3A_419 = arith.addi %add3A_197, %add3A_418 : i32
          %sub3A = arith.constant 5 : i32
          %sub3A_420 = arith.subi %add3A_419, %sub3A : i32
          %mul3A_421 = arith.constant 80 : i32
          %mul3A_422 = arith.muli %sub3A_420, %mul3A_421 : i32
          %add3A_423 = arith.addi %mul3A_2, %mul3A_422 : i32
          %dma_wait3A_424 = arith.constant 4 : i32
          %dma_wait3A_425 = arith.constant 0 : i32
          %dma_wait3A_426 = arith.constant 0 : i32
          %dma_wait3A_427 = tpu.memref_slice %arg8[%dma_wait3A_424, %dma_wait3A_425, %dma_wait3A_426] : memref<5x160x128xf32, #tpu.memory_space<vmem>> -> memref<1x80x128xf32, #tpu.memory_space<vmem>>
          %dma_wait3A_428 = tpu.memref_squeeze %dma_wait3A_427 : memref<1x80x128xf32, #tpu.memory_space<vmem>> -> memref<80x128xf32, #tpu.memory_space<vmem>>
          %dma_wait3A_429 = arith.constant 0 : i32
          %dma_wait3A_430 = tpu.memref_slice %arg5[%add3A_423, %dma_wait3A_429] : memref<320000x128xf32, #tpu.memory_space<hbm>> -> memref<80x128xf32, #tpu.memory_space<hbm>>
          %dma_wait3A_431 = arith.constant 0 : i32
          %dma_wait3A_432 = tpu.memref_slice %arg5[%add3A_423, %dma_wait3A_431] : memref<320000x128xf32, #tpu.memory_space<hbm>> -> memref<80x128xf32, #tpu.memory_space<hbm>>
          %dma_wait3A_433 = arith.constant 0 : i32
          %dma_wait3A_434 = arith.constant 0 : i32
          %dma_wait3A_435 = tpu.memref_slice %arg8[%dma_wait3A_424, %dma_wait3A_433, %dma_wait3A_434] : memref<5x160x128xf32, #tpu.memory_space<vmem>> -> memref<1x80x128xf32, #tpu.memory_space<vmem>>
          %dma_wait3A_436 = tpu.memref_squeeze %dma_wait3A_435 : memref<1x80x128xf32, #tpu.memory_space<vmem>> -> memref<80x128xf32, #tpu.memory_space<vmem>>
          tpu.wait_dma2 semaphore(%arg18 : memref<!tpu.dma_semaphore, #tpu.memory_space<semaphore_mem>>) src(%dma_wait3A_436 : memref<80x128xf32, #tpu.memory_space<vmem>>) dst(%dma_wait3A_432 : memref<80x128xf32, #tpu.memory_space<hbm>>)
        } else {
        }
        %add3A_396 = arith.constant 3 : i32
        %add3A_397 = arith.addi %add3A_197, %add3A_396 : i32
        %mul3A_398 = arith.constant 80 : i32
        %mul3A_399 = arith.muli %add3A_397, %mul3A_398 : i32
        %dma_start3A_400 = arith.constant 4 : i32
        %dma_start3A_401 = arith.constant 0 : i32
        %dma_start3A_402 = arith.constant 0 : i32
        %dma_start3A_403 = tpu.memref_slice %arg8[%dma_start3A_400, %dma_start3A_401, %dma_start3A_402] : memref<5x160x128xf32, #tpu.memory_space<vmem>> -> memref<1x80x128xf32, #tpu.memory_space<vmem>>
        %dma_start3A_404 = tpu.memref_squeeze %dma_start3A_403 : memref<1x80x128xf32, #tpu.memory_space<vmem>> -> memref<80x128xf32, #tpu.memory_space<vmem>>
        %dma_start3A_405 = tpu.memref_slice %arg6[%mul3A_399] : memref<10000xi32, #tpu.memory_space<vmem>> -> memref<80xi32, #tpu.memory_space<vmem>>
        %dma_start3A_406 = arith.constant 0 : i32
        %dma_start3A_407 = arith.constant 0 : i32
        %dma_start3A_408 = tpu.memref_slice %arg2[%dma_start3A_406, %dma_start3A_407] : memref<10000x128xf32, #tpu.memory_space<hbm>> -> memref<10000x128xf32, #tpu.memory_space<hbm>>
        tpu.enqueue_indirect_dma source(%dma_start3A_408 : memref<10000x128xf32, #tpu.memory_space<hbm>>) target(%dma_start3A_404 : memref<80x128xf32, #tpu.memory_space<vmem>>) offsets(%dma_start3A_405 : memref<80xi32, #tpu.memory_space<vmem>>) semaphore(%arg13 : memref<!tpu.dma_semaphore, #tpu.memory_space<semaphore_mem>>)
        %dma_start3A_409 = arith.constant 4 : i32
        %dma_start3A_410 = arith.constant 80 : i32
        %dma_start3A_411 = arith.constant 0 : i32
        %dma_start3A_412 = tpu.memref_slice %arg8[%dma_start3A_409, %dma_start3A_410, %dma_start3A_411] : memref<5x160x128xf32, #tpu.memory_space<vmem>> -> memref<1x80x128xf32, #tpu.memory_space<vmem>>
        %dma_start3A_413 = tpu.memref_squeeze %dma_start3A_412 : memref<1x80x128xf32, #tpu.memory_space<vmem>> -> memref<80x128xf32, #tpu.memory_space<vmem>>
        %dma_start3A_414 = tpu.memref_slice %arg7[%mul3A_399] : memref<10000xi32, #tpu.memory_space<vmem>> -> memref<80xi32, #tpu.memory_space<vmem>>
        %dma_start3A_415 = arith.constant 0 : i32
        %dma_start3A_416 = arith.constant 0 : i32
        %dma_start3A_417 = tpu.memref_slice %arg3[%dma_start3A_415, %dma_start3A_416] : memref<10000x128xf32, #tpu.memory_space<hbm>> -> memref<10000x128xf32, #tpu.memory_space<hbm>>
        tpu.enqueue_indirect_dma source(%dma_start3A_417 : memref<10000x128xf32, #tpu.memory_space<hbm>>) target(%dma_start3A_413 : memref<80x128xf32, #tpu.memory_space<vmem>>) offsets(%dma_start3A_414 : memref<80xi32, #tpu.memory_space<vmem>>) semaphore(%arg13 : memref<!tpu.dma_semaphore, #tpu.memory_space<semaphore_mem>>)
      } else {
      }
      %add3A_245 = arith.constant 2 : i32
      %add3A_246 = arith.addi %mul3A_149, %add3A_245 : i32
      %mul3A_247 = arith.constant 80 : i32
      %mul3A_248 = arith.muli %add3A_246, %mul3A_247 : i32
      %dma_wait3A_249 = arith.constant 2 : i32
      %dma_wait3A_250 = arith.constant 0 : i32
      %dma_wait3A_251 = arith.constant 0 : i32
      %dma_wait3A_252 = tpu.memref_slice %arg8[%dma_wait3A_249, %dma_wait3A_250, %dma_wait3A_251] : memref<5x160x128xf32, #tpu.memory_space<vmem>> -> memref<1x80x128xf32, #tpu.memory_space<vmem>>
      %dma_wait3A_253 = tpu.memref_squeeze %dma_wait3A_252 : memref<1x80x128xf32, #tpu.memory_space<vmem>> -> memref<80x128xf32, #tpu.memory_space<vmem>>
      %dma_wait3A_254 = tpu.memref_slice %arg6[%mul3A_248] : memref<10000xi32, #tpu.memory_space<vmem>> -> memref<80xi32, #tpu.memory_space<vmem>>
      %dma_wait3A_255 = arith.constant 0 : i32
      %dma_wait3A_256 = arith.constant 0 : i32
      %dma_wait3A_257 = tpu.memref_slice %arg2[%dma_wait3A_255, %dma_wait3A_256] : memref<10000x128xf32, #tpu.memory_space<hbm>> -> memref<10000x128xf32, #tpu.memory_space<hbm>>
      tpu.wait_indirect_dma semaphore(%arg11 : memref<!tpu.dma_semaphore, #tpu.memory_space<semaphore_mem>>) src(%dma_wait3A_257 : memref<10000x128xf32, #tpu.memory_space<hbm>>) dst(%dma_wait3A_253 : memref<80x128xf32, #tpu.memory_space<vmem>>)
      %dma_wait3A_258 = arith.constant 2 : i32
      %dma_wait3A_259 = arith.constant 80 : i32
      %dma_wait3A_260 = arith.constant 0 : i32
      %dma_wait3A_261 = tpu.memref_slice %arg8[%dma_wait3A_258, %dma_wait3A_259, %dma_wait3A_260] : memref<5x160x128xf32, #tpu.memory_space<vmem>> -> memref<1x80x128xf32, #tpu.memory_space<vmem>>
      %dma_wait3A_262 = tpu.memref_squeeze %dma_wait3A_261 : memref<1x80x128xf32, #tpu.memory_space<vmem>> -> memref<80x128xf32, #tpu.memory_space<vmem>>
      %dma_wait3A_263 = tpu.memref_slice %arg7[%mul3A_248] : memref<10000xi32, #tpu.memory_space<vmem>> -> memref<80xi32, #tpu.memory_space<vmem>>
      %dma_wait3A_264 = arith.constant 0 : i32
      %dma_wait3A_265 = arith.constant 0 : i32
      %dma_wait3A_266 = tpu.memref_slice %arg3[%dma_wait3A_264, %dma_wait3A_265] : memref<10000x128xf32, #tpu.memory_space<hbm>> -> memref<10000x128xf32, #tpu.memory_space<hbm>>
      tpu.wait_indirect_dma semaphore(%arg11 : memref<!tpu.dma_semaphore, #tpu.memory_space<semaphore_mem>>) src(%dma_wait3A_266 : memref<10000x128xf32, #tpu.memory_space<hbm>>) dst(%dma_wait3A_262 : memref<80x128xf32, #tpu.memory_space<vmem>>)
      %scan3A_267 = arith.constant 0 : i32
      %scan3A_268 = arith.constant 0 : i32
      %scan3A_269 = arith.constant 80 : i32
      %scan3A_270 = arith.addi %scan3A_268, %scan3A_269 : i32
      %scan3A_271 = arith.constant 2 : i32
      scf.for %scan3A_392 = %scan3A_268 to %scan3A_270 step %scan3A_271  : i32 {
        %get3A = arith.constant 2 : i32
        %get3A_393 = arith.index_cast %get3A : i32 to index
        %get3A_394 = arith.index_cast %scan3A_392 : i32 to index
        %get3A_395 = arith.constant 0 : index
        %get3A_396 = tpu.vector_load %arg8[%get3A_393, %get3A_394, %get3A_395] {strides = array<i32>} : memref<5x160x128xf32, #tpu.memory_space<vmem>>, vector<1x1x16xf32>,
        %get3A_397 = vector.shape_cast %get3A_396 : vector<1x1x16xf32> to vector<16xf32>
        %add3A_398 = arith.constant 80 : i32
        %add3A_399 = arith.addi %add3A_398, %scan3A_392 : i32
        %get3A_400 = arith.constant 2 : i32
        %get3A_401 = arith.index_cast %get3A_400 : i32 to index
        %get3A_402 = arith.index_cast %add3A_399 : i32 to index
        %get3A_403 = arith.constant 0 : index
        %get3A_404 = tpu.vector_load %arg8[%get3A_401, %get3A_402, %get3A_403] {strides = array<i32>} : memref<5x160x128xf32, #tpu.memory_space<vmem>>, vector<1x1x16xf32>,
        %get3A_405 = vector.shape_cast %get3A_404 : vector<1x1x16xf32> to vector<16xf32>
        %mul3A_406 = arith.mulf %get3A_397, %get3A_405 : vector<16xf32>
        %swap3A = arith.constant 2 : i32
        %swap3A_407 = arith.index_cast %swap3A : i32 to index
        %swap3A_408 = arith.index_cast %scan3A_392 : i32 to index
        %swap3A_409 = arith.constant 0 : index
        %swap3A_410 = tpu.vector_load %arg8[%swap3A_407, %swap3A_408, %swap3A_409] {strides = array<i32>} : memref<5x160x128xf32, #tpu.memory_space<vmem>>, vector<1x1x16xf32>,
        %swap3A_411 = vector.shape_cast %swap3A_410 : vector<1x1x16xf32> to vector<16xf32>
        %swap3A_412 = vector.shape_cast %mul3A_406 : vector<16xf32> to vector<1x1x16xf32>
        tpu.vector_store %arg8[%swap3A_407, %swap3A_408, %swap3A_409], %swap3A_412 {strides = array<i32>} : memref<5x160x128xf32, #tpu.memory_space<vmem>>, vector<1x1x16xf32>,
        %get3A_413 = arith.constant 2 : i32
        %get3A_414 = arith.index_cast %get3A_413 : i32 to index
        %get3A_415 = arith.index_cast %scan3A_392 : i32 to index
        %get3A_416 = arith.constant 16 : index
        %get3A_417 = tpu.vector_load %arg8[%get3A_414, %get3A_415, %get3A_416] {strides = array<i32>} : memref<5x160x128xf32, #tpu.memory_space<vmem>>, vector<1x1x16xf32>,
        %get3A_418 = vector.shape_cast %get3A_417 : vector<1x1x16xf32> to vector<16xf32>
        %add3A_419 = arith.constant 80 : i32
        %add3A_420 = arith.addi %add3A_419, %scan3A_392 : i32
        %get3A_421 = arith.constant 2 : i32
        %get3A_422 = arith.index_cast %get3A_421 : i32 to index
        %get3A_423 = arith.index_cast %add3A_420 : i32 to index
        %get3A_424 = arith.constant 16 : index
        %get3A_425 = tpu.vector_load %arg8[%get3A_422, %get3A_423, %get3A_424] {strides = array<i32>} : memref<5x160x128xf32, #tpu.memory_space<vmem>>, vector<1x1x16xf32>,
        %get3A_426 = vector.shape_cast %get3A_425 : vector<1x1x16xf32> to vector<16xf32>
        %mul3A_427 = arith.mulf %get3A_418, %get3A_426 : vector<16xf32>
        %swap3A_428 = arith.constant 2 : i32
        %swap3A_429 = arith.index_cast %swap3A_428 : i32 to index
        %swap3A_430 = arith.index_cast %scan3A_392 : i32 to index
        %swap3A_431 = arith.constant 16 : index
        %swap3A_432 = tpu.vector_load %arg8[%swap3A_429, %swap3A_430, %swap3A_431] {strides = array<i32>} : memref<5x160x128xf32, #tpu.memory_space<vmem>>, vector<1x1x16xf32>,
        %swap3A_433 = vector.shape_cast %swap3A_432 : vector<1x1x16xf32> to vector<16xf32>
        %swap3A_434 = vector.shape_cast %mul3A_427 : vector<16xf32> to vector<1x1x16xf32>
        tpu.vector_store %arg8[%swap3A_429, %swap3A_430, %swap3A_431], %swap3A_434 {strides = array<i32>} : memref<5x160x128xf32, #tpu.memory_space<vmem>>, vector<1x1x16xf32>,
        %get3A_435 = arith.constant 2 : i32
        %get3A_436 = arith.index_cast %get3A_435 : i32 to index
        %get3A_437 = arith.index_cast %scan3A_392 : i32 to index
        %get3A_438 = arith.constant 32 : index
        %get3A_439 = tpu.vector_load %arg8[%get3A_436, %get3A_437, %get3A_438] {strides = array<i32>} : memref<5x160x128xf32, #tpu.memory_space<vmem>>, vector<1x1x16xf32>,
        %get3A_440 = vector.shape_cast %get3A_439 : vector<1x1x16xf32> to vector<16xf32>
        %add3A_441 = arith.constant 80 : i32
        %add3A_442 = arith.addi %add3A_441, %scan3A_392 : i32
        %get3A_443 = arith.constant 2 : i32
        %get3A_444 = arith.index_cast %get3A_443 : i32 to index
        %get3A_445 = arith.index_cast %add3A_442 : i32 to index
        %get3A_446 = arith.constant 32 : index
        %get3A_447 = tpu.vector_load %arg8[%get3A_444, %get3A_445, %get3A_446] {strides = array<i32>} : memref<5x160x128xf32, #tpu.memory_space<vmem>>, vector<1x1x16xf32>,
        %get3A_448 = vector.shape_cast %get3A_447 : vector<1x1x16xf32> to vector<16xf32>
        %mul3A_449 = arith.mulf %get3A_440, %get3A_448 : vector<16xf32>
        %swap3A_450 = arith.constant 2 : i32
        %swap3A_451 = arith.index_cast %swap3A_450 : i32 to index
        %swap3A_452 = arith.index_cast %scan3A_392 : i32 to index
        %swap3A_453 = arith.constant 32 : index
        %swap3A_454 = tpu.vector_load %arg8[%swap3A_451, %swap3A_452, %swap3A_453] {strides = array<i32>} : memref<5x160x128xf32, #tpu.memory_space<vmem>>, vector<1x1x16xf32>,
        %swap3A_455 = vector.shape_cast %swap3A_454 : vector<1x1x16xf32> to vector<16xf32>
        %swap3A_456 = vector.shape_cast %mul3A_449 : vector<16xf32> to vector<1x1x16xf32>
        tpu.vector_store %arg8[%swap3A_451, %swap3A_452, %swap3A_453], %swap3A_456 {strides = array<i32>} : memref<5x160x128xf32, #tpu.memory_space<vmem>>, vector<1x1x16xf32>,
        %get3A_457 = arith.constant 2 : i32
        %get3A_458 = arith.index_cast %get3A_457 : i32 to index
        %get3A_459 = arith.index_cast %scan3A_392 : i32 to index
        %get3A_460 = arith.constant 48 : index
        %get3A_461 = tpu.vector_load %arg8[%get3A_458, %get3A_459, %get3A_460] {strides = array<i32>} : memref<5x160x128xf32, #tpu.memory_space<vmem>>, vector<1x1x16xf32>,
        %get3A_462 = vector.shape_cast %get3A_461 : vector<1x1x16xf32> to vector<16xf32>
        %add3A_463 = arith.constant 80 : i32
        %add3A_464 = arith.addi %add3A_463, %scan3A_392 : i32
        %get3A_465 = arith.constant 2 : i32
        %get3A_466 = arith.index_cast %get3A_465 : i32 to index
        %get3A_467 = arith.index_cast %add3A_464 : i32 to index
        %get3A_468 = arith.constant 48 : index
        %get3A_469 = tpu.vector_load %arg8[%get3A_466, %get3A_467, %get3A_468] {strides = array<i32>} : memref<5x160x128xf32, #tpu.memory_space<vmem>>, vector<1x1x16xf32>,
        %get3A_470 = vector.shape_cast %get3A_469 : vector<1x1x16xf32> to vector<16xf32>
        %mul3A_471 = arith.mulf %get3A_462, %get3A_470 : vector<16xf32>
        %swap3A_472 = arith.constant 2 : i32
        %swap3A_473 = arith.index_cast %swap3A_472 : i32 to index
        %swap3A_474 = arith.index_cast %scan3A_392 : i32 to index
        %swap3A_475 = arith.constant 48 : index
        %swap3A_476 = tpu.vector_load %arg8[%swap3A_473, %swap3A_474, %swap3A_475] {strides = array<i32>} : memref<5x160x128xf32, #tpu.memory_space<vmem>>, vector<1x1x16xf32>,
        %swap3A_477 = vector.shape_cast %swap3A_476 : vector<1x1x16xf32> to vector<16xf32>
        %swap3A_478 = vector.shape_cast %mul3A_471 : vector<16xf32> to vector<1x1x16xf32>
        tpu.vector_store %arg8[%swap3A_473, %swap3A_474, %swap3A_475], %swap3A_478 {strides = array<i32>} : memref<5x160x128xf32, #tpu.memory_space<vmem>>, vector<1x1x16xf32>,
        %get3A_479 = arith.constant 2 : i32
        %get3A_480 = arith.index_cast %get3A_479 : i32 to index
        %get3A_481 = arith.index_cast %scan3A_392 : i32 to index
        %get3A_482 = arith.constant 64 : index
        %get3A_483 = tpu.vector_load %arg8[%get3A_480, %get3A_481, %get3A_482] {strides = array<i32>} : memref<5x160x128xf32, #tpu.memory_space<vmem>>, vector<1x1x16xf32>,
        %get3A_484 = vector.shape_cast %get3A_483 : vector<1x1x16xf32> to vector<16xf32>
        %add3A_485 = arith.constant 80 : i32
        %add3A_486 = arith.addi %add3A_485, %scan3A_392 : i32
        %get3A_487 = arith.constant 2 : i32
        %get3A_488 = arith.index_cast %get3A_487 : i32 to index
        %get3A_489 = arith.index_cast %add3A_486 : i32 to index
        %get3A_490 = arith.constant 64 : index
        %get3A_491 = tpu.vector_load %arg8[%get3A_488, %get3A_489, %get3A_490] {strides = array<i32>} : memref<5x160x128xf32, #tpu.memory_space<vmem>>, vector<1x1x16xf32>,
        %get3A_492 = vector.shape_cast %get3A_491 : vector<1x1x16xf32> to vector<16xf32>
        %mul3A_493 = arith.mulf %get3A_484, %get3A_492 : vector<16xf32>
        %swap3A_494 = arith.constant 2 : i32
        %swap3A_495 = arith.index_cast %swap3A_494 : i32 to index
        %swap3A_496 = arith.index_cast %scan3A_392 : i32 to index
        %swap3A_497 = arith.constant 64 : index
        %swap3A_498 = tpu.vector_load %arg8[%swap3A_495, %swap3A_496, %swap3A_497] {strides = array<i32>} : memref<5x160x128xf32, #tpu.memory_space<vmem>>, vector<1x1x16xf32>,
        %swap3A_499 = vector.shape_cast %swap3A_498 : vector<1x1x16xf32> to vector<16xf32>
        %swap3A_500 = vector.shape_cast %mul3A_493 : vector<16xf32> to vector<1x1x16xf32>
        tpu.vector_store %arg8[%swap3A_495, %swap3A_496, %swap3A_497], %swap3A_500 {strides = array<i32>} : memref<5x160x128xf32, #tpu.memory_space<vmem>>, vector<1x1x16xf32>,
        %get3A_501 = arith.constant 2 : i32
        %get3A_502 = arith.index_cast %get3A_501 : i32 to index
        %get3A_503 = arith.index_cast %scan3A_392 : i32 to index
        %get3A_504 = arith.constant 80 : index
        %get3A_505 = tpu.vector_load %arg8[%get3A_502, %get3A_503, %get3A_504] {strides = array<i32>} : memref<5x160x128xf32, #tpu.memory_space<vmem>>, vector<1x1x16xf32>,
        %get3A_506 = vector.shape_cast %get3A_505 : vector<1x1x16xf32> to vector<16xf32>
        %add3A_507 = arith.constant 80 : i32
        %add3A_508 = arith.addi %add3A_507, %scan3A_392 : i32
        %get3A_509 = arith.constant 2 : i32
        %get3A_510 = arith.index_cast %get3A_509 : i32 to index
        %get3A_511 = arith.index_cast %add3A_508 : i32 to index
        %get3A_512 = arith.constant 80 : index
        %get3A_513 = tpu.vector_load %arg8[%get3A_510, %get3A_511, %get3A_512] {strides = array<i32>} : memref<5x160x128xf32, #tpu.memory_space<vmem>>, vector<1x1x16xf32>,
        %get3A_514 = vector.shape_cast %get3A_513 : vector<1x1x16xf32> to vector<16xf32>
        %mul3A_515 = arith.mulf %get3A_506, %get3A_514 : vector<16xf32>
        %swap3A_516 = arith.constant 2 : i32
        %swap3A_517 = arith.index_cast %swap3A_516 : i32 to index
        %swap3A_518 = arith.index_cast %scan3A_392 : i32 to index
        %swap3A_519 = arith.constant 80 : index
        %swap3A_520 = tpu.vector_load %arg8[%swap3A_517, %swap3A_518, %swap3A_519] {strides = array<i32>} : memref<5x160x128xf32, #tpu.memory_space<vmem>>, vector<1x1x16xf32>,
        %swap3A_521 = vector.shape_cast %swap3A_520 : vector<1x1x16xf32> to vector<16xf32>
        %swap3A_522 = vector.shape_cast %mul3A_515 : vector<16xf32> to vector<1x1x16xf32>
        tpu.vector_store %arg8[%swap3A_517, %swap3A_518, %swap3A_519], %swap3A_522 {strides = array<i32>} : memref<5x160x128xf32, #tpu.memory_space<vmem>>, vector<1x1x16xf32>,
        %get3A_523 = arith.constant 2 : i32
        %get3A_524 = arith.index_cast %get3A_523 : i32 to index
        %get3A_525 = arith.index_cast %scan3A_392 : i32 to index
        %get3A_526 = arith.constant 96 : index
        %get3A_527 = tpu.vector_load %arg8[%get3A_524, %get3A_525, %get3A_526] {strides = array<i32>} : memref<5x160x128xf32, #tpu.memory_space<vmem>>, vector<1x1x16xf32>,
        %get3A_528 = vector.shape_cast %get3A_527 : vector<1x1x16xf32> to vector<16xf32>
        %add3A_529 = arith.constant 80 : i32
        %add3A_530 = arith.addi %add3A_529, %scan3A_392 : i32
        %get3A_531 = arith.constant 2 : i32
        %get3A_532 = arith.index_cast %get3A_531 : i32 to index
        %get3A_533 = arith.index_cast %add3A_530 : i32 to index
        %get3A_534 = arith.constant 96 : index
        %get3A_535 = tpu.vector_load %arg8[%get3A_532, %get3A_533, %get3A_534] {strides = array<i32>} : memref<5x160x128xf32, #tpu.memory_space<vmem>>, vector<1x1x16xf32>,
        %get3A_536 = vector.shape_cast %get3A_535 : vector<1x1x16xf32> to vector<16xf32>
        %mul3A_537 = arith.mulf %get3A_528, %get3A_536 : vector<16xf32>
        %swap3A_538 = arith.constant 2 : i32
        %swap3A_539 = arith.index_cast %swap3A_538 : i32 to index
        %swap3A_540 = arith.index_cast %scan3A_392 : i32 to index
        %swap3A_541 = arith.constant 96 : index
        %swap3A_542 = tpu.vector_load %arg8[%swap3A_539, %swap3A_540, %swap3A_541] {strides = array<i32>} : memref<5x160x128xf32, #tpu.memory_space<vmem>>, vector<1x1x16xf32>,
        %swap3A_543 = vector.shape_cast %swap3A_542 : vector<1x1x16xf32> to vector<16xf32>
        %swap3A_544 = vector.shape_cast %mul3A_537 : vector<16xf32> to vector<1x1x16xf32>
        tpu.vector_store %arg8[%swap3A_539, %swap3A_540, %swap3A_541], %swap3A_544 {strides = array<i32>} : memref<5x160x128xf32, #tpu.memory_space<vmem>>, vector<1x1x16xf32>,
        %get3A_545 = arith.constant 2 : i32
        %get3A_546 = arith.index_cast %get3A_545 : i32 to index
        %get3A_547 = arith.index_cast %scan3A_392 : i32 to index
        %get3A_548 = arith.constant 112 : index
        %get3A_549 = tpu.vector_load %arg8[%get3A_546, %get3A_547, %get3A_548] {strides = array<i32>} : memref<5x160x128xf32, #tpu.memory_space<vmem>>, vector<1x1x16xf32>,
        %get3A_550 = vector.shape_cast %get3A_549 : vector<1x1x16xf32> to vector<16xf32>
        %add3A_551 = arith.constant 80 : i32
        %add3A_552 = arith.addi %add3A_551, %scan3A_392 : i32
        %get3A_553 = arith.constant 2 : i32
        %get3A_554 = arith.index_cast %get3A_553 : i32 to index
        %get3A_555 = arith.index_cast %add3A_552 : i32 to index
        %get3A_556 = arith.constant 112 : index
        %get3A_557 = tpu.vector_load %arg8[%get3A_554, %get3A_555, %get3A_556] {strides = array<i32>} : memref<5x160x128xf32, #tpu.memory_space<vmem>>, vector<1x1x16xf32>,
        %get3A_558 = vector.shape_cast %get3A_557 : vector<1x1x16xf32> to vector<16xf32>
        %mul3A_559 = arith.mulf %get3A_550, %get3A_558 : vector<16xf32>
        %swap3A_560 = arith.constant 2 : i32
        %swap3A_561 = arith.index_cast %swap3A_560 : i32 to index
        %swap3A_562 = arith.index_cast %scan3A_392 : i32 to index
        %swap3A_563 = arith.constant 112 : index
        %swap3A_564 = tpu.vector_load %arg8[%swap3A_561, %swap3A_562, %swap3A_563] {strides = array<i32>} : memref<5x160x128xf32, #tpu.memory_space<vmem>>, vector<1x1x16xf32>,
        %swap3A_565 = vector.shape_cast %swap3A_564 : vector<1x1x16xf32> to vector<16xf32>
        %swap3A_566 = vector.shape_cast %mul3A_559 : vector<16xf32> to vector<1x1x16xf32>
        tpu.vector_store %arg8[%swap3A_561, %swap3A_562, %swap3A_563], %swap3A_566 {strides = array<i32>} : memref<5x160x128xf32, #tpu.memory_space<vmem>>, vector<1x1x16xf32>,
        %scan3A_567 = arith.constant 1 : i32
        %scan3A_568 = arith.addi %scan3A_392, %scan3A_567 : i32
        %get3A_569 = arith.constant 2 : i32
        %get3A_570 = arith.index_cast %get3A_569 : i32 to index
        %get3A_571 = arith.index_cast %scan3A_568 : i32 to index
        %get3A_572 = arith.constant 0 : index
        %get3A_573 = tpu.vector_load %arg8[%get3A_570, %get3A_571, %get3A_572] {strides = array<i32>} : memref<5x160x128xf32, #tpu.memory_space<vmem>>, vector<1x1x16xf32>,
        %get3A_574 = vector.shape_cast %get3A_573 : vector<1x1x16xf32> to vector<16xf32>
        %add3A_575 = arith.constant 80 : i32
        %add3A_576 = arith.addi %add3A_575, %scan3A_568 : i32
        %get3A_577 = arith.constant 2 : i32
        %get3A_578 = arith.index_cast %get3A_577 : i32 to index
        %get3A_579 = arith.index_cast %add3A_576 : i32 to index
        %get3A_580 = arith.constant 0 : index
        %get3A_581 = tpu.vector_load %arg8[%get3A_578, %get3A_579, %get3A_580] {strides = array<i32>} : memref<5x160x128xf32, #tpu.memory_space<vmem>>, vector<1x1x16xf32>,
        %get3A_582 = vector.shape_cast %get3A_581 : vector<1x1x16xf32> to vector<16xf32>
        %mul3A_583 = arith.mulf %get3A_574, %get3A_582 : vector<16xf32>
        %swap3A_584 = arith.constant 2 : i32
        %swap3A_585 = arith.index_cast %swap3A_584 : i32 to index
        %swap3A_586 = arith.index_cast %scan3A_568 : i32 to index
        %swap3A_587 = arith.constant 0 : index
        %swap3A_588 = tpu.vector_load %arg8[%swap3A_585, %swap3A_586, %swap3A_587] {strides = array<i32>} : memref<5x160x128xf32, #tpu.memory_space<vmem>>, vector<1x1x16xf32>,
        %swap3A_589 = vector.shape_cast %swap3A_588 : vector<1x1x16xf32> to vector<16xf32>
        %swap3A_590 = vector.shape_cast %mul3A_583 : vector<16xf32> to vector<1x1x16xf32>
        tpu.vector_store %arg8[%swap3A_585, %swap3A_586, %swap3A_587], %swap3A_590 {strides = array<i32>} : memref<5x160x128xf32, #tpu.memory_space<vmem>>, vector<1x1x16xf32>,
        %get3A_591 = arith.constant 2 : i32
        %get3A_592 = arith.index_cast %get3A_591 : i32 to index
        %get3A_593 = arith.index_cast %scan3A_568 : i32 to index
        %get3A_594 = arith.constant 16 : index
        %get3A_595 = tpu.vector_load %arg8[%get3A_592, %get3A_593, %get3A_594] {strides = array<i32>} : memref<5x160x128xf32, #tpu.memory_space<vmem>>, vector<1x1x16xf32>,
        %get3A_596 = vector.shape_cast %get3A_595 : vector<1x1x16xf32> to vector<16xf32>
        %add3A_597 = arith.constant 80 : i32
        %add3A_598 = arith.addi %add3A_597, %scan3A_568 : i32
        %get3A_599 = arith.constant 2 : i32
        %get3A_600 = arith.index_cast %get3A_599 : i32 to index
        %get3A_601 = arith.index_cast %add3A_598 : i32 to index
        %get3A_602 = arith.constant 16 : index
        %get3A_603 = tpu.vector_load %arg8[%get3A_600, %get3A_601, %get3A_602] {strides = array<i32>} : memref<5x160x128xf32, #tpu.memory_space<vmem>>, vector<1x1x16xf32>,
        %get3A_604 = vector.shape_cast %get3A_603 : vector<1x1x16xf32> to vector<16xf32>
        %mul3A_605 = arith.mulf %get3A_596, %get3A_604 : vector<16xf32>
        %swap3A_606 = arith.constant 2 : i32
        %swap3A_607 = arith.index_cast %swap3A_606 : i32 to index
        %swap3A_608 = arith.index_cast %scan3A_568 : i32 to index
        %swap3A_609 = arith.constant 16 : index
        %swap3A_610 = tpu.vector_load %arg8[%swap3A_607, %swap3A_608, %swap3A_609] {strides = array<i32>} : memref<5x160x128xf32, #tpu.memory_space<vmem>>, vector<1x1x16xf32>,
        %swap3A_611 = vector.shape_cast %swap3A_610 : vector<1x1x16xf32> to vector<16xf32>
        %swap3A_612 = vector.shape_cast %mul3A_605 : vector<16xf32> to vector<1x1x16xf32>
        tpu.vector_store %arg8[%swap3A_607, %swap3A_608, %swap3A_609], %swap3A_612 {strides = array<i32>} : memref<5x160x128xf32, #tpu.memory_space<vmem>>, vector<1x1x16xf32>,
        %get3A_613 = arith.constant 2 : i32
        %get3A_614 = arith.index_cast %get3A_613 : i32 to index
        %get3A_615 = arith.index_cast %scan3A_568 : i32 to index
        %get3A_616 = arith.constant 32 : index
        %get3A_617 = tpu.vector_load %arg8[%get3A_614, %get3A_615, %get3A_616] {strides = array<i32>} : memref<5x160x128xf32, #tpu.memory_space<vmem>>, vector<1x1x16xf32>,
        %get3A_618 = vector.shape_cast %get3A_617 : vector<1x1x16xf32> to vector<16xf32>
        %add3A_619 = arith.constant 80 : i32
        %add3A_620 = arith.addi %add3A_619, %scan3A_568 : i32
        %get3A_621 = arith.constant 2 : i32
        %get3A_622 = arith.index_cast %get3A_621 : i32 to index
        %get3A_623 = arith.index_cast %add3A_620 : i32 to index
        %get3A_624 = arith.constant 32 : index
        %get3A_625 = tpu.vector_load %arg8[%get3A_622, %get3A_623, %get3A_624] {strides = array<i32>} : memref<5x160x128xf32, #tpu.memory_space<vmem>>, vector<1x1x16xf32>,
        %get3A_626 = vector.shape_cast %get3A_625 : vector<1x1x16xf32> to vector<16xf32>
        %mul3A_627 = arith.mulf %get3A_618, %get3A_626 : vector<16xf32>
        %swap3A_628 = arith.constant 2 : i32
        %swap3A_629 = arith.index_cast %swap3A_628 : i32 to index
        %swap3A_630 = arith.index_cast %scan3A_568 : i32 to index
        %swap3A_631 = arith.constant 32 : index
        %swap3A_632 = tpu.vector_load %arg8[%swap3A_629, %swap3A_630, %swap3A_631] {strides = array<i32>} : memref<5x160x128xf32, #tpu.memory_space<vmem>>, vector<1x1x16xf32>,
        %swap3A_633 = vector.shape_cast %swap3A_632 : vector<1x1x16xf32> to vector<16xf32>
        %swap3A_634 = vector.shape_cast %mul3A_627 : vector<16xf32> to vector<1x1x16xf32>
        tpu.vector_store %arg8[%swap3A_629, %swap3A_630, %swap3A_631], %swap3A_634 {strides = array<i32>} : memref<5x160x128xf32, #tpu.memory_space<vmem>>, vector<1x1x16xf32>,
        %get3A_635 = arith.constant 2 : i32
        %get3A_636 = arith.index_cast %get3A_635 : i32 to index
        %get3A_637 = arith.index_cast %scan3A_568 : i32 to index
        %get3A_638 = arith.constant 48 : index
        %get3A_639 = tpu.vector_load %arg8[%get3A_636, %get3A_637, %get3A_638] {strides = array<i32>} : memref<5x160x128xf32, #tpu.memory_space<vmem>>, vector<1x1x16xf32>,
        %get3A_640 = vector.shape_cast %get3A_639 : vector<1x1x16xf32> to vector<16xf32>
        %add3A_641 = arith.constant 80 : i32
        %add3A_642 = arith.addi %add3A_641, %scan3A_568 : i32
        %get3A_643 = arith.constant 2 : i32
        %get3A_644 = arith.index_cast %get3A_643 : i32 to index
        %get3A_645 = arith.index_cast %add3A_642 : i32 to index
        %get3A_646 = arith.constant 48 : index
        %get3A_647 = tpu.vector_load %arg8[%get3A_644, %get3A_645, %get3A_646] {strides = array<i32>} : memref<5x160x128xf32, #tpu.memory_space<vmem>>, vector<1x1x16xf32>,
        %get3A_648 = vector.shape_cast %get3A_647 : vector<1x1x16xf32> to vector<16xf32>
        %mul3A_649 = arith.mulf %get3A_640, %get3A_648 : vector<16xf32>
        %swap3A_650 = arith.constant 2 : i32
        %swap3A_651 = arith.index_cast %swap3A_650 : i32 to index
        %swap3A_652 = arith.index_cast %scan3A_568 : i32 to index
        %swap3A_653 = arith.constant 48 : index
        %swap3A_654 = tpu.vector_load %arg8[%swap3A_651, %swap3A_652, %swap3A_653] {strides = array<i32>} : memref<5x160x128xf32, #tpu.memory_space<vmem>>, vector<1x1x16xf32>,
        %swap3A_655 = vector.shape_cast %swap3A_654 : vector<1x1x16xf32> to vector<16xf32>
        %swap3A_656 = vector.shape_cast %mul3A_649 : vector<16xf32> to vector<1x1x16xf32>
        tpu.vector_store %arg8[%swap3A_651, %swap3A_652, %swap3A_653], %swap3A_656 {strides = array<i32>} : memref<5x160x128xf32, #tpu.memory_space<vmem>>, vector<1x1x16xf32>,
        %get3A_657 = arith.constant 2 : i32
        %get3A_658 = arith.index_cast %get3A_657 : i32 to index
        %get3A_659 = arith.index_cast %scan3A_568 : i32 to index
        %get3A_660 = arith.constant 64 : index
        %get3A_661 = tpu.vector_load %arg8[%get3A_658, %get3A_659, %get3A_660] {strides = array<i32>} : memref<5x160x128xf32, #tpu.memory_space<vmem>>, vector<1x1x16xf32>,
        %get3A_662 = vector.shape_cast %get3A_661 : vector<1x1x16xf32> to vector<16xf32>
        %add3A_663 = arith.constant 80 : i32
        %add3A_664 = arith.addi %add3A_663, %scan3A_568 : i32
        %get3A_665 = arith.constant 2 : i32
        %get3A_666 = arith.index_cast %get3A_665 : i32 to index
        %get3A_667 = arith.index_cast %add3A_664 : i32 to index
        %get3A_668 = arith.constant 64 : index
        %get3A_669 = tpu.vector_load %arg8[%get3A_666, %get3A_667, %get3A_668] {strides = array<i32>} : memref<5x160x128xf32, #tpu.memory_space<vmem>>, vector<1x1x16xf32>,
        %get3A_670 = vector.shape_cast %get3A_669 : vector<1x1x16xf32> to vector<16xf32>
        %mul3A_671 = arith.mulf %get3A_662, %get3A_670 : vector<16xf32>
        %swap3A_672 = arith.constant 2 : i32
        %swap3A_673 = arith.index_cast %swap3A_672 : i32 to index
        %swap3A_674 = arith.index_cast %scan3A_568 : i32 to index
        %swap3A_675 = arith.constant 64 : index
        %swap3A_676 = tpu.vector_load %arg8[%swap3A_673, %swap3A_674, %swap3A_675] {strides = array<i32>} : memref<5x160x128xf32, #tpu.memory_space<vmem>>, vector<1x1x16xf32>,
        %swap3A_677 = vector.shape_cast %swap3A_676 : vector<1x1x16xf32> to vector<16xf32>
        %swap3A_678 = vector.shape_cast %mul3A_671 : vector<16xf32> to vector<1x1x16xf32>
        tpu.vector_store %arg8[%swap3A_673, %swap3A_674, %swap3A_675], %swap3A_678 {strides = array<i32>} : memref<5x160x128xf32, #tpu.memory_space<vmem>>, vector<1x1x16xf32>,
        %get3A_679 = arith.constant 2 : i32
        %get3A_680 = arith.index_cast %get3A_679 : i32 to index
        %get3A_681 = arith.index_cast %scan3A_568 : i32 to index
        %get3A_682 = arith.constant 80 : index
        %get3A_683 = tpu.vector_load %arg8[%get3A_680, %get3A_681, %get3A_682] {strides = array<i32>} : memref<5x160x128xf32, #tpu.memory_space<vmem>>, vector<1x1x16xf32>,
        %get3A_684 = vector.shape_cast %get3A_683 : vector<1x1x16xf32> to vector<16xf32>
        %add3A_685 = arith.constant 80 : i32
        %add3A_686 = arith.addi %add3A_685, %scan3A_568 : i32
        %get3A_687 = arith.constant 2 : i32
        %get3A_688 = arith.index_cast %get3A_687 : i32 to index
        %get3A_689 = arith.index_cast %add3A_686 : i32 to index
        %get3A_690 = arith.constant 80 : index
        %get3A_691 = tpu.vector_load %arg8[%get3A_688, %get3A_689, %get3A_690] {strides = array<i32>} : memref<5x160x128xf32, #tpu.memory_space<vmem>>, vector<1x1x16xf32>,
        %get3A_692 = vector.shape_cast %get3A_691 : vector<1x1x16xf32> to vector<16xf32>
        %mul3A_693 = arith.mulf %get3A_684, %get3A_692 : vector<16xf32>
        %swap3A_694 = arith.constant 2 : i32
        %swap3A_695 = arith.index_cast %swap3A_694 : i32 to index
        %swap3A_696 = arith.index_cast %scan3A_568 : i32 to index
        %swap3A_697 = arith.constant 80 : index
        %swap3A_698 = tpu.vector_load %arg8[%swap3A_695, %swap3A_696, %swap3A_697] {strides = array<i32>} : memref<5x160x128xf32, #tpu.memory_space<vmem>>, vector<1x1x16xf32>,
        %swap3A_699 = vector.shape_cast %swap3A_698 : vector<1x1x16xf32> to vector<16xf32>
        %swap3A_700 = vector.shape_cast %mul3A_693 : vector<16xf32> to vector<1x1x16xf32>
        tpu.vector_store %arg8[%swap3A_695, %swap3A_696, %swap3A_697], %swap3A_700 {strides = array<i32>} : memref<5x160x128xf32, #tpu.memory_space<vmem>>, vector<1x1x16xf32>,
        %get3A_701 = arith.constant 2 : i32
        %get3A_702 = arith.index_cast %get3A_701 : i32 to index
        %get3A_703 = arith.index_cast %scan3A_568 : i32 to index
        %get3A_704 = arith.constant 96 : index
        %get3A_705 = tpu.vector_load %arg8[%get3A_702, %get3A_703, %get3A_704] {strides = array<i32>} : memref<5x160x128xf32, #tpu.memory_space<vmem>>, vector<1x1x16xf32>,
        %get3A_706 = vector.shape_cast %get3A_705 : vector<1x1x16xf32> to vector<16xf32>
        %add3A_707 = arith.constant 80 : i32
        %add3A_708 = arith.addi %add3A_707, %scan3A_568 : i32
        %get3A_709 = arith.constant 2 : i32
        %get3A_710 = arith.index_cast %get3A_709 : i32 to index
        %get3A_711 = arith.index_cast %add3A_708 : i32 to index
        %get3A_712 = arith.constant 96 : index
        %get3A_713 = tpu.vector_load %arg8[%get3A_710, %get3A_711, %get3A_712] {strides = array<i32>} : memref<5x160x128xf32, #tpu.memory_space<vmem>>, vector<1x1x16xf32>,
        %get3A_714 = vector.shape_cast %get3A_713 : vector<1x1x16xf32> to vector<16xf32>
        %mul3A_715 = arith.mulf %get3A_706, %get3A_714 : vector<16xf32>
        %swap3A_716 = arith.constant 2 : i32
        %swap3A_717 = arith.index_cast %swap3A_716 : i32 to index
        %swap3A_718 = arith.index_cast %scan3A_568 : i32 to index
        %swap3A_719 = arith.constant 96 : index
        %swap3A_720 = tpu.vector_load %arg8[%swap3A_717, %swap3A_718, %swap3A_719] {strides = array<i32>} : memref<5x160x128xf32, #tpu.memory_space<vmem>>, vector<1x1x16xf32>,
        %swap3A_721 = vector.shape_cast %swap3A_720 : vector<1x1x16xf32> to vector<16xf32>
        %swap3A_722 = vector.shape_cast %mul3A_715 : vector<16xf32> to vector<1x1x16xf32>
        tpu.vector_store %arg8[%swap3A_717, %swap3A_718, %swap3A_719], %swap3A_722 {strides = array<i32>} : memref<5x160x128xf32, #tpu.memory_space<vmem>>, vector<1x1x16xf32>,
        %get3A_723 = arith.constant 2 : i32
        %get3A_724 = arith.index_cast %get3A_723 : i32 to index
        %get3A_725 = arith.index_cast %scan3A_568 : i32 to index
        %get3A_726 = arith.constant 112 : index
        %get3A_727 = tpu.vector_load %arg8[%get3A_724, %get3A_725, %get3A_726] {strides = array<i32>} : memref<5x160x128xf32, #tpu.memory_space<vmem>>, vector<1x1x16xf32>,
        %get3A_728 = vector.shape_cast %get3A_727 : vector<1x1x16xf32> to vector<16xf32>
        %add3A_729 = arith.constant 80 : i32
        %add3A_730 = arith.addi %add3A_729, %scan3A_568 : i32
        %get3A_731 = arith.constant 2 : i32
        %get3A_732 = arith.index_cast %get3A_731 : i32 to index
        %get3A_733 = arith.index_cast %add3A_730 : i32 to index
        %get3A_734 = arith.constant 112 : index
        %get3A_735 = tpu.vector_load %arg8[%get3A_732, %get3A_733, %get3A_734] {strides = array<i32>} : memref<5x160x128xf32, #tpu.memory_space<vmem>>, vector<1x1x16xf32>,
        %get3A_736 = vector.shape_cast %get3A_735 : vector<1x1x16xf32> to vector<16xf32>
        %mul3A_737 = arith.mulf %get3A_728, %get3A_736 : vector<16xf32>
        %swap3A_738 = arith.constant 2 : i32
        %swap3A_739 = arith.index_cast %swap3A_738 : i32 to index
        %swap3A_740 = arith.index_cast %scan3A_568 : i32 to index
        %swap3A_741 = arith.constant 112 : index
        %swap3A_742 = tpu.vector_load %arg8[%swap3A_739, %swap3A_740, %swap3A_741] {strides = array<i32>} : memref<5x160x128xf32, #tpu.memory_space<vmem>>, vector<1x1x16xf32>,
        %swap3A_743 = vector.shape_cast %swap3A_742 : vector<1x1x16xf32> to vector<16xf32>
        %swap3A_744 = vector.shape_cast %mul3A_737 : vector<16xf32> to vector<1x1x16xf32>
        tpu.vector_store %arg8[%swap3A_739, %swap3A_740, %swap3A_741], %swap3A_744 {strides = array<i32>} : memref<5x160x128xf32, #tpu.memory_space<vmem>>, vector<1x1x16xf32>,
      }
      %scan3A_272 = arith.constant 80 : i32
      %mul3A_273 = arith.constant 80 : i32
      %mul3A_274 = arith.muli %add3A_246, %mul3A_273 : i32
      %add3A_275 = arith.addi %mul3A_2, %mul3A_274 : i32
      %dma_start3A_276 = arith.constant 2 : i32
      %dma_start3A_277 = arith.constant 0 : i32
      %dma_start3A_278 = arith.constant 0 : i32
      %dma_start3A_279 = tpu.memref_slice %arg8[%dma_start3A_276, %dma_start3A_277, %dma_start3A_278] : memref<5x160x128xf32, #tpu.memory_space<vmem>> -> memref<1x80x128xf32, #tpu.memory_space<vmem>>
      %dma_start3A_280 = tpu.memref_squeeze %dma_start3A_279 : memref<1x80x128xf32, #tpu.memory_space<vmem>> -> memref<80x128xf32, #tpu.memory_space<vmem>>
      %dma_start3A_281 = arith.constant 0 : i32
      %dma_start3A_282 = tpu.memref_slice %arg5[%add3A_275, %dma_start3A_281] : memref<320000x128xf32, #tpu.memory_space<hbm>> -> memref<80x128xf32, #tpu.memory_space<hbm>>
      %dma_start3A_283 = arith.constant 0 : i32
      %dma_start3A_284 = tpu.memref_slice %arg5[%add3A_275, %dma_start3A_283] : memref<320000x128xf32, #tpu.memory_space<hbm>> -> memref<80x128xf32, #tpu.memory_space<hbm>>
      %dma_start3A_285 = arith.constant 0 : i32
      %dma_start3A_286 = arith.constant 0 : i32
      %dma_start3A_287 = tpu.memref_slice %arg8[%dma_start3A_276, %dma_start3A_285, %dma_start3A_286] : memref<5x160x128xf32, #tpu.memory_space<vmem>> -> memref<1x80x128xf32, #tpu.memory_space<vmem>>
      %dma_start3A_288 = tpu.memref_squeeze %dma_start3A_287 : memref<1x80x128xf32, #tpu.memory_space<vmem>> -> memref<80x128xf32, #tpu.memory_space<vmem>>
      tpu.enqueue_dma source(%dma_start3A_288 : memref<80x128xf32, #tpu.memory_space<vmem>>) target(%dma_start3A_284 : memref<80x128xf32, #tpu.memory_space<hbm>>) target_semaphore(%arg16 : memref<!tpu.dma_semaphore, #tpu.memory_space<semaphore_mem>>)
      %lt3A_289 = arith.constant 122 : i32
      %lt3A_290 = arith.cmpi slt, %add3A_246, %lt3A_289 : i32
      %convert_element_type3A_291 = arith.extui %lt3A_290 : i1 to i32
      %cond3A_292 = arith.constant 0 : i32
      %cond3A_293 = arith.cmpi ne, %convert_element_type3A_291, %cond3A_292 : i32
      scf.if %cond3A_293 {
        %ge3A = arith.constant 2 : i32
        %ge3A_392 = arith.cmpi sge, %add3A_246, %ge3A : i32
        %convert_element_type3A_393 = arith.extui %ge3A_392 : i1 to i32
        %cond3A_394 = arith.constant 0 : i32
        %cond3A_395 = arith.cmpi ne, %convert_element_type3A_393, %cond3A_394 : i32
        scf.if %cond3A_395 {
          %add3A_418 = arith.constant 3 : i32
          %add3A_419 = arith.addi %add3A_246, %add3A_418 : i32
          %sub3A = arith.constant 5 : i32
          %sub3A_420 = arith.subi %add3A_419, %sub3A : i32
          %mul3A_421 = arith.constant 80 : i32
          %mul3A_422 = arith.muli %sub3A_420, %mul3A_421 : i32
          %add3A_423 = arith.addi %mul3A_2, %mul3A_422 : i32
          %dma_wait3A_424 = arith.constant 0 : i32
          %dma_wait3A_425 = arith.constant 0 : i32
          %dma_wait3A_426 = arith.constant 0 : i32
          %dma_wait3A_427 = tpu.memref_slice %arg8[%dma_wait3A_424, %dma_wait3A_425, %dma_wait3A_426] : memref<5x160x128xf32, #tpu.memory_space<vmem>> -> memref<1x80x128xf32, #tpu.memory_space<vmem>>
          %dma_wait3A_428 = tpu.memref_squeeze %dma_wait3A_427 : memref<1x80x128xf32, #tpu.memory_space<vmem>> -> memref<80x128xf32, #tpu.memory_space<vmem>>
          %dma_wait3A_429 = arith.constant 0 : i32
          %dma_wait3A_430 = tpu.memref_slice %arg5[%add3A_423, %dma_wait3A_429] : memref<320000x128xf32, #tpu.memory_space<hbm>> -> memref<80x128xf32, #tpu.memory_space<hbm>>
          %dma_wait3A_431 = arith.constant 0 : i32
          %dma_wait3A_432 = tpu.memref_slice %arg5[%add3A_423, %dma_wait3A_431] : memref<320000x128xf32, #tpu.memory_space<hbm>> -> memref<80x128xf32, #tpu.memory_space<hbm>>
          %dma_wait3A_433 = arith.constant 0 : i32
          %dma_wait3A_434 = arith.constant 0 : i32
          %dma_wait3A_435 = tpu.memref_slice %arg8[%dma_wait3A_424, %dma_wait3A_433, %dma_wait3A_434] : memref<5x160x128xf32, #tpu.memory_space<vmem>> -> memref<1x80x128xf32, #tpu.memory_space<vmem>>
          %dma_wait3A_436 = tpu.memref_squeeze %dma_wait3A_435 : memref<1x80x128xf32, #tpu.memory_space<vmem>> -> memref<80x128xf32, #tpu.memory_space<vmem>>
          tpu.wait_dma2 semaphore(%arg14 : memref<!tpu.dma_semaphore, #tpu.memory_space<semaphore_mem>>) src(%dma_wait3A_436 : memref<80x128xf32, #tpu.memory_space<vmem>>) dst(%dma_wait3A_432 : memref<80x128xf32, #tpu.memory_space<hbm>>)
        } else {
        }
        %add3A_396 = arith.constant 3 : i32
        %add3A_397 = arith.addi %add3A_246, %add3A_396 : i32
        %mul3A_398 = arith.constant 80 : i32
        %mul3A_399 = arith.muli %add3A_397, %mul3A_398 : i32
        %dma_start3A_400 = arith.constant 0 : i32
        %dma_start3A_401 = arith.constant 0 : i32
        %dma_start3A_402 = arith.constant 0 : i32
        %dma_start3A_403 = tpu.memref_slice %arg8[%dma_start3A_400, %dma_start3A_401, %dma_start3A_402] : memref<5x160x128xf32, #tpu.memory_space<vmem>> -> memref<1x80x128xf32, #tpu.memory_space<vmem>>
        %dma_start3A_404 = tpu.memref_squeeze %dma_start3A_403 : memref<1x80x128xf32, #tpu.memory_space<vmem>> -> memref<80x128xf32, #tpu.memory_space<vmem>>
        %dma_start3A_405 = tpu.memref_slice %arg6[%mul3A_399] : memref<10000xi32, #tpu.memory_space<vmem>> -> memref<80xi32, #tpu.memory_space<vmem>>
        %dma_start3A_406 = arith.constant 0 : i32
        %dma_start3A_407 = arith.constant 0 : i32
        %dma_start3A_408 = tpu.memref_slice %arg2[%dma_start3A_406, %dma_start3A_407] : memref<10000x128xf32, #tpu.memory_space<hbm>> -> memref<10000x128xf32, #tpu.memory_space<hbm>>
        tpu.enqueue_indirect_dma source(%dma_start3A_408 : memref<10000x128xf32, #tpu.memory_space<hbm>>) target(%dma_start3A_404 : memref<80x128xf32, #tpu.memory_space<vmem>>) offsets(%dma_start3A_405 : memref<80xi32, #tpu.memory_space<vmem>>) semaphore(%arg9 : memref<!tpu.dma_semaphore, #tpu.memory_space<semaphore_mem>>)
        %dma_start3A_409 = arith.constant 0 : i32
        %dma_start3A_410 = arith.constant 80 : i32
        %dma_start3A_411 = arith.constant 0 : i32
        %dma_start3A_412 = tpu.memref_slice %arg8[%dma_start3A_409, %dma_start3A_410, %dma_start3A_411] : memref<5x160x128xf32, #tpu.memory_space<vmem>> -> memref<1x80x128xf32, #tpu.memory_space<vmem>>
        %dma_start3A_413 = tpu.memref_squeeze %dma_start3A_412 : memref<1x80x128xf32, #tpu.memory_space<vmem>> -> memref<80x128xf32, #tpu.memory_space<vmem>>
        %dma_start3A_414 = tpu.memref_slice %arg7[%mul3A_399] : memref<10000xi32, #tpu.memory_space<vmem>> -> memref<80xi32, #tpu.memory_space<vmem>>
        %dma_start3A_415 = arith.constant 0 : i32
        %dma_start3A_416 = arith.constant 0 : i32
        %dma_start3A_417 = tpu.memref_slice %arg3[%dma_start3A_415, %dma_start3A_416] : memref<10000x128xf32, #tpu.memory_space<hbm>> -> memref<10000x128xf32, #tpu.memory_space<hbm>>
        tpu.enqueue_indirect_dma source(%dma_start3A_417 : memref<10000x128xf32, #tpu.memory_space<hbm>>) target(%dma_start3A_413 : memref<80x128xf32, #tpu.memory_space<vmem>>) offsets(%dma_start3A_414 : memref<80xi32, #tpu.memory_space<vmem>>) semaphore(%arg9 : memref<!tpu.dma_semaphore, #tpu.memory_space<semaphore_mem>>)
      } else {
      }
      %add3A_294 = arith.constant 3 : i32
      %add3A_295 = arith.addi %mul3A_149, %add3A_294 : i32
      %mul3A_296 = arith.constant 80 : i32
      %mul3A_297 = arith.muli %add3A_295, %mul3A_296 : i32
      %dma_wait3A_298 = arith.constant 3 : i32
      %dma_wait3A_299 = arith.constant 0 : i32
      %dma_wait3A_300 = arith.constant 0 : i32
      %dma_wait3A_301 = tpu.memref_slice %arg8[%dma_wait3A_298, %dma_wait3A_299, %dma_wait3A_300] : memref<5x160x128xf32, #tpu.memory_space<vmem>> -> memref<1x80x128xf32, #tpu.memory_space<vmem>>
      %dma_wait3A_302 = tpu.memref_squeeze %dma_wait3A_301 : memref<1x80x128xf32, #tpu.memory_space<vmem>> -> memref<80x128xf32, #tpu.memory_space<vmem>>
      %dma_wait3A_303 = tpu.memref_slice %arg6[%mul3A_297] : memref<10000xi32, #tpu.memory_space<vmem>> -> memref<80xi32, #tpu.memory_space<vmem>>
      %dma_wait3A_304 = arith.constant 0 : i32
      %dma_wait3A_305 = arith.constant 0 : i32
      %dma_wait3A_306 = tpu.memref_slice %arg2[%dma_wait3A_304, %dma_wait3A_305] : memref<10000x128xf32, #tpu.memory_space<hbm>> -> memref<10000x128xf32, #tpu.memory_space<hbm>>
      tpu.wait_indirect_dma semaphore(%arg12 : memref<!tpu.dma_semaphore, #tpu.memory_space<semaphore_mem>>) src(%dma_wait3A_306 : memref<10000x128xf32, #tpu.memory_space<hbm>>) dst(%dma_wait3A_302 : memref<80x128xf32, #tpu.memory_space<vmem>>)
      %dma_wait3A_307 = arith.constant 3 : i32
      %dma_wait3A_308 = arith.constant 80 : i32
      %dma_wait3A_309 = arith.constant 0 : i32
      %dma_wait3A_310 = tpu.memref_slice %arg8[%dma_wait3A_307, %dma_wait3A_308, %dma_wait3A_309] : memref<5x160x128xf32, #tpu.memory_space<vmem>> -> memref<1x80x128xf32, #tpu.memory_space<vmem>>
      %dma_wait3A_311 = tpu.memref_squeeze %dma_wait3A_310 : memref<1x80x128xf32, #tpu.memory_space<vmem>> -> memref<80x128xf32, #tpu.memory_space<vmem>>
      %dma_wait3A_312 = tpu.memref_slice %arg7[%mul3A_297] : memref<10000xi32, #tpu.memory_space<vmem>> -> memref<80xi32, #tpu.memory_space<vmem>>
      %dma_wait3A_313 = arith.constant 0 : i32
      %dma_wait3A_314 = arith.constant 0 : i32
      %dma_wait3A_315 = tpu.memref_slice %arg3[%dma_wait3A_313, %dma_wait3A_314] : memref<10000x128xf32, #tpu.memory_space<hbm>> -> memref<10000x128xf32, #tpu.memory_space<hbm>>
      tpu.wait_indirect_dma semaphore(%arg12 : memref<!tpu.dma_semaphore, #tpu.memory_space<semaphore_mem>>) src(%dma_wait3A_315 : memref<10000x128xf32, #tpu.memory_space<hbm>>) dst(%dma_wait3A_311 : memref<80x128xf32, #tpu.memory_space<vmem>>)
      %scan3A_316 = arith.constant 0 : i32
      %scan3A_317 = arith.constant 0 : i32
      %scan3A_318 = arith.constant 80 : i32
      %scan3A_319 = arith.addi %scan3A_317, %scan3A_318 : i32
      %scan3A_320 = arith.constant 2 : i32
      scf.for %scan3A_392 = %scan3A_317 to %scan3A_319 step %scan3A_320  : i32 {
        %get3A = arith.constant 3 : i32
        %get3A_393 = arith.index_cast %get3A : i32 to index
        %get3A_394 = arith.index_cast %scan3A_392 : i32 to index
        %get3A_395 = arith.constant 0 : index
        %get3A_396 = tpu.vector_load %arg8[%get3A_393, %get3A_394, %get3A_395] {strides = array<i32>} : memref<5x160x128xf32, #tpu.memory_space<vmem>>, vector<1x1x16xf32>,
        %get3A_397 = vector.shape_cast %get3A_396 : vector<1x1x16xf32> to vector<16xf32>
        %add3A_398 = arith.constant 80 : i32
        %add3A_399 = arith.addi %add3A_398, %scan3A_392 : i32
        %get3A_400 = arith.constant 3 : i32
        %get3A_401 = arith.index_cast %get3A_400 : i32 to index
        %get3A_402 = arith.index_cast %add3A_399 : i32 to index
        %get3A_403 = arith.constant 0 : index
        %get3A_404 = tpu.vector_load %arg8[%get3A_401, %get3A_402, %get3A_403] {strides = array<i32>} : memref<5x160x128xf32, #tpu.memory_space<vmem>>, vector<1x1x16xf32>,
        %get3A_405 = vector.shape_cast %get3A_404 : vector<1x1x16xf32> to vector<16xf32>
        %mul3A_406 = arith.mulf %get3A_397, %get3A_405 : vector<16xf32>
        %swap3A = arith.constant 3 : i32
        %swap3A_407 = arith.index_cast %swap3A : i32 to index
        %swap3A_408 = arith.index_cast %scan3A_392 : i32 to index
        %swap3A_409 = arith.constant 0 : index
        %swap3A_410 = tpu.vector_load %arg8[%swap3A_407, %swap3A_408, %swap3A_409] {strides = array<i32>} : memref<5x160x128xf32, #tpu.memory_space<vmem>>, vector<1x1x16xf32>,
        %swap3A_411 = vector.shape_cast %swap3A_410 : vector<1x1x16xf32> to vector<16xf32>
        %swap3A_412 = vector.shape_cast %mul3A_406 : vector<16xf32> to vector<1x1x16xf32>
        tpu.vector_store %arg8[%swap3A_407, %swap3A_408, %swap3A_409], %swap3A_412 {strides = array<i32>} : memref<5x160x128xf32, #tpu.memory_space<vmem>>, vector<1x1x16xf32>,
        %get3A_413 = arith.constant 3 : i32
        %get3A_414 = arith.index_cast %get3A_413 : i32 to index
        %get3A_415 = arith.index_cast %scan3A_392 : i32 to index
        %get3A_416 = arith.constant 16 : index
        %get3A_417 = tpu.vector_load %arg8[%get3A_414, %get3A_415, %get3A_416] {strides = array<i32>} : memref<5x160x128xf32, #tpu.memory_space<vmem>>, vector<1x1x16xf32>,
        %get3A_418 = vector.shape_cast %get3A_417 : vector<1x1x16xf32> to vector<16xf32>
        %add3A_419 = arith.constant 80 : i32
        %add3A_420 = arith.addi %add3A_419, %scan3A_392 : i32
        %get3A_421 = arith.constant 3 : i32
        %get3A_422 = arith.index_cast %get3A_421 : i32 to index
        %get3A_423 = arith.index_cast %add3A_420 : i32 to index
        %get3A_424 = arith.constant 16 : index
        %get3A_425 = tpu.vector_load %arg8[%get3A_422, %get3A_423, %get3A_424] {strides = array<i32>} : memref<5x160x128xf32, #tpu.memory_space<vmem>>, vector<1x1x16xf32>,
        %get3A_426 = vector.shape_cast %get3A_425 : vector<1x1x16xf32> to vector<16xf32>
        %mul3A_427 = arith.mulf %get3A_418, %get3A_426 : vector<16xf32>
        %swap3A_428 = arith.constant 3 : i32
        %swap3A_429 = arith.index_cast %swap3A_428 : i32 to index
        %swap3A_430 = arith.index_cast %scan3A_392 : i32 to index
        %swap3A_431 = arith.constant 16 : index
        %swap3A_432 = tpu.vector_load %arg8[%swap3A_429, %swap3A_430, %swap3A_431] {strides = array<i32>} : memref<5x160x128xf32, #tpu.memory_space<vmem>>, vector<1x1x16xf32>,
        %swap3A_433 = vector.shape_cast %swap3A_432 : vector<1x1x16xf32> to vector<16xf32>
        %swap3A_434 = vector.shape_cast %mul3A_427 : vector<16xf32> to vector<1x1x16xf32>
        tpu.vector_store %arg8[%swap3A_429, %swap3A_430, %swap3A_431], %swap3A_434 {strides = array<i32>} : memref<5x160x128xf32, #tpu.memory_space<vmem>>, vector<1x1x16xf32>,
        %get3A_435 = arith.constant 3 : i32
        %get3A_436 = arith.index_cast %get3A_435 : i32 to index
        %get3A_437 = arith.index_cast %scan3A_392 : i32 to index
        %get3A_438 = arith.constant 32 : index
        %get3A_439 = tpu.vector_load %arg8[%get3A_436, %get3A_437, %get3A_438] {strides = array<i32>} : memref<5x160x128xf32, #tpu.memory_space<vmem>>, vector<1x1x16xf32>,
        %get3A_440 = vector.shape_cast %get3A_439 : vector<1x1x16xf32> to vector<16xf32>
        %add3A_441 = arith.constant 80 : i32
        %add3A_442 = arith.addi %add3A_441, %scan3A_392 : i32
        %get3A_443 = arith.constant 3 : i32
        %get3A_444 = arith.index_cast %get3A_443 : i32 to index
        %get3A_445 = arith.index_cast %add3A_442 : i32 to index
        %get3A_446 = arith.constant 32 : index
        %get3A_447 = tpu.vector_load %arg8[%get3A_444, %get3A_445, %get3A_446] {strides = array<i32>} : memref<5x160x128xf32, #tpu.memory_space<vmem>>, vector<1x1x16xf32>,
        %get3A_448 = vector.shape_cast %get3A_447 : vector<1x1x16xf32> to vector<16xf32>
        %mul3A_449 = arith.mulf %get3A_440, %get3A_448 : vector<16xf32>
        %swap3A_450 = arith.constant 3 : i32
        %swap3A_451 = arith.index_cast %swap3A_450 : i32 to index
        %swap3A_452 = arith.index_cast %scan3A_392 : i32 to index
        %swap3A_453 = arith.constant 32 : index
        %swap3A_454 = tpu.vector_load %arg8[%swap3A_451, %swap3A_452, %swap3A_453] {strides = array<i32>} : memref<5x160x128xf32, #tpu.memory_space<vmem>>, vector<1x1x16xf32>,
        %swap3A_455 = vector.shape_cast %swap3A_454 : vector<1x1x16xf32> to vector<16xf32>
        %swap3A_456 = vector.shape_cast %mul3A_449 : vector<16xf32> to vector<1x1x16xf32>
        tpu.vector_store %arg8[%swap3A_451, %swap3A_452, %swap3A_453], %swap3A_456 {strides = array<i32>} : memref<5x160x128xf32, #tpu.memory_space<vmem>>, vector<1x1x16xf32>,
        %get3A_457 = arith.constant 3 : i32
        %get3A_458 = arith.index_cast %get3A_457 : i32 to index
        %get3A_459 = arith.index_cast %scan3A_392 : i32 to index
        %get3A_460 = arith.constant 48 : index
        %get3A_461 = tpu.vector_load %arg8[%get3A_458, %get3A_459, %get3A_460] {strides = array<i32>} : memref<5x160x128xf32, #tpu.memory_space<vmem>>, vector<1x1x16xf32>,
        %get3A_462 = vector.shape_cast %get3A_461 : vector<1x1x16xf32> to vector<16xf32>
        %add3A_463 = arith.constant 80 : i32
        %add3A_464 = arith.addi %add3A_463, %scan3A_392 : i32
        %get3A_465 = arith.constant 3 : i32
        %get3A_466 = arith.index_cast %get3A_465 : i32 to index
        %get3A_467 = arith.index_cast %add3A_464 : i32 to index
        %get3A_468 = arith.constant 48 : index
        %get3A_469 = tpu.vector_load %arg8[%get3A_466, %get3A_467, %get3A_468] {strides = array<i32>} : memref<5x160x128xf32, #tpu.memory_space<vmem>>, vector<1x1x16xf32>,
        %get3A_470 = vector.shape_cast %get3A_469 : vector<1x1x16xf32> to vector<16xf32>
        %mul3A_471 = arith.mulf %get3A_462, %get3A_470 : vector<16xf32>
        %swap3A_472 = arith.constant 3 : i32
        %swap3A_473 = arith.index_cast %swap3A_472 : i32 to index
        %swap3A_474 = arith.index_cast %scan3A_392 : i32 to index
        %swap3A_475 = arith.constant 48 : index
        %swap3A_476 = tpu.vector_load %arg8[%swap3A_473, %swap3A_474, %swap3A_475] {strides = array<i32>} : memref<5x160x128xf32, #tpu.memory_space<vmem>>, vector<1x1x16xf32>,
        %swap3A_477 = vector.shape_cast %swap3A_476 : vector<1x1x16xf32> to vector<16xf32>
        %swap3A_478 = vector.shape_cast %mul3A_471 : vector<16xf32> to vector<1x1x16xf32>
        tpu.vector_store %arg8[%swap3A_473, %swap3A_474, %swap3A_475], %swap3A_478 {strides = array<i32>} : memref<5x160x128xf32, #tpu.memory_space<vmem>>, vector<1x1x16xf32>,
        %get3A_479 = arith.constant 3 : i32
        %get3A_480 = arith.index_cast %get3A_479 : i32 to index
        %get3A_481 = arith.index_cast %scan3A_392 : i32 to index
        %get3A_482 = arith.constant 64 : index
        %get3A_483 = tpu.vector_load %arg8[%get3A_480, %get3A_481, %get3A_482] {strides = array<i32>} : memref<5x160x128xf32, #tpu.memory_space<vmem>>, vector<1x1x16xf32>,
        %get3A_484 = vector.shape_cast %get3A_483 : vector<1x1x16xf32> to vector<16xf32>
        %add3A_485 = arith.constant 80 : i32
        %add3A_486 = arith.addi %add3A_485, %scan3A_392 : i32
        %get3A_487 = arith.constant 3 : i32
        %get3A_488 = arith.index_cast %get3A_487 : i32 to index
        %get3A_489 = arith.index_cast %add3A_486 : i32 to index
        %get3A_490 = arith.constant 64 : index
        %get3A_491 = tpu.vector_load %arg8[%get3A_488, %get3A_489, %get3A_490] {strides = array<i32>} : memref<5x160x128xf32, #tpu.memory_space<vmem>>, vector<1x1x16xf32>,
        %get3A_492 = vector.shape_cast %get3A_491 : vector<1x1x16xf32> to vector<16xf32>
        %mul3A_493 = arith.mulf %get3A_484, %get3A_492 : vector<16xf32>
        %swap3A_494 = arith.constant 3 : i32
        %swap3A_495 = arith.index_cast %swap3A_494 : i32 to index
        %swap3A_496 = arith.index_cast %scan3A_392 : i32 to index
        %swap3A_497 = arith.constant 64 : index
        %swap3A_498 = tpu.vector_load %arg8[%swap3A_495, %swap3A_496, %swap3A_497] {strides = array<i32>} : memref<5x160x128xf32, #tpu.memory_space<vmem>>, vector<1x1x16xf32>,
        %swap3A_499 = vector.shape_cast %swap3A_498 : vector<1x1x16xf32> to vector<16xf32>
        %swap3A_500 = vector.shape_cast %mul3A_493 : vector<16xf32> to vector<1x1x16xf32>
        tpu.vector_store %arg8[%swap3A_495, %swap3A_496, %swap3A_497], %swap3A_500 {strides = array<i32>} : memref<5x160x128xf32, #tpu.memory_space<vmem>>, vector<1x1x16xf32>,
        %get3A_501 = arith.constant 3 : i32
        %get3A_502 = arith.index_cast %get3A_501 : i32 to index
        %get3A_503 = arith.index_cast %scan3A_392 : i32 to index
        %get3A_504 = arith.constant 80 : index
        %get3A_505 = tpu.vector_load %arg8[%get3A_502, %get3A_503, %get3A_504] {strides = array<i32>} : memref<5x160x128xf32, #tpu.memory_space<vmem>>, vector<1x1x16xf32>,
        %get3A_506 = vector.shape_cast %get3A_505 : vector<1x1x16xf32> to vector<16xf32>
        %add3A_507 = arith.constant 80 : i32
        %add3A_508 = arith.addi %add3A_507, %scan3A_392 : i32
        %get3A_509 = arith.constant 3 : i32
        %get3A_510 = arith.index_cast %get3A_509 : i32 to index
        %get3A_511 = arith.index_cast %add3A_508 : i32 to index
        %get3A_512 = arith.constant 80 : index
        %get3A_513 = tpu.vector_load %arg8[%get3A_510, %get3A_511, %get3A_512] {strides = array<i32>} : memref<5x160x128xf32, #tpu.memory_space<vmem>>, vector<1x1x16xf32>,
        %get3A_514 = vector.shape_cast %get3A_513 : vector<1x1x16xf32> to vector<16xf32>
        %mul3A_515 = arith.mulf %get3A_506, %get3A_514 : vector<16xf32>
        %swap3A_516 = arith.constant 3 : i32
        %swap3A_517 = arith.index_cast %swap3A_516 : i32 to index
        %swap3A_518 = arith.index_cast %scan3A_392 : i32 to index
        %swap3A_519 = arith.constant 80 : index
        %swap3A_520 = tpu.vector_load %arg8[%swap3A_517, %swap3A_518, %swap3A_519] {strides = array<i32>} : memref<5x160x128xf32, #tpu.memory_space<vmem>>, vector<1x1x16xf32>,
        %swap3A_521 = vector.shape_cast %swap3A_520 : vector<1x1x16xf32> to vector<16xf32>
        %swap3A_522 = vector.shape_cast %mul3A_515 : vector<16xf32> to vector<1x1x16xf32>
        tpu.vector_store %arg8[%swap3A_517, %swap3A_518, %swap3A_519], %swap3A_522 {strides = array<i32>} : memref<5x160x128xf32, #tpu.memory_space<vmem>>, vector<1x1x16xf32>,
        %get3A_523 = arith.constant 3 : i32
        %get3A_524 = arith.index_cast %get3A_523 : i32 to index
        %get3A_525 = arith.index_cast %scan3A_392 : i32 to index
        %get3A_526 = arith.constant 96 : index
        %get3A_527 = tpu.vector_load %arg8[%get3A_524, %get3A_525, %get3A_526] {strides = array<i32>} : memref<5x160x128xf32, #tpu.memory_space<vmem>>, vector<1x1x16xf32>,
        %get3A_528 = vector.shape_cast %get3A_527 : vector<1x1x16xf32> to vector<16xf32>
        %add3A_529 = arith.constant 80 : i32
        %add3A_530 = arith.addi %add3A_529, %scan3A_392 : i32
        %get3A_531 = arith.constant 3 : i32
        %get3A_532 = arith.index_cast %get3A_531 : i32 to index
        %get3A_533 = arith.index_cast %add3A_530 : i32 to index
        %get3A_534 = arith.constant 96 : index
        %get3A_535 = tpu.vector_load %arg8[%get3A_532, %get3A_533, %get3A_534] {strides = array<i32>} : memref<5x160x128xf32, #tpu.memory_space<vmem>>, vector<1x1x16xf32>,
        %get3A_536 = vector.shape_cast %get3A_535 : vector<1x1x16xf32> to vector<16xf32>
        %mul3A_537 = arith.mulf %get3A_528, %get3A_536 : vector<16xf32>
        %swap3A_538 = arith.constant 3 : i32
        %swap3A_539 = arith.index_cast %swap3A_538 : i32 to index
        %swap3A_540 = arith.index_cast %scan3A_392 : i32 to index
        %swap3A_541 = arith.constant 96 : index
        %swap3A_542 = tpu.vector_load %arg8[%swap3A_539, %swap3A_540, %swap3A_541] {strides = array<i32>} : memref<5x160x128xf32, #tpu.memory_space<vmem>>, vector<1x1x16xf32>,
        %swap3A_543 = vector.shape_cast %swap3A_542 : vector<1x1x16xf32> to vector<16xf32>
        %swap3A_544 = vector.shape_cast %mul3A_537 : vector<16xf32> to vector<1x1x16xf32>
        tpu.vector_store %arg8[%swap3A_539, %swap3A_540, %swap3A_541], %swap3A_544 {strides = array<i32>} : memref<5x160x128xf32, #tpu.memory_space<vmem>>, vector<1x1x16xf32>,
        %get3A_545 = arith.constant 3 : i32
        %get3A_546 = arith.index_cast %get3A_545 : i32 to index
        %get3A_547 = arith.index_cast %scan3A_392 : i32 to index
        %get3A_548 = arith.constant 112 : index
        %get3A_549 = tpu.vector_load %arg8[%get3A_546, %get3A_547, %get3A_548] {strides = array<i32>} : memref<5x160x128xf32, #tpu.memory_space<vmem>>, vector<1x1x16xf32>,
        %get3A_550 = vector.shape_cast %get3A_549 : vector<1x1x16xf32> to vector<16xf32>
        %add3A_551 = arith.constant 80 : i32
        %add3A_552 = arith.addi %add3A_551, %scan3A_392 : i32
        %get3A_553 = arith.constant 3 : i32
        %get3A_554 = arith.index_cast %get3A_553 : i32 to index
        %get3A_555 = arith.index_cast %add3A_552 : i32 to index
        %get3A_556 = arith.constant 112 : index
        %get3A_557 = tpu.vector_load %arg8[%get3A_554, %get3A_555, %get3A_556] {strides = array<i32>} : memref<5x160x128xf32, #tpu.memory_space<vmem>>, vector<1x1x16xf32>,
        %get3A_558 = vector.shape_cast %get3A_557 : vector<1x1x16xf32> to vector<16xf32>
        %mul3A_559 = arith.mulf %get3A_550, %get3A_558 : vector<16xf32>
        %swap3A_560 = arith.constant 3 : i32
        %swap3A_561 = arith.index_cast %swap3A_560 : i32 to index
        %swap3A_562 = arith.index_cast %scan3A_392 : i32 to index
        %swap3A_563 = arith.constant 112 : index
        %swap3A_564 = tpu.vector_load %arg8[%swap3A_561, %swap3A_562, %swap3A_563] {strides = array<i32>} : memref<5x160x128xf32, #tpu.memory_space<vmem>>, vector<1x1x16xf32>,
        %swap3A_565 = vector.shape_cast %swap3A_564 : vector<1x1x16xf32> to vector<16xf32>
        %swap3A_566 = vector.shape_cast %mul3A_559 : vector<16xf32> to vector<1x1x16xf32>
        tpu.vector_store %arg8[%swap3A_561, %swap3A_562, %swap3A_563], %swap3A_566 {strides = array<i32>} : memref<5x160x128xf32, #tpu.memory_space<vmem>>, vector<1x1x16xf32>,
        %scan3A_567 = arith.constant 1 : i32
        %scan3A_568 = arith.addi %scan3A_392, %scan3A_567 : i32
        %get3A_569 = arith.constant 3 : i32
        %get3A_570 = arith.index_cast %get3A_569 : i32 to index
        %get3A_571 = arith.index_cast %scan3A_568 : i32 to index
        %get3A_572 = arith.constant 0 : index
        %get3A_573 = tpu.vector_load %arg8[%get3A_570, %get3A_571, %get3A_572] {strides = array<i32>} : memref<5x160x128xf32, #tpu.memory_space<vmem>>, vector<1x1x16xf32>,
        %get3A_574 = vector.shape_cast %get3A_573 : vector<1x1x16xf32> to vector<16xf32>
        %add3A_575 = arith.constant 80 : i32
        %add3A_576 = arith.addi %add3A_575, %scan3A_568 : i32
        %get3A_577 = arith.constant 3 : i32
        %get3A_578 = arith.index_cast %get3A_577 : i32 to index
        %get3A_579 = arith.index_cast %add3A_576 : i32 to index
        %get3A_580 = arith.constant 0 : index
        %get3A_581 = tpu.vector_load %arg8[%get3A_578, %get3A_579, %get3A_580] {strides = array<i32>} : memref<5x160x128xf32, #tpu.memory_space<vmem>>, vector<1x1x16xf32>,
        %get3A_582 = vector.shape_cast %get3A_581 : vector<1x1x16xf32> to vector<16xf32>
        %mul3A_583 = arith.mulf %get3A_574, %get3A_582 : vector<16xf32>
        %swap3A_584 = arith.constant 3 : i32
        %swap3A_585 = arith.index_cast %swap3A_584 : i32 to index
        %swap3A_586 = arith.index_cast %scan3A_568 : i32 to index
        %swap3A_587 = arith.constant 0 : index
        %swap3A_588 = tpu.vector_load %arg8[%swap3A_585, %swap3A_586, %swap3A_587] {strides = array<i32>} : memref<5x160x128xf32, #tpu.memory_space<vmem>>, vector<1x1x16xf32>,
        %swap3A_589 = vector.shape_cast %swap3A_588 : vector<1x1x16xf32> to vector<16xf32>
        %swap3A_590 = vector.shape_cast %mul3A_583 : vector<16xf32> to vector<1x1x16xf32>
        tpu.vector_store %arg8[%swap3A_585, %swap3A_586, %swap3A_587], %swap3A_590 {strides = array<i32>} : memref<5x160x128xf32, #tpu.memory_space<vmem>>, vector<1x1x16xf32>,
        %get3A_591 = arith.constant 3 : i32
        %get3A_592 = arith.index_cast %get3A_591 : i32 to index
        %get3A_593 = arith.index_cast %scan3A_568 : i32 to index
        %get3A_594 = arith.constant 16 : index
        %get3A_595 = tpu.vector_load %arg8[%get3A_592, %get3A_593, %get3A_594] {strides = array<i32>} : memref<5x160x128xf32, #tpu.memory_space<vmem>>, vector<1x1x16xf32>,
        %get3A_596 = vector.shape_cast %get3A_595 : vector<1x1x16xf32> to vector<16xf32>
        %add3A_597 = arith.constant 80 : i32
        %add3A_598 = arith.addi %add3A_597, %scan3A_568 : i32
        %get3A_599 = arith.constant 3 : i32
        %get3A_600 = arith.index_cast %get3A_599 : i32 to index
        %get3A_601 = arith.index_cast %add3A_598 : i32 to index
        %get3A_602 = arith.constant 16 : index
        %get3A_603 = tpu.vector_load %arg8[%get3A_600, %get3A_601, %get3A_602] {strides = array<i32>} : memref<5x160x128xf32, #tpu.memory_space<vmem>>, vector<1x1x16xf32>,
        %get3A_604 = vector.shape_cast %get3A_603 : vector<1x1x16xf32> to vector<16xf32>
        %mul3A_605 = arith.mulf %get3A_596, %get3A_604 : vector<16xf32>
        %swap3A_606 = arith.constant 3 : i32
        %swap3A_607 = arith.index_cast %swap3A_606 : i32 to index
        %swap3A_608 = arith.index_cast %scan3A_568 : i32 to index
        %swap3A_609 = arith.constant 16 : index
        %swap3A_610 = tpu.vector_load %arg8[%swap3A_607, %swap3A_608, %swap3A_609] {strides = array<i32>} : memref<5x160x128xf32, #tpu.memory_space<vmem>>, vector<1x1x16xf32>,
        %swap3A_611 = vector.shape_cast %swap3A_610 : vector<1x1x16xf32> to vector<16xf32>
        %swap3A_612 = vector.shape_cast %mul3A_605 : vector<16xf32> to vector<1x1x16xf32>
        tpu.vector_store %arg8[%swap3A_607, %swap3A_608, %swap3A_609], %swap3A_612 {strides = array<i32>} : memref<5x160x128xf32, #tpu.memory_space<vmem>>, vector<1x1x16xf32>,
        %get3A_613 = arith.constant 3 : i32
        %get3A_614 = arith.index_cast %get3A_613 : i32 to index
        %get3A_615 = arith.index_cast %scan3A_568 : i32 to index
        %get3A_616 = arith.constant 32 : index
        %get3A_617 = tpu.vector_load %arg8[%get3A_614, %get3A_615, %get3A_616] {strides = array<i32>} : memref<5x160x128xf32, #tpu.memory_space<vmem>>, vector<1x1x16xf32>,
        %get3A_618 = vector.shape_cast %get3A_617 : vector<1x1x16xf32> to vector<16xf32>
        %add3A_619 = arith.constant 80 : i32
        %add3A_620 = arith.addi %add3A_619, %scan3A_568 : i32
        %get3A_621 = arith.constant 3 : i32
        %get3A_622 = arith.index_cast %get3A_621 : i32 to index
        %get3A_623 = arith.index_cast %add3A_620 : i32 to index
        %get3A_624 = arith.constant 32 : index
        %get3A_625 = tpu.vector_load %arg8[%get3A_622, %get3A_623, %get3A_624] {strides = array<i32>} : memref<5x160x128xf32, #tpu.memory_space<vmem>>, vector<1x1x16xf32>,
        %get3A_626 = vector.shape_cast %get3A_625 : vector<1x1x16xf32> to vector<16xf32>
        %mul3A_627 = arith.mulf %get3A_618, %get3A_626 : vector<16xf32>
        %swap3A_628 = arith.constant 3 : i32
        %swap3A_629 = arith.index_cast %swap3A_628 : i32 to index
        %swap3A_630 = arith.index_cast %scan3A_568 : i32 to index
        %swap3A_631 = arith.constant 32 : index
        %swap3A_632 = tpu.vector_load %arg8[%swap3A_629, %swap3A_630, %swap3A_631] {strides = array<i32>} : memref<5x160x128xf32, #tpu.memory_space<vmem>>, vector<1x1x16xf32>,
        %swap3A_633 = vector.shape_cast %swap3A_632 : vector<1x1x16xf32> to vector<16xf32>
        %swap3A_634 = vector.shape_cast %mul3A_627 : vector<16xf32> to vector<1x1x16xf32>
        tpu.vector_store %arg8[%swap3A_629, %swap3A_630, %swap3A_631], %swap3A_634 {strides = array<i32>} : memref<5x160x128xf32, #tpu.memory_space<vmem>>, vector<1x1x16xf32>,
        %get3A_635 = arith.constant 3 : i32
        %get3A_636 = arith.index_cast %get3A_635 : i32 to index
        %get3A_637 = arith.index_cast %scan3A_568 : i32 to index
        %get3A_638 = arith.constant 48 : index
        %get3A_639 = tpu.vector_load %arg8[%get3A_636, %get3A_637, %get3A_638] {strides = array<i32>} : memref<5x160x128xf32, #tpu.memory_space<vmem>>, vector<1x1x16xf32>,
        %get3A_640 = vector.shape_cast %get3A_639 : vector<1x1x16xf32> to vector<16xf32>
        %add3A_641 = arith.constant 80 : i32
        %add3A_642 = arith.addi %add3A_641, %scan3A_568 : i32
        %get3A_643 = arith.constant 3 : i32
        %get3A_644 = arith.index_cast %get3A_643 : i32 to index
        %get3A_645 = arith.index_cast %add3A_642 : i32 to index
        %get3A_646 = arith.constant 48 : index
        %get3A_647 = tpu.vector_load %arg8[%get3A_644, %get3A_645, %get3A_646] {strides = array<i32>} : memref<5x160x128xf32, #tpu.memory_space<vmem>>, vector<1x1x16xf32>,
        %get3A_648 = vector.shape_cast %get3A_647 : vector<1x1x16xf32> to vector<16xf32>
        %mul3A_649 = arith.mulf %get3A_640, %get3A_648 : vector<16xf32>
        %swap3A_650 = arith.constant 3 : i32
        %swap3A_651 = arith.index_cast %swap3A_650 : i32 to index
        %swap3A_652 = arith.index_cast %scan3A_568 : i32 to index
        %swap3A_653 = arith.constant 48 : index
        %swap3A_654 = tpu.vector_load %arg8[%swap3A_651, %swap3A_652, %swap3A_653] {strides = array<i32>} : memref<5x160x128xf32, #tpu.memory_space<vmem>>, vector<1x1x16xf32>,
        %swap3A_655 = vector.shape_cast %swap3A_654 : vector<1x1x16xf32> to vector<16xf32>
        %swap3A_656 = vector.shape_cast %mul3A_649 : vector<16xf32> to vector<1x1x16xf32>
        tpu.vector_store %arg8[%swap3A_651, %swap3A_652, %swap3A_653], %swap3A_656 {strides = array<i32>} : memref<5x160x128xf32, #tpu.memory_space<vmem>>, vector<1x1x16xf32>,
        %get3A_657 = arith.constant 3 : i32
        %get3A_658 = arith.index_cast %get3A_657 : i32 to index
        %get3A_659 = arith.index_cast %scan3A_568 : i32 to index
        %get3A_660 = arith.constant 64 : index
        %get3A_661 = tpu.vector_load %arg8[%get3A_658, %get3A_659, %get3A_660] {strides = array<i32>} : memref<5x160x128xf32, #tpu.memory_space<vmem>>, vector<1x1x16xf32>,
        %get3A_662 = vector.shape_cast %get3A_661 : vector<1x1x16xf32> to vector<16xf32>
        %add3A_663 = arith.constant 80 : i32
        %add3A_664 = arith.addi %add3A_663, %scan3A_568 : i32
        %get3A_665 = arith.constant 3 : i32
        %get3A_666 = arith.index_cast %get3A_665 : i32 to index
        %get3A_667 = arith.index_cast %add3A_664 : i32 to index
        %get3A_668 = arith.constant 64 : index
        %get3A_669 = tpu.vector_load %arg8[%get3A_666, %get3A_667, %get3A_668] {strides = array<i32>} : memref<5x160x128xf32, #tpu.memory_space<vmem>>, vector<1x1x16xf32>,
        %get3A_670 = vector.shape_cast %get3A_669 : vector<1x1x16xf32> to vector<16xf32>
        %mul3A_671 = arith.mulf %get3A_662, %get3A_670 : vector<16xf32>
        %swap3A_672 = arith.constant 3 : i32
        %swap3A_673 = arith.index_cast %swap3A_672 : i32 to index
        %swap3A_674 = arith.index_cast %scan3A_568 : i32 to index
        %swap3A_675 = arith.constant 64 : index
        %swap3A_676 = tpu.vector_load %arg8[%swap3A_673, %swap3A_674, %swap3A_675] {strides = array<i32>} : memref<5x160x128xf32, #tpu.memory_space<vmem>>, vector<1x1x16xf32>,
        %swap3A_677 = vector.shape_cast %swap3A_676 : vector<1x1x16xf32> to vector<16xf32>
        %swap3A_678 = vector.shape_cast %mul3A_671 : vector<16xf32> to vector<1x1x16xf32>
        tpu.vector_store %arg8[%swap3A_673, %swap3A_674, %swap3A_675], %swap3A_678 {strides = array<i32>} : memref<5x160x128xf32, #tpu.memory_space<vmem>>, vector<1x1x16xf32>,
        %get3A_679 = arith.constant 3 : i32
        %get3A_680 = arith.index_cast %get3A_679 : i32 to index
        %get3A_681 = arith.index_cast %scan3A_568 : i32 to index
        %get3A_682 = arith.constant 80 : index
        %get3A_683 = tpu.vector_load %arg8[%get3A_680, %get3A_681, %get3A_682] {strides = array<i32>} : memref<5x160x128xf32, #tpu.memory_space<vmem>>, vector<1x1x16xf32>,
        %get3A_684 = vector.shape_cast %get3A_683 : vector<1x1x16xf32> to vector<16xf32>
        %add3A_685 = arith.constant 80 : i32
        %add3A_686 = arith.addi %add3A_685, %scan3A_568 : i32
        %get3A_687 = arith.constant 3 : i32
        %get3A_688 = arith.index_cast %get3A_687 : i32 to index
        %get3A_689 = arith.index_cast %add3A_686 : i32 to index
        %get3A_690 = arith.constant 80 : index
        %get3A_691 = tpu.vector_load %arg8[%get3A_688, %get3A_689, %get3A_690] {strides = array<i32>} : memref<5x160x128xf32, #tpu.memory_space<vmem>>, vector<1x1x16xf32>,
        %get3A_692 = vector.shape_cast %get3A_691 : vector<1x1x16xf32> to vector<16xf32>
        %mul3A_693 = arith.mulf %get3A_684, %get3A_692 : vector<16xf32>
        %swap3A_694 = arith.constant 3 : i32
        %swap3A_695 = arith.index_cast %swap3A_694 : i32 to index
        %swap3A_696 = arith.index_cast %scan3A_568 : i32 to index
        %swap3A_697 = arith.constant 80 : index
        %swap3A_698 = tpu.vector_load %arg8[%swap3A_695, %swap3A_696, %swap3A_697] {strides = array<i32>} : memref<5x160x128xf32, #tpu.memory_space<vmem>>, vector<1x1x16xf32>,
        %swap3A_699 = vector.shape_cast %swap3A_698 : vector<1x1x16xf32> to vector<16xf32>
        %swap3A_700 = vector.shape_cast %mul3A_693 : vector<16xf32> to vector<1x1x16xf32>
        tpu.vector_store %arg8[%swap3A_695, %swap3A_696, %swap3A_697], %swap3A_700 {strides = array<i32>} : memref<5x160x128xf32, #tpu.memory_space<vmem>>, vector<1x1x16xf32>,
        %get3A_701 = arith.constant 3 : i32
        %get3A_702 = arith.index_cast %get3A_701 : i32 to index
        %get3A_703 = arith.index_cast %scan3A_568 : i32 to index
        %get3A_704 = arith.constant 96 : index
        %get3A_705 = tpu.vector_load %arg8[%get3A_702, %get3A_703, %get3A_704] {strides = array<i32>} : memref<5x160x128xf32, #tpu.memory_space<vmem>>, vector<1x1x16xf32>,
        %get3A_706 = vector.shape_cast %get3A_705 : vector<1x1x16xf32> to vector<16xf32>
        %add3A_707 = arith.constant 80 : i32
        %add3A_708 = arith.addi %add3A_707, %scan3A_568 : i32
        %get3A_709 = arith.constant 3 : i32
        %get3A_710 = arith.index_cast %get3A_709 : i32 to index
        %get3A_711 = arith.index_cast %add3A_708 : i32 to index
        %get3A_712 = arith.constant 96 : index
        %get3A_713 = tpu.vector_load %arg8[%get3A_710, %get3A_711, %get3A_712] {strides = array<i32>} : memref<5x160x128xf32, #tpu.memory_space<vmem>>, vector<1x1x16xf32>,
        %get3A_714 = vector.shape_cast %get3A_713 : vector<1x1x16xf32> to vector<16xf32>
        %mul3A_715 = arith.mulf %get3A_706, %get3A_714 : vector<16xf32>
        %swap3A_716 = arith.constant 3 : i32
        %swap3A_717 = arith.index_cast %swap3A_716 : i32 to index
        %swap3A_718 = arith.index_cast %scan3A_568 : i32 to index
        %swap3A_719 = arith.constant 96 : index
        %swap3A_720 = tpu.vector_load %arg8[%swap3A_717, %swap3A_718, %swap3A_719] {strides = array<i32>} : memref<5x160x128xf32, #tpu.memory_space<vmem>>, vector<1x1x16xf32>,
        %swap3A_721 = vector.shape_cast %swap3A_720 : vector<1x1x16xf32> to vector<16xf32>
        %swap3A_722 = vector.shape_cast %mul3A_715 : vector<16xf32> to vector<1x1x16xf32>
        tpu.vector_store %arg8[%swap3A_717, %swap3A_718, %swap3A_719], %swap3A_722 {strides = array<i32>} : memref<5x160x128xf32, #tpu.memory_space<vmem>>, vector<1x1x16xf32>,
        %get3A_723 = arith.constant 3 : i32
        %get3A_724 = arith.index_cast %get3A_723 : i32 to index
        %get3A_725 = arith.index_cast %scan3A_568 : i32 to index
        %get3A_726 = arith.constant 112 : index
        %get3A_727 = tpu.vector_load %arg8[%get3A_724, %get3A_725, %get3A_726] {strides = array<i32>} : memref<5x160x128xf32, #tpu.memory_space<vmem>>, vector<1x1x16xf32>,
        %get3A_728 = vector.shape_cast %get3A_727 : vector<1x1x16xf32> to vector<16xf32>
        %add3A_729 = arith.constant 80 : i32
        %add3A_730 = arith.addi %add3A_729, %scan3A_568 : i32
        %get3A_731 = arith.constant 3 : i32
        %get3A_732 = arith.index_cast %get3A_731 : i32 to index
        %get3A_733 = arith.index_cast %add3A_730 : i32 to index
        %get3A_734 = arith.constant 112 : index
        %get3A_735 = tpu.vector_load %arg8[%get3A_732, %get3A_733, %get3A_734] {strides = array<i32>} : memref<5x160x128xf32, #tpu.memory_space<vmem>>, vector<1x1x16xf32>,
        %get3A_736 = vector.shape_cast %get3A_735 : vector<1x1x16xf32> to vector<16xf32>
        %mul3A_737 = arith.mulf %get3A_728, %get3A_736 : vector<16xf32>
        %swap3A_738 = arith.constant 3 : i32
        %swap3A_739 = arith.index_cast %swap3A_738 : i32 to index
        %swap3A_740 = arith.index_cast %scan3A_568 : i32 to index
        %swap3A_741 = arith.constant 112 : index
        %swap3A_742 = tpu.vector_load %arg8[%swap3A_739, %swap3A_740, %swap3A_741] {strides = array<i32>} : memref<5x160x128xf32, #tpu.memory_space<vmem>>, vector<1x1x16xf32>,
        %swap3A_743 = vector.shape_cast %swap3A_742 : vector<1x1x16xf32> to vector<16xf32>
        %swap3A_744 = vector.shape_cast %mul3A_737 : vector<16xf32> to vector<1x1x16xf32>
        tpu.vector_store %arg8[%swap3A_739, %swap3A_740, %swap3A_741], %swap3A_744 {strides = array<i32>} : memref<5x160x128xf32, #tpu.memory_space<vmem>>, vector<1x1x16xf32>,
      }
      %scan3A_321 = arith.constant 80 : i32
      %mul3A_322 = arith.constant 80 : i32
      %mul3A_323 = arith.muli %add3A_295, %mul3A_322 : i32
      %add3A_324 = arith.addi %mul3A_2, %mul3A_323 : i32
      %dma_start3A_325 = arith.constant 3 : i32
      %dma_start3A_326 = arith.constant 0 : i32
      %dma_start3A_327 = arith.constant 0 : i32
      %dma_start3A_328 = tpu.memref_slice %arg8[%dma_start3A_325, %dma_start3A_326, %dma_start3A_327] : memref<5x160x128xf32, #tpu.memory_space<vmem>> -> memref<1x80x128xf32, #tpu.memory_space<vmem>>
      %dma_start3A_329 = tpu.memref_squeeze %dma_start3A_328 : memref<1x80x128xf32, #tpu.memory_space<vmem>> -> memref<80x128xf32, #tpu.memory_space<vmem>>
      %dma_start3A_330 = arith.constant 0 : i32
      %dma_start3A_331 = tpu.memref_slice %arg5[%add3A_324, %dma_start3A_330] : memref<320000x128xf32, #tpu.memory_space<hbm>> -> memref<80x128xf32, #tpu.memory_space<hbm>>
      %dma_start3A_332 = arith.constant 0 : i32
      %dma_start3A_333 = tpu.memref_slice %arg5[%add3A_324, %dma_start3A_332] : memref<320000x128xf32, #tpu.memory_space<hbm>> -> memref<80x128xf32, #tpu.memory_space<hbm>>
      %dma_start3A_334 = arith.constant 0 : i32
      %dma_start3A_335 = arith.constant 0 : i32
      %dma_start3A_336 = tpu.memref_slice %arg8[%dma_start3A_325, %dma_start3A_334, %dma_start3A_335] : memref<5x160x128xf32, #tpu.memory_space<vmem>> -> memref<1x80x128xf32, #tpu.memory_space<vmem>>
      %dma_start3A_337 = tpu.memref_squeeze %dma_start3A_336 : memref<1x80x128xf32, #tpu.memory_space<vmem>> -> memref<80x128xf32, #tpu.memory_space<vmem>>
      tpu.enqueue_dma source(%dma_start3A_337 : memref<80x128xf32, #tpu.memory_space<vmem>>) target(%dma_start3A_333 : memref<80x128xf32, #tpu.memory_space<hbm>>) target_semaphore(%arg17 : memref<!tpu.dma_semaphore, #tpu.memory_space<semaphore_mem>>)
      %lt3A_338 = arith.constant 122 : i32
      %lt3A_339 = arith.cmpi slt, %add3A_295, %lt3A_338 : i32
      %convert_element_type3A_340 = arith.extui %lt3A_339 : i1 to i32
      %cond3A_341 = arith.constant 0 : i32
      %cond3A_342 = arith.cmpi ne, %convert_element_type3A_340, %cond3A_341 : i32
      scf.if %cond3A_342 {
        %ge3A = arith.constant 2 : i32
        %ge3A_392 = arith.cmpi sge, %add3A_295, %ge3A : i32
        %convert_element_type3A_393 = arith.extui %ge3A_392 : i1 to i32
        %cond3A_394 = arith.constant 0 : i32
        %cond3A_395 = arith.cmpi ne, %convert_element_type3A_393, %cond3A_394 : i32
        scf.if %cond3A_395 {
          %add3A_418 = arith.constant 3 : i32
          %add3A_419 = arith.addi %add3A_295, %add3A_418 : i32
          %sub3A = arith.constant 5 : i32
          %sub3A_420 = arith.subi %add3A_419, %sub3A : i32
          %mul3A_421 = arith.constant 80 : i32
          %mul3A_422 = arith.muli %sub3A_420, %mul3A_421 : i32
          %add3A_423 = arith.addi %mul3A_2, %mul3A_422 : i32
          %dma_wait3A_424 = arith.constant 1 : i32
          %dma_wait3A_425 = arith.constant 0 : i32
          %dma_wait3A_426 = arith.constant 0 : i32
          %dma_wait3A_427 = tpu.memref_slice %arg8[%dma_wait3A_424, %dma_wait3A_425, %dma_wait3A_426] : memref<5x160x128xf32, #tpu.memory_space<vmem>> -> memref<1x80x128xf32, #tpu.memory_space<vmem>>
          %dma_wait3A_428 = tpu.memref_squeeze %dma_wait3A_427 : memref<1x80x128xf32, #tpu.memory_space<vmem>> -> memref<80x128xf32, #tpu.memory_space<vmem>>
          %dma_wait3A_429 = arith.constant 0 : i32
          %dma_wait3A_430 = tpu.memref_slice %arg5[%add3A_423, %dma_wait3A_429] : memref<320000x128xf32, #tpu.memory_space<hbm>> -> memref<80x128xf32, #tpu.memory_space<hbm>>
          %dma_wait3A_431 = arith.constant 0 : i32
          %dma_wait3A_432 = tpu.memref_slice %arg5[%add3A_423, %dma_wait3A_431] : memref<320000x128xf32, #tpu.memory_space<hbm>> -> memref<80x128xf32, #tpu.memory_space<hbm>>
          %dma_wait3A_433 = arith.constant 0 : i32
          %dma_wait3A_434 = arith.constant 0 : i32
          %dma_wait3A_435 = tpu.memref_slice %arg8[%dma_wait3A_424, %dma_wait3A_433, %dma_wait3A_434] : memref<5x160x128xf32, #tpu.memory_space<vmem>> -> memref<1x80x128xf32, #tpu.memory_space<vmem>>
          %dma_wait3A_436 = tpu.memref_squeeze %dma_wait3A_435 : memref<1x80x128xf32, #tpu.memory_space<vmem>> -> memref<80x128xf32, #tpu.memory_space<vmem>>
          tpu.wait_dma2 semaphore(%arg15 : memref<!tpu.dma_semaphore, #tpu.memory_space<semaphore_mem>>) src(%dma_wait3A_436 : memref<80x128xf32, #tpu.memory_space<vmem>>) dst(%dma_wait3A_432 : memref<80x128xf32, #tpu.memory_space<hbm>>)
        } else {
        }
        %add3A_396 = arith.constant 3 : i32
        %add3A_397 = arith.addi %add3A_295, %add3A_396 : i32
        %mul3A_398 = arith.constant 80 : i32
        %mul3A_399 = arith.muli %add3A_397, %mul3A_398 : i32
        %dma_start3A_400 = arith.constant 1 : i32
        %dma_start3A_401 = arith.constant 0 : i32
        %dma_start3A_402 = arith.constant 0 : i32
        %dma_start3A_403 = tpu.memref_slice %arg8[%dma_start3A_400, %dma_start3A_401, %dma_start3A_402] : memref<5x160x128xf32, #tpu.memory_space<vmem>> -> memref<1x80x128xf32, #tpu.memory_space<vmem>>
        %dma_start3A_404 = tpu.memref_squeeze %dma_start3A_403 : memref<1x80x128xf32, #tpu.memory_space<vmem>> -> memref<80x128xf32, #tpu.memory_space<vmem>>
        %dma_start3A_405 = tpu.memref_slice %arg6[%mul3A_399] : memref<10000xi32, #tpu.memory_space<vmem>> -> memref<80xi32, #tpu.memory_space<vmem>>
        %dma_start3A_406 = arith.constant 0 : i32
        %dma_start3A_407 = arith.constant 0 : i32
        %dma_start3A_408 = tpu.memref_slice %arg2[%dma_start3A_406, %dma_start3A_407] : memref<10000x128xf32, #tpu.memory_space<hbm>> -> memref<10000x128xf32, #tpu.memory_space<hbm>>
        tpu.enqueue_indirect_dma source(%dma_start3A_408 : memref<10000x128xf32, #tpu.memory_space<hbm>>) target(%dma_start3A_404 : memref<80x128xf32, #tpu.memory_space<vmem>>) offsets(%dma_start3A_405 : memref<80xi32, #tpu.memory_space<vmem>>) semaphore(%arg10 : memref<!tpu.dma_semaphore, #tpu.memory_space<semaphore_mem>>)
        %dma_start3A_409 = arith.constant 1 : i32
        %dma_start3A_410 = arith.constant 80 : i32
        %dma_start3A_411 = arith.constant 0 : i32
        %dma_start3A_412 = tpu.memref_slice %arg8[%dma_start3A_409, %dma_start3A_410, %dma_start3A_411] : memref<5x160x128xf32, #tpu.memory_space<vmem>> -> memref<1x80x128xf32, #tpu.memory_space<vmem>>
        %dma_start3A_413 = tpu.memref_squeeze %dma_start3A_412 : memref<1x80x128xf32, #tpu.memory_space<vmem>> -> memref<80x128xf32, #tpu.memory_space<vmem>>
        %dma_start3A_414 = tpu.memref_slice %arg7[%mul3A_399] : memref<10000xi32, #tpu.memory_space<vmem>> -> memref<80xi32, #tpu.memory_space<vmem>>
        %dma_start3A_415 = arith.constant 0 : i32
        %dma_start3A_416 = arith.constant 0 : i32
        %dma_start3A_417 = tpu.memref_slice %arg3[%dma_start3A_415, %dma_start3A_416] : memref<10000x128xf32, #tpu.memory_space<hbm>> -> memref<10000x128xf32, #tpu.memory_space<hbm>>
        tpu.enqueue_indirect_dma source(%dma_start3A_417 : memref<10000x128xf32, #tpu.memory_space<hbm>>) target(%dma_start3A_413 : memref<80x128xf32, #tpu.memory_space<vmem>>) offsets(%dma_start3A_414 : memref<80xi32, #tpu.memory_space<vmem>>) semaphore(%arg10 : memref<!tpu.dma_semaphore, #tpu.memory_space<semaphore_mem>>)
      } else {
      }
      %add3A_343 = arith.constant 4 : i32
      %add3A_344 = arith.addi %mul3A_149, %add3A_343 : i32
      %mul3A_345 = arith.constant 80 : i32
      %mul3A_346 = arith.muli %add3A_344, %mul3A_345 : i32
      %dma_wait3A_347 = arith.constant 4 : i32
      %dma_wait3A_348 = arith.constant 0 : i32
      %dma_wait3A_349 = arith.constant 0 : i32
      %dma_wait3A_350 = tpu.memref_slice %arg8[%dma_wait3A_347, %dma_wait3A_348, %dma_wait3A_349] : memref<5x160x128xf32, #tpu.memory_space<vmem>> -> memref<1x80x128xf32, #tpu.memory_space<vmem>>
      %dma_wait3A_351 = tpu.memref_squeeze %dma_wait3A_350 : memref<1x80x128xf32, #tpu.memory_space<vmem>> -> memref<80x128xf32, #tpu.memory_space<vmem>>
      %dma_wait3A_352 = tpu.memref_slice %arg6[%mul3A_346] : memref<10000xi32, #tpu.memory_space<vmem>> -> memref<80xi32, #tpu.memory_space<vmem>>
      %dma_wait3A_353 = arith.constant 0 : i32
      %dma_wait3A_354 = arith.constant 0 : i32
      %dma_wait3A_355 = tpu.memref_slice %arg2[%dma_wait3A_353, %dma_wait3A_354] : memref<10000x128xf32, #tpu.memory_space<hbm>> -> memref<10000x128xf32, #tpu.memory_space<hbm>>
      tpu.wait_indirect_dma semaphore(%arg13 : memref<!tpu.dma_semaphore, #tpu.memory_space<semaphore_mem>>) src(%dma_wait3A_355 : memref<10000x128xf32, #tpu.memory_space<hbm>>) dst(%dma_wait3A_351 : memref<80x128xf32, #tpu.memory_space<vmem>>)
      %dma_wait3A_356 = arith.constant 4 : i32
      %dma_wait3A_357 = arith.constant 80 : i32
      %dma_wait3A_358 = arith.constant 0 : i32
      %dma_wait3A_359 = tpu.memref_slice %arg8[%dma_wait3A_356, %dma_wait3A_357, %dma_wait3A_358] : memref<5x160x128xf32, #tpu.memory_space<vmem>> -> memref<1x80x128xf32, #tpu.memory_space<vmem>>
      %dma_wait3A_360 = tpu.memref_squeeze %dma_wait3A_359 : memref<1x80x128xf32, #tpu.memory_space<vmem>> -> memref<80x128xf32, #tpu.memory_space<vmem>>
      %dma_wait3A_361 = tpu.memref_slice %arg7[%mul3A_346] : memref<10000xi32, #tpu.memory_space<vmem>> -> memref<80xi32, #tpu.memory_space<vmem>>
      %dma_wait3A_362 = arith.constant 0 : i32
      %dma_wait3A_363 = arith.constant 0 : i32
      %dma_wait3A_364 = tpu.memref_slice %arg3[%dma_wait3A_362, %dma_wait3A_363] : memref<10000x128xf32, #tpu.memory_space<hbm>> -> memref<10000x128xf32, #tpu.memory_space<hbm>>
      tpu.wait_indirect_dma semaphore(%arg13 : memref<!tpu.dma_semaphore, #tpu.memory_space<semaphore_mem>>) src(%dma_wait3A_364 : memref<10000x128xf32, #tpu.memory_space<hbm>>) dst(%dma_wait3A_360 : memref<80x128xf32, #tpu.memory_space<vmem>>)
      %scan3A_365 = arith.constant 0 : i32
      %scan3A_366 = arith.constant 0 : i32
      %scan3A_367 = arith.constant 80 : i32
      %scan3A_368 = arith.addi %scan3A_366, %scan3A_367 : i32
      %scan3A_369 = arith.constant 2 : i32
      scf.for %scan3A_392 = %scan3A_366 to %scan3A_368 step %scan3A_369  : i32 {
        %get3A = arith.constant 4 : i32
        %get3A_393 = arith.index_cast %get3A : i32 to index
        %get3A_394 = arith.index_cast %scan3A_392 : i32 to index
        %get3A_395 = arith.constant 0 : index
        %get3A_396 = tpu.vector_load %arg8[%get3A_393, %get3A_394, %get3A_395] {strides = array<i32>} : memref<5x160x128xf32, #tpu.memory_space<vmem>>, vector<1x1x16xf32>,
        %get3A_397 = vector.shape_cast %get3A_396 : vector<1x1x16xf32> to vector<16xf32>
        %add3A_398 = arith.constant 80 : i32
        %add3A_399 = arith.addi %add3A_398, %scan3A_392 : i32
        %get3A_400 = arith.constant 4 : i32
        %get3A_401 = arith.index_cast %get3A_400 : i32 to index
        %get3A_402 = arith.index_cast %add3A_399 : i32 to index
        %get3A_403 = arith.constant 0 : index
        %get3A_404 = tpu.vector_load %arg8[%get3A_401, %get3A_402, %get3A_403] {strides = array<i32>} : memref<5x160x128xf32, #tpu.memory_space<vmem>>, vector<1x1x16xf32>,
        %get3A_405 = vector.shape_cast %get3A_404 : vector<1x1x16xf32> to vector<16xf32>
        %mul3A_406 = arith.mulf %get3A_397, %get3A_405 : vector<16xf32>
        %swap3A = arith.constant 4 : i32
        %swap3A_407 = arith.index_cast %swap3A : i32 to index
        %swap3A_408 = arith.index_cast %scan3A_392 : i32 to index
        %swap3A_409 = arith.constant 0 : index
        %swap3A_410 = tpu.vector_load %arg8[%swap3A_407, %swap3A_408, %swap3A_409] {strides = array<i32>} : memref<5x160x128xf32, #tpu.memory_space<vmem>>, vector<1x1x16xf32>,
        %swap3A_411 = vector.shape_cast %swap3A_410 : vector<1x1x16xf32> to vector<16xf32>
        %swap3A_412 = vector.shape_cast %mul3A_406 : vector<16xf32> to vector<1x1x16xf32>
        tpu.vector_store %arg8[%swap3A_407, %swap3A_408, %swap3A_409], %swap3A_412 {strides = array<i32>} : memref<5x160x128xf32, #tpu.memory_space<vmem>>, vector<1x1x16xf32>,
        %get3A_413 = arith.constant 4 : i32
        %get3A_414 = arith.index_cast %get3A_413 : i32 to index
        %get3A_415 = arith.index_cast %scan3A_392 : i32 to index
        %get3A_416 = arith.constant 16 : index
        %get3A_417 = tpu.vector_load %arg8[%get3A_414, %get3A_415, %get3A_416] {strides = array<i32>} : memref<5x160x128xf32, #tpu.memory_space<vmem>>, vector<1x1x16xf32>,
        %get3A_418 = vector.shape_cast %get3A_417 : vector<1x1x16xf32> to vector<16xf32>
        %add3A_419 = arith.constant 80 : i32
        %add3A_420 = arith.addi %add3A_419, %scan3A_392 : i32
        %get3A_421 = arith.constant 4 : i32
        %get3A_422 = arith.index_cast %get3A_421 : i32 to index
        %get3A_423 = arith.index_cast %add3A_420 : i32 to index
        %get3A_424 = arith.constant 16 : index
        %get3A_425 = tpu.vector_load %arg8[%get3A_422, %get3A_423, %get3A_424] {strides = array<i32>} : memref<5x160x128xf32, #tpu.memory_space<vmem>>, vector<1x1x16xf32>,
        %get3A_426 = vector.shape_cast %get3A_425 : vector<1x1x16xf32> to vector<16xf32>
        %mul3A_427 = arith.mulf %get3A_418, %get3A_426 : vector<16xf32>
        %swap3A_428 = arith.constant 4 : i32
        %swap3A_429 = arith.index_cast %swap3A_428 : i32 to index
        %swap3A_430 = arith.index_cast %scan3A_392 : i32 to index
        %swap3A_431 = arith.constant 16 : index
        %swap3A_432 = tpu.vector_load %arg8[%swap3A_429, %swap3A_430, %swap3A_431] {strides = array<i32>} : memref<5x160x128xf32, #tpu.memory_space<vmem>>, vector<1x1x16xf32>,
        %swap3A_433 = vector.shape_cast %swap3A_432 : vector<1x1x16xf32> to vector<16xf32>
        %swap3A_434 = vector.shape_cast %mul3A_427 : vector<16xf32> to vector<1x1x16xf32>
        tpu.vector_store %arg8[%swap3A_429, %swap3A_430, %swap3A_431], %swap3A_434 {strides = array<i32>} : memref<5x160x128xf32, #tpu.memory_space<vmem>>, vector<1x1x16xf32>,
        %get3A_435 = arith.constant 4 : i32
        %get3A_436 = arith.index_cast %get3A_435 : i32 to index
        %get3A_437 = arith.index_cast %scan3A_392 : i32 to index
        %get3A_438 = arith.constant 32 : index
        %get3A_439 = tpu.vector_load %arg8[%get3A_436, %get3A_437, %get3A_438] {strides = array<i32>} : memref<5x160x128xf32, #tpu.memory_space<vmem>>, vector<1x1x16xf32>,
        %get3A_440 = vector.shape_cast %get3A_439 : vector<1x1x16xf32> to vector<16xf32>
        %add3A_441 = arith.constant 80 : i32
        %add3A_442 = arith.addi %add3A_441, %scan3A_392 : i32
        %get3A_443 = arith.constant 4 : i32
        %get3A_444 = arith.index_cast %get3A_443 : i32 to index
        %get3A_445 = arith.index_cast %add3A_442 : i32 to index
        %get3A_446 = arith.constant 32 : index
        %get3A_447 = tpu.vector_load %arg8[%get3A_444, %get3A_445, %get3A_446] {strides = array<i32>} : memref<5x160x128xf32, #tpu.memory_space<vmem>>, vector<1x1x16xf32>,
        %get3A_448 = vector.shape_cast %get3A_447 : vector<1x1x16xf32> to vector<16xf32>
        %mul3A_449 = arith.mulf %get3A_440, %get3A_448 : vector<16xf32>
        %swap3A_450 = arith.constant 4 : i32
        %swap3A_451 = arith.index_cast %swap3A_450 : i32 to index
        %swap3A_452 = arith.index_cast %scan3A_392 : i32 to index
        %swap3A_453 = arith.constant 32 : index
        %swap3A_454 = tpu.vector_load %arg8[%swap3A_451, %swap3A_452, %swap3A_453] {strides = array<i32>} : memref<5x160x128xf32, #tpu.memory_space<vmem>>, vector<1x1x16xf32>,
        %swap3A_455 = vector.shape_cast %swap3A_454 : vector<1x1x16xf32> to vector<16xf32>
        %swap3A_456 = vector.shape_cast %mul3A_449 : vector<16xf32> to vector<1x1x16xf32>
        tpu.vector_store %arg8[%swap3A_451, %swap3A_452, %swap3A_453], %swap3A_456 {strides = array<i32>} : memref<5x160x128xf32, #tpu.memory_space<vmem>>, vector<1x1x16xf32>,
        %get3A_457 = arith.constant 4 : i32
        %get3A_458 = arith.index_cast %get3A_457 : i32 to index
        %get3A_459 = arith.index_cast %scan3A_392 : i32 to index
        %get3A_460 = arith.constant 48 : index
        %get3A_461 = tpu.vector_load %arg8[%get3A_458, %get3A_459, %get3A_460] {strides = array<i32>} : memref<5x160x128xf32, #tpu.memory_space<vmem>>, vector<1x1x16xf32>,
        %get3A_462 = vector.shape_cast %get3A_461 : vector<1x1x16xf32> to vector<16xf32>
        %add3A_463 = arith.constant 80 : i32
        %add3A_464 = arith.addi %add3A_463, %scan3A_392 : i32
        %get3A_465 = arith.constant 4 : i32
        %get3A_466 = arith.index_cast %get3A_465 : i32 to index
        %get3A_467 = arith.index_cast %add3A_464 : i32 to index
        %get3A_468 = arith.constant 48 : index
        %get3A_469 = tpu.vector_load %arg8[%get3A_466, %get3A_467, %get3A_468] {strides = array<i32>} : memref<5x160x128xf32, #tpu.memory_space<vmem>>, vector<1x1x16xf32>,
        %get3A_470 = vector.shape_cast %get3A_469 : vector<1x1x16xf32> to vector<16xf32>
        %mul3A_471 = arith.mulf %get3A_462, %get3A_470 : vector<16xf32>
        %swap3A_472 = arith.constant 4 : i32
        %swap3A_473 = arith.index_cast %swap3A_472 : i32 to index
        %swap3A_474 = arith.index_cast %scan3A_392 : i32 to index
        %swap3A_475 = arith.constant 48 : index
        %swap3A_476 = tpu.vector_load %arg8[%swap3A_473, %swap3A_474, %swap3A_475] {strides = array<i32>} : memref<5x160x128xf32, #tpu.memory_space<vmem>>, vector<1x1x16xf32>,
        %swap3A_477 = vector.shape_cast %swap3A_476 : vector<1x1x16xf32> to vector<16xf32>
        %swap3A_478 = vector.shape_cast %mul3A_471 : vector<16xf32> to vector<1x1x16xf32>
        tpu.vector_store %arg8[%swap3A_473, %swap3A_474, %swap3A_475], %swap3A_478 {strides = array<i32>} : memref<5x160x128xf32, #tpu.memory_space<vmem>>, vector<1x1x16xf32>,
        %get3A_479 = arith.constant 4 : i32
        %get3A_480 = arith.index_cast %get3A_479 : i32 to index
        %get3A_481 = arith.index_cast %scan3A_392 : i32 to index
        %get3A_482 = arith.constant 64 : index
        %get3A_483 = tpu.vector_load %arg8[%get3A_480, %get3A_481, %get3A_482] {strides = array<i32>} : memref<5x160x128xf32, #tpu.memory_space<vmem>>, vector<1x1x16xf32>,
        %get3A_484 = vector.shape_cast %get3A_483 : vector<1x1x16xf32> to vector<16xf32>
        %add3A_485 = arith.constant 80 : i32
        %add3A_486 = arith.addi %add3A_485, %scan3A_392 : i32
        %get3A_487 = arith.constant 4 : i32
        %get3A_488 = arith.index_cast %get3A_487 : i32 to index
        %get3A_489 = arith.index_cast %add3A_486 : i32 to index
        %get3A_490 = arith.constant 64 : index
        %get3A_491 = tpu.vector_load %arg8[%get3A_488, %get3A_489, %get3A_490] {strides = array<i32>} : memref<5x160x128xf32, #tpu.memory_space<vmem>>, vector<1x1x16xf32>,
        %get3A_492 = vector.shape_cast %get3A_491 : vector<1x1x16xf32> to vector<16xf32>
        %mul3A_493 = arith.mulf %get3A_484, %get3A_492 : vector<16xf32>
        %swap3A_494 = arith.constant 4 : i32
        %swap3A_495 = arith.index_cast %swap3A_494 : i32 to index
        %swap3A_496 = arith.index_cast %scan3A_392 : i32 to index
        %swap3A_497 = arith.constant 64 : index
        %swap3A_498 = tpu.vector_load %arg8[%swap3A_495, %swap3A_496, %swap3A_497] {strides = array<i32>} : memref<5x160x128xf32, #tpu.memory_space<vmem>>, vector<1x1x16xf32>,
        %swap3A_499 = vector.shape_cast %swap3A_498 : vector<1x1x16xf32> to vector<16xf32>
        %swap3A_500 = vector.shape_cast %mul3A_493 : vector<16xf32> to vector<1x1x16xf32>
        tpu.vector_store %arg8[%swap3A_495, %swap3A_496, %swap3A_497], %swap3A_500 {strides = array<i32>} : memref<5x160x128xf32, #tpu.memory_space<vmem>>, vector<1x1x16xf32>,
        %get3A_501 = arith.constant 4 : i32
        %get3A_502 = arith.index_cast %get3A_501 : i32 to index
        %get3A_503 = arith.index_cast %scan3A_392 : i32 to index
        %get3A_504 = arith.constant 80 : index
        %get3A_505 = tpu.vector_load %arg8[%get3A_502, %get3A_503, %get3A_504] {strides = array<i32>} : memref<5x160x128xf32, #tpu.memory_space<vmem>>, vector<1x1x16xf32>,
        %get3A_506 = vector.shape_cast %get3A_505 : vector<1x1x16xf32> to vector<16xf32>
        %add3A_507 = arith.constant 80 : i32
        %add3A_508 = arith.addi %add3A_507, %scan3A_392 : i32
        %get3A_509 = arith.constant 4 : i32
        %get3A_510 = arith.index_cast %get3A_509 : i32 to index
        %get3A_511 = arith.index_cast %add3A_508 : i32 to index
        %get3A_512 = arith.constant 80 : index
        %get3A_513 = tpu.vector_load %arg8[%get3A_510, %get3A_511, %get3A_512] {strides = array<i32>} : memref<5x160x128xf32, #tpu.memory_space<vmem>>, vector<1x1x16xf32>,
        %get3A_514 = vector.shape_cast %get3A_513 : vector<1x1x16xf32> to vector<16xf32>
        %mul3A_515 = arith.mulf %get3A_506, %get3A_514 : vector<16xf32>
        %swap3A_516 = arith.constant 4 : i32
        %swap3A_517 = arith.index_cast %swap3A_516 : i32 to index
        %swap3A_518 = arith.index_cast %scan3A_392 : i32 to index
        %swap3A_519 = arith.constant 80 : index
        %swap3A_520 = tpu.vector_load %arg8[%swap3A_517, %swap3A_518, %swap3A_519] {strides = array<i32>} : memref<5x160x128xf32, #tpu.memory_space<vmem>>, vector<1x1x16xf32>,
        %swap3A_521 = vector.shape_cast %swap3A_520 : vector<1x1x16xf32> to vector<16xf32>
        %swap3A_522 = vector.shape_cast %mul3A_515 : vector<16xf32> to vector<1x1x16xf32>
        tpu.vector_store %arg8[%swap3A_517, %swap3A_518, %swap3A_519], %swap3A_522 {strides = array<i32>} : memref<5x160x128xf32, #tpu.memory_space<vmem>>, vector<1x1x16xf32>,
        %get3A_523 = arith.constant 4 : i32
        %get3A_524 = arith.index_cast %get3A_523 : i32 to index
        %get3A_525 = arith.index_cast %scan3A_392 : i32 to index
        %get3A_526 = arith.constant 96 : index
        %get3A_527 = tpu.vector_load %arg8[%get3A_524, %get3A_525, %get3A_526] {strides = array<i32>} : memref<5x160x128xf32, #tpu.memory_space<vmem>>, vector<1x1x16xf32>,
        %get3A_528 = vector.shape_cast %get3A_527 : vector<1x1x16xf32> to vector<16xf32>
        %add3A_529 = arith.constant 80 : i32
        %add3A_530 = arith.addi %add3A_529, %scan3A_392 : i32
        %get3A_531 = arith.constant 4 : i32
        %get3A_532 = arith.index_cast %get3A_531 : i32 to index
        %get3A_533 = arith.index_cast %add3A_530 : i32 to index
        %get3A_534 = arith.constant 96 : index
        %get3A_535 = tpu.vector_load %arg8[%get3A_532, %get3A_533, %get3A_534] {strides = array<i32>} : memref<5x160x128xf32, #tpu.memory_space<vmem>>, vector<1x1x16xf32>,
        %get3A_536 = vector.shape_cast %get3A_535 : vector<1x1x16xf32> to vector<16xf32>
        %mul3A_537 = arith.mulf %get3A_528, %get3A_536 : vector<16xf32>
        %swap3A_538 = arith.constant 4 : i32
        %swap3A_539 = arith.index_cast %swap3A_538 : i32 to index
        %swap3A_540 = arith.index_cast %scan3A_392 : i32 to index
        %swap3A_541 = arith.constant 96 : index
        %swap3A_542 = tpu.vector_load %arg8[%swap3A_539, %swap3A_540, %swap3A_541] {strides = array<i32>} : memref<5x160x128xf32, #tpu.memory_space<vmem>>, vector<1x1x16xf32>,
        %swap3A_543 = vector.shape_cast %swap3A_542 : vector<1x1x16xf32> to vector<16xf32>
        %swap3A_544 = vector.shape_cast %mul3A_537 : vector<16xf32> to vector<1x1x16xf32>
        tpu.vector_store %arg8[%swap3A_539, %swap3A_540, %swap3A_541], %swap3A_544 {strides = array<i32>} : memref<5x160x128xf32, #tpu.memory_space<vmem>>, vector<1x1x16xf32>,
        %get3A_545 = arith.constant 4 : i32
        %get3A_546 = arith.index_cast %get3A_545 : i32 to index
        %get3A_547 = arith.index_cast %scan3A_392 : i32 to index
        %get3A_548 = arith.constant 112 : index
        %get3A_549 = tpu.vector_load %arg8[%get3A_546, %get3A_547, %get3A_548] {strides = array<i32>} : memref<5x160x128xf32, #tpu.memory_space<vmem>>, vector<1x1x16xf32>,
        %get3A_550 = vector.shape_cast %get3A_549 : vector<1x1x16xf32> to vector<16xf32>
        %add3A_551 = arith.constant 80 : i32
        %add3A_552 = arith.addi %add3A_551, %scan3A_392 : i32
        %get3A_553 = arith.constant 4 : i32
        %get3A_554 = arith.index_cast %get3A_553 : i32 to index
        %get3A_555 = arith.index_cast %add3A_552 : i32 to index
        %get3A_556 = arith.constant 112 : index
        %get3A_557 = tpu.vector_load %arg8[%get3A_554, %get3A_555, %get3A_556] {strides = array<i32>} : memref<5x160x128xf32, #tpu.memory_space<vmem>>, vector<1x1x16xf32>,
        %get3A_558 = vector.shape_cast %get3A_557 : vector<1x1x16xf32> to vector<16xf32>
        %mul3A_559 = arith.mulf %get3A_550, %get3A_558 : vector<16xf32>
        %swap3A_560 = arith.constant 4 : i32
        %swap3A_561 = arith.index_cast %swap3A_560 : i32 to index
        %swap3A_562 = arith.index_cast %scan3A_392 : i32 to index
        %swap3A_563 = arith.constant 112 : index
        %swap3A_564 = tpu.vector_load %arg8[%swap3A_561, %swap3A_562, %swap3A_563] {strides = array<i32>} : memref<5x160x128xf32, #tpu.memory_space<vmem>>, vector<1x1x16xf32>,
        %swap3A_565 = vector.shape_cast %swap3A_564 : vector<1x1x16xf32> to vector<16xf32>
        %swap3A_566 = vector.shape_cast %mul3A_559 : vector<16xf32> to vector<1x1x16xf32>
        tpu.vector_store %arg8[%swap3A_561, %swap3A_562, %swap3A_563], %swap3A_566 {strides = array<i32>} : memref<5x160x128xf32, #tpu.memory_space<vmem>>, vector<1x1x16xf32>,
        %scan3A_567 = arith.constant 1 : i32
        %scan3A_568 = arith.addi %scan3A_392, %scan3A_567 : i32
        %get3A_569 = arith.constant 4 : i32
        %get3A_570 = arith.index_cast %get3A_569 : i32 to index
        %get3A_571 = arith.index_cast %scan3A_568 : i32 to index
        %get3A_572 = arith.constant 0 : index
        %get3A_573 = tpu.vector_load %arg8[%get3A_570, %get3A_571, %get3A_572] {strides = array<i32>} : memref<5x160x128xf32, #tpu.memory_space<vmem>>, vector<1x1x16xf32>,
        %get3A_574 = vector.shape_cast %get3A_573 : vector<1x1x16xf32> to vector<16xf32>
        %add3A_575 = arith.constant 80 : i32
        %add3A_576 = arith.addi %add3A_575, %scan3A_568 : i32
        %get3A_577 = arith.constant 4 : i32
        %get3A_578 = arith.index_cast %get3A_577 : i32 to index
        %get3A_579 = arith.index_cast %add3A_576 : i32 to index
        %get3A_580 = arith.constant 0 : index
        %get3A_581 = tpu.vector_load %arg8[%get3A_578, %get3A_579, %get3A_580] {strides = array<i32>} : memref<5x160x128xf32, #tpu.memory_space<vmem>>, vector<1x1x16xf32>,
        %get3A_582 = vector.shape_cast %get3A_581 : vector<1x1x16xf32> to vector<16xf32>
        %mul3A_583 = arith.mulf %get3A_574, %get3A_582 : vector<16xf32>
        %swap3A_584 = arith.constant 4 : i32
        %swap3A_585 = arith.index_cast %swap3A_584 : i32 to index
        %swap3A_586 = arith.index_cast %scan3A_568 : i32 to index
        %swap3A_587 = arith.constant 0 : index
        %swap3A_588 = tpu.vector_load %arg8[%swap3A_585, %swap3A_586, %swap3A_587] {strides = array<i32>} : memref<5x160x128xf32, #tpu.memory_space<vmem>>, vector<1x1x16xf32>,
        %swap3A_589 = vector.shape_cast %swap3A_588 : vector<1x1x16xf32> to vector<16xf32>
        %swap3A_590 = vector.shape_cast %mul3A_583 : vector<16xf32> to vector<1x1x16xf32>
        tpu.vector_store %arg8[%swap3A_585, %swap3A_586, %swap3A_587], %swap3A_590 {strides = array<i32>} : memref<5x160x128xf32, #tpu.memory_space<vmem>>, vector<1x1x16xf32>,
        %get3A_591 = arith.constant 4 : i32
        %get3A_592 = arith.index_cast %get3A_591 : i32 to index
        %get3A_593 = arith.index_cast %scan3A_568 : i32 to index
        %get3A_594 = arith.constant 16 : index
        %get3A_595 = tpu.vector_load %arg8[%get3A_592, %get3A_593, %get3A_594] {strides = array<i32>} : memref<5x160x128xf32, #tpu.memory_space<vmem>>, vector<1x1x16xf32>,
        %get3A_596 = vector.shape_cast %get3A_595 : vector<1x1x16xf32> to vector<16xf32>
        %add3A_597 = arith.constant 80 : i32
        %add3A_598 = arith.addi %add3A_597, %scan3A_568 : i32
        %get3A_599 = arith.constant 4 : i32
        %get3A_600 = arith.index_cast %get3A_599 : i32 to index
        %get3A_601 = arith.index_cast %add3A_598 : i32 to index
        %get3A_602 = arith.constant 16 : index
        %get3A_603 = tpu.vector_load %arg8[%get3A_600, %get3A_601, %get3A_602] {strides = array<i32>} : memref<5x160x128xf32, #tpu.memory_space<vmem>>, vector<1x1x16xf32>,
        %get3A_604 = vector.shape_cast %get3A_603 : vector<1x1x16xf32> to vector<16xf32>
        %mul3A_605 = arith.mulf %get3A_596, %get3A_604 : vector<16xf32>
        %swap3A_606 = arith.constant 4 : i32
        %swap3A_607 = arith.index_cast %swap3A_606 : i32 to index
        %swap3A_608 = arith.index_cast %scan3A_568 : i32 to index
        %swap3A_609 = arith.constant 16 : index
        %swap3A_610 = tpu.vector_load %arg8[%swap3A_607, %swap3A_608, %swap3A_609] {strides = array<i32>} : memref<5x160x128xf32, #tpu.memory_space<vmem>>, vector<1x1x16xf32>,
        %swap3A_611 = vector.shape_cast %swap3A_610 : vector<1x1x16xf32> to vector<16xf32>
        %swap3A_612 = vector.shape_cast %mul3A_605 : vector<16xf32> to vector<1x1x16xf32>
        tpu.vector_store %arg8[%swap3A_607, %swap3A_608, %swap3A_609], %swap3A_612 {strides = array<i32>} : memref<5x160x128xf32, #tpu.memory_space<vmem>>, vector<1x1x16xf32>,
        %get3A_613 = arith.constant 4 : i32
        %get3A_614 = arith.index_cast %get3A_613 : i32 to index
        %get3A_615 = arith.index_cast %scan3A_568 : i32 to index
        %get3A_616 = arith.constant 32 : index
        %get3A_617 = tpu.vector_load %arg8[%get3A_614, %get3A_615, %get3A_616] {strides = array<i32>} : memref<5x160x128xf32, #tpu.memory_space<vmem>>, vector<1x1x16xf32>,
        %get3A_618 = vector.shape_cast %get3A_617 : vector<1x1x16xf32> to vector<16xf32>
        %add3A_619 = arith.constant 80 : i32
        %add3A_620 = arith.addi %add3A_619, %scan3A_568 : i32
        %get3A_621 = arith.constant 4 : i32
        %get3A_622 = arith.index_cast %get3A_621 : i32 to index
        %get3A_623 = arith.index_cast %add3A_620 : i32 to index
        %get3A_624 = arith.constant 32 : index
        %get3A_625 = tpu.vector_load %arg8[%get3A_622, %get3A_623, %get3A_624] {strides = array<i32>} : memref<5x160x128xf32, #tpu.memory_space<vmem>>, vector<1x1x16xf32>,
        %get3A_626 = vector.shape_cast %get3A_625 : vector<1x1x16xf32> to vector<16xf32>
        %mul3A_627 = arith.mulf %get3A_618, %get3A_626 : vector<16xf32>
        %swap3A_628 = arith.constant 4 : i32
        %swap3A_629 = arith.index_cast %swap3A_628 : i32 to index
        %swap3A_630 = arith.index_cast %scan3A_568 : i32 to index
        %swap3A_631 = arith.constant 32 : index
        %swap3A_632 = tpu.vector_load %arg8[%swap3A_629, %swap3A_630, %swap3A_631] {strides = array<i32>} : memref<5x160x128xf32, #tpu.memory_space<vmem>>, vector<1x1x16xf32>,
        %swap3A_633 = vector.shape_cast %swap3A_632 : vector<1x1x16xf32> to vector<16xf32>
        %swap3A_634 = vector.shape_cast %mul3A_627 : vector<16xf32> to vector<1x1x16xf32>
        tpu.vector_store %arg8[%swap3A_629, %swap3A_630, %swap3A_631], %swap3A_634 {strides = array<i32>} : memref<5x160x128xf32, #tpu.memory_space<vmem>>, vector<1x1x16xf32>,
        %get3A_635 = arith.constant 4 : i32
        %get3A_636 = arith.index_cast %get3A_635 : i32 to index
        %get3A_637 = arith.index_cast %scan3A_568 : i32 to index
        %get3A_638 = arith.constant 48 : index
        %get3A_639 = tpu.vector_load %arg8[%get3A_636, %get3A_637, %get3A_638] {strides = array<i32>} : memref<5x160x128xf32, #tpu.memory_space<vmem>>, vector<1x1x16xf32>,
        %get3A_640 = vector.shape_cast %get3A_639 : vector<1x1x16xf32> to vector<16xf32>
        %add3A_641 = arith.constant 80 : i32
        %add3A_642 = arith.addi %add3A_641, %scan3A_568 : i32
        %get3A_643 = arith.constant 4 : i32
        %get3A_644 = arith.index_cast %get3A_643 : i32 to index
        %get3A_645 = arith.index_cast %add3A_642 : i32 to index
        %get3A_646 = arith.constant 48 : index
        %get3A_647 = tpu.vector_load %arg8[%get3A_644, %get3A_645, %get3A_646] {strides = array<i32>} : memref<5x160x128xf32, #tpu.memory_space<vmem>>, vector<1x1x16xf32>,
        %get3A_648 = vector.shape_cast %get3A_647 : vector<1x1x16xf32> to vector<16xf32>
        %mul3A_649 = arith.mulf %get3A_640, %get3A_648 : vector<16xf32>
        %swap3A_650 = arith.constant 4 : i32
        %swap3A_651 = arith.index_cast %swap3A_650 : i32 to index
        %swap3A_652 = arith.index_cast %scan3A_568 : i32 to index
        %swap3A_653 = arith.constant 48 : index
        %swap3A_654 = tpu.vector_load %arg8[%swap3A_651, %swap3A_652, %swap3A_653] {strides = array<i32>} : memref<5x160x128xf32, #tpu.memory_space<vmem>>, vector<1x1x16xf32>,
        %swap3A_655 = vector.shape_cast %swap3A_654 : vector<1x1x16xf32> to vector<16xf32>
        %swap3A_656 = vector.shape_cast %mul3A_649 : vector<16xf32> to vector<1x1x16xf32>
        tpu.vector_store %arg8[%swap3A_651, %swap3A_652, %swap3A_653], %swap3A_656 {strides = array<i32>} : memref<5x160x128xf32, #tpu.memory_space<vmem>>, vector<1x1x16xf32>,
        %get3A_657 = arith.constant 4 : i32
        %get3A_658 = arith.index_cast %get3A_657 : i32 to index
        %get3A_659 = arith.index_cast %scan3A_568 : i32 to index
        %get3A_660 = arith.constant 64 : index
        %get3A_661 = tpu.vector_load %arg8[%get3A_658, %get3A_659, %get3A_660] {strides = array<i32>} : memref<5x160x128xf32, #tpu.memory_space<vmem>>, vector<1x1x16xf32>,
        %get3A_662 = vector.shape_cast %get3A_661 : vector<1x1x16xf32> to vector<16xf32>
        %add3A_663 = arith.constant 80 : i32
        %add3A_664 = arith.addi %add3A_663, %scan3A_568 : i32
        %get3A_665 = arith.constant 4 : i32
        %get3A_666 = arith.index_cast %get3A_665 : i32 to index
        %get3A_667 = arith.index_cast %add3A_664 : i32 to index
        %get3A_668 = arith.constant 64 : index
        %get3A_669 = tpu.vector_load %arg8[%get3A_666, %get3A_667, %get3A_668] {strides = array<i32>} : memref<5x160x128xf32, #tpu.memory_space<vmem>>, vector<1x1x16xf32>,
        %get3A_670 = vector.shape_cast %get3A_669 : vector<1x1x16xf32> to vector<16xf32>
        %mul3A_671 = arith.mulf %get3A_662, %get3A_670 : vector<16xf32>
        %swap3A_672 = arith.constant 4 : i32
        %swap3A_673 = arith.index_cast %swap3A_672 : i32 to index
        %swap3A_674 = arith.index_cast %scan3A_568 : i32 to index
        %swap3A_675 = arith.constant 64 : index
        %swap3A_676 = tpu.vector_load %arg8[%swap3A_673, %swap3A_674, %swap3A_675] {strides = array<i32>} : memref<5x160x128xf32, #tpu.memory_space<vmem>>, vector<1x1x16xf32>,
        %swap3A_677 = vector.shape_cast %swap3A_676 : vector<1x1x16xf32> to vector<16xf32>
        %swap3A_678 = vector.shape_cast %mul3A_671 : vector<16xf32> to vector<1x1x16xf32>
        tpu.vector_store %arg8[%swap3A_673, %swap3A_674, %swap3A_675], %swap3A_678 {strides = array<i32>} : memref<5x160x128xf32, #tpu.memory_space<vmem>>, vector<1x1x16xf32>,
        %get3A_679 = arith.constant 4 : i32
        %get3A_680 = arith.index_cast %get3A_679 : i32 to index
        %get3A_681 = arith.index_cast %scan3A_568 : i32 to index
        %get3A_682 = arith.constant 80 : index
        %get3A_683 = tpu.vector_load %arg8[%get3A_680, %get3A_681, %get3A_682] {strides = array<i32>} : memref<5x160x128xf32, #tpu.memory_space<vmem>>, vector<1x1x16xf32>,
        %get3A_684 = vector.shape_cast %get3A_683 : vector<1x1x16xf32> to vector<16xf32>
        %add3A_685 = arith.constant 80 : i32
        %add3A_686 = arith.addi %add3A_685, %scan3A_568 : i32
        %get3A_687 = arith.constant 4 : i32
        %get3A_688 = arith.index_cast %get3A_687 : i32 to index
        %get3A_689 = arith.index_cast %add3A_686 : i32 to index
        %get3A_690 = arith.constant 80 : index
        %get3A_691 = tpu.vector_load %arg8[%get3A_688, %get3A_689, %get3A_690] {strides = array<i32>} : memref<5x160x128xf32, #tpu.memory_space<vmem>>, vector<1x1x16xf32>,
        %get3A_692 = vector.shape_cast %get3A_691 : vector<1x1x16xf32> to vector<16xf32>
        %mul3A_693 = arith.mulf %get3A_684, %get3A_692 : vector<16xf32>
        %swap3A_694 = arith.constant 4 : i32
        %swap3A_695 = arith.index_cast %swap3A_694 : i32 to index
        %swap3A_696 = arith.index_cast %scan3A_568 : i32 to index
        %swap3A_697 = arith.constant 80 : index
        %swap3A_698 = tpu.vector_load %arg8[%swap3A_695, %swap3A_696, %swap3A_697] {strides = array<i32>} : memref<5x160x128xf32, #tpu.memory_space<vmem>>, vector<1x1x16xf32>,
        %swap3A_699 = vector.shape_cast %swap3A_698 : vector<1x1x16xf32> to vector<16xf32>
        %swap3A_700 = vector.shape_cast %mul3A_693 : vector<16xf32> to vector<1x1x16xf32>
        tpu.vector_store %arg8[%swap3A_695, %swap3A_696, %swap3A_697], %swap3A_700 {strides = array<i32>} : memref<5x160x128xf32, #tpu.memory_space<vmem>>, vector<1x1x16xf32>,
        %get3A_701 = arith.constant 4 : i32
        %get3A_702 = arith.index_cast %get3A_701 : i32 to index
        %get3A_703 = arith.index_cast %scan3A_568 : i32 to index
        %get3A_704 = arith.constant 96 : index
        %get3A_705 = tpu.vector_load %arg8[%get3A_702, %get3A_703, %get3A_704] {strides = array<i32>} : memref<5x160x128xf32, #tpu.memory_space<vmem>>, vector<1x1x16xf32>,
        %get3A_706 = vector.shape_cast %get3A_705 : vector<1x1x16xf32> to vector<16xf32>
        %add3A_707 = arith.constant 80 : i32
        %add3A_708 = arith.addi %add3A_707, %scan3A_568 : i32
        %get3A_709 = arith.constant 4 : i32
        %get3A_710 = arith.index_cast %get3A_709 : i32 to index
        %get3A_711 = arith.index_cast %add3A_708 : i32 to index
        %get3A_712 = arith.constant 96 : index
        %get3A_713 = tpu.vector_load %arg8[%get3A_710, %get3A_711, %get3A_712] {strides = array<i32>} : memref<5x160x128xf32, #tpu.memory_space<vmem>>, vector<1x1x16xf32>,
        %get3A_714 = vector.shape_cast %get3A_713 : vector<1x1x16xf32> to vector<16xf32>
        %mul3A_715 = arith.mulf %get3A_706, %get3A_714 : vector<16xf32>
        %swap3A_716 = arith.constant 4 : i32
        %swap3A_717 = arith.index_cast %swap3A_716 : i32 to index
        %swap3A_718 = arith.index_cast %scan3A_568 : i32 to index
        %swap3A_719 = arith.constant 96 : index
        %swap3A_720 = tpu.vector_load %arg8[%swap3A_717, %swap3A_718, %swap3A_719] {strides = array<i32>} : memref<5x160x128xf32, #tpu.memory_space<vmem>>, vector<1x1x16xf32>,
        %swap3A_721 = vector.shape_cast %swap3A_720 : vector<1x1x16xf32> to vector<16xf32>
        %swap3A_722 = vector.shape_cast %mul3A_715 : vector<16xf32> to vector<1x1x16xf32>
        tpu.vector_store %arg8[%swap3A_717, %swap3A_718, %swap3A_719], %swap3A_722 {strides = array<i32>} : memref<5x160x128xf32, #tpu.memory_space<vmem>>, vector<1x1x16xf32>,
        %get3A_723 = arith.constant 4 : i32
        %get3A_724 = arith.index_cast %get3A_723 : i32 to index
        %get3A_725 = arith.index_cast %scan3A_568 : i32 to index
        %get3A_726 = arith.constant 112 : index
        %get3A_727 = tpu.vector_load %arg8[%get3A_724, %get3A_725, %get3A_726] {strides = array<i32>} : memref<5x160x128xf32, #tpu.memory_space<vmem>>, vector<1x1x16xf32>,
        %get3A_728 = vector.shape_cast %get3A_727 : vector<1x1x16xf32> to vector<16xf32>
        %add3A_729 = arith.constant 80 : i32
        %add3A_730 = arith.addi %add3A_729, %scan3A_568 : i32
        %get3A_731 = arith.constant 4 : i32
        %get3A_732 = arith.index_cast %get3A_731 : i32 to index
        %get3A_733 = arith.index_cast %add3A_730 : i32 to index
        %get3A_734 = arith.constant 112 : index
        %get3A_735 = tpu.vector_load %arg8[%get3A_732, %get3A_733, %get3A_734] {strides = array<i32>} : memref<5x160x128xf32, #tpu.memory_space<vmem>>, vector<1x1x16xf32>,
        %get3A_736 = vector.shape_cast %get3A_735 : vector<1x1x16xf32> to vector<16xf32>
        %mul3A_737 = arith.mulf %get3A_728, %get3A_736 : vector<16xf32>
        %swap3A_738 = arith.constant 4 : i32
        %swap3A_739 = arith.index_cast %swap3A_738 : i32 to index
        %swap3A_740 = arith.index_cast %scan3A_568 : i32 to index
        %swap3A_741 = arith.constant 112 : index
        %swap3A_742 = tpu.vector_load %arg8[%swap3A_739, %swap3A_740, %swap3A_741] {strides = array<i32>} : memref<5x160x128xf32, #tpu.memory_space<vmem>>, vector<1x1x16xf32>,
        %swap3A_743 = vector.shape_cast %swap3A_742 : vector<1x1x16xf32> to vector<16xf32>
        %swap3A_744 = vector.shape_cast %mul3A_737 : vector<16xf32> to vector<1x1x16xf32>
        tpu.vector_store %arg8[%swap3A_739, %swap3A_740, %swap3A_741], %swap3A_744 {strides = array<i32>} : memref<5x160x128xf32, #tpu.memory_space<vmem>>, vector<1x1x16xf32>,
      }
      %scan3A_370 = arith.constant 80 : i32
      %mul3A_371 = arith.constant 80 : i32
      %mul3A_372 = arith.muli %add3A_344, %mul3A_371 : i32
      %add3A_373 = arith.addi %mul3A_2, %mul3A_372 : i32
      %dma_start3A_374 = arith.constant 4 : i32
      %dma_start3A_375 = arith.constant 0 : i32
      %dma_start3A_376 = arith.constant 0 : i32
      %dma_start3A_377 = tpu.memref_slice %arg8[%dma_start3A_374, %dma_start3A_375, %dma_start3A_376] : memref<5x160x128xf32, #tpu.memory_space<vmem>> -> memref<1x80x128xf32, #tpu.memory_space<vmem>>
      %dma_start3A_378 = tpu.memref_squeeze %dma_start3A_377 : memref<1x80x128xf32, #tpu.memory_space<vmem>> -> memref<80x128xf32, #tpu.memory_space<vmem>>
      %dma_start3A_379 = arith.constant 0 : i32
      %dma_start3A_380 = tpu.memref_slice %arg5[%add3A_373, %dma_start3A_379] : memref<320000x128xf32, #tpu.memory_space<hbm>> -> memref<80x128xf32, #tpu.memory_space<hbm>>
      %dma_start3A_381 = arith.constant 0 : i32
      %dma_start3A_382 = tpu.memref_slice %arg5[%add3A_373, %dma_start3A_381] : memref<320000x128xf32, #tpu.memory_space<hbm>> -> memref<80x128xf32, #tpu.memory_space<hbm>>
      %dma_start3A_383 = arith.constant 0 : i32
      %dma_start3A_384 = arith.constant 0 : i32
      %dma_start3A_385 = tpu.memref_slice %arg8[%dma_start3A_374, %dma_start3A_383, %dma_start3A_384] : memref<5x160x128xf32, #tpu.memory_space<vmem>> -> memref<1x80x128xf32, #tpu.memory_space<vmem>>
      %dma_start3A_386 = tpu.memref_squeeze %dma_start3A_385 : memref<1x80x128xf32, #tpu.memory_space<vmem>> -> memref<80x128xf32, #tpu.memory_space<vmem>>
      tpu.enqueue_dma source(%dma_start3A_386 : memref<80x128xf32, #tpu.memory_space<vmem>>) target(%dma_start3A_382 : memref<80x128xf32, #tpu.memory_space<hbm>>) target_semaphore(%arg18 : memref<!tpu.dma_semaphore, #tpu.memory_space<semaphore_mem>>)
      %lt3A_387 = arith.constant 122 : i32
      %lt3A_388 = arith.cmpi slt, %add3A_344, %lt3A_387 : i32
      %convert_element_type3A_389 = arith.extui %lt3A_388 : i1 to i32
      %cond3A_390 = arith.constant 0 : i32
      %cond3A_391 = arith.cmpi ne, %convert_element_type3A_389, %cond3A_390 : i32
      scf.if %cond3A_391 {
        %ge3A = arith.constant 2 : i32
        %ge3A_392 = arith.cmpi sge, %add3A_344, %ge3A : i32
        %convert_element_type3A_393 = arith.extui %ge3A_392 : i1 to i32
        %cond3A_394 = arith.constant 0 : i32
        %cond3A_395 = arith.cmpi ne, %convert_element_type3A_393, %cond3A_394 : i32
        scf.if %cond3A_395 {
          %add3A_418 = arith.constant 3 : i32
          %add3A_419 = arith.addi %add3A_344, %add3A_418 : i32
          %sub3A = arith.constant 5 : i32
          %sub3A_420 = arith.subi %add3A_419, %sub3A : i32
          %mul3A_421 = arith.constant 80 : i32
          %mul3A_422 = arith.muli %sub3A_420, %mul3A_421 : i32
          %add3A_423 = arith.addi %mul3A_2, %mul3A_422 : i32
          %dma_wait3A_424 = arith.constant 2 : i32
          %dma_wait3A_425 = arith.constant 0 : i32
          %dma_wait3A_426 = arith.constant 0 : i32
          %dma_wait3A_427 = tpu.memref_slice %arg8[%dma_wait3A_424, %dma_wait3A_425, %dma_wait3A_426] : memref<5x160x128xf32, #tpu.memory_space<vmem>> -> memref<1x80x128xf32, #tpu.memory_space<vmem>>
          %dma_wait3A_428 = tpu.memref_squeeze %dma_wait3A_427 : memref<1x80x128xf32, #tpu.memory_space<vmem>> -> memref<80x128xf32, #tpu.memory_space<vmem>>
          %dma_wait3A_429 = arith.constant 0 : i32
          %dma_wait3A_430 = tpu.memref_slice %arg5[%add3A_423, %dma_wait3A_429] : memref<320000x128xf32, #tpu.memory_space<hbm>> -> memref<80x128xf32, #tpu.memory_space<hbm>>
          %dma_wait3A_431 = arith.constant 0 : i32
          %dma_wait3A_432 = tpu.memref_slice %arg5[%add3A_423, %dma_wait3A_431] : memref<320000x128xf32, #tpu.memory_space<hbm>> -> memref<80x128xf32, #tpu.memory_space<hbm>>
          %dma_wait3A_433 = arith.constant 0 : i32
          %dma_wait3A_434 = arith.constant 0 : i32
          %dma_wait3A_435 = tpu.memref_slice %arg8[%dma_wait3A_424, %dma_wait3A_433, %dma_wait3A_434] : memref<5x160x128xf32, #tpu.memory_space<vmem>> -> memref<1x80x128xf32, #tpu.memory_space<vmem>>
          %dma_wait3A_436 = tpu.memref_squeeze %dma_wait3A_435 : memref<1x80x128xf32, #tpu.memory_space<vmem>> -> memref<80x128xf32, #tpu.memory_space<vmem>>
          tpu.wait_dma2 semaphore(%arg16 : memref<!tpu.dma_semaphore, #tpu.memory_space<semaphore_mem>>) src(%dma_wait3A_436 : memref<80x128xf32, #tpu.memory_space<vmem>>) dst(%dma_wait3A_432 : memref<80x128xf32, #tpu.memory_space<hbm>>)
        } else {
        }
        %add3A_396 = arith.constant 3 : i32
        %add3A_397 = arith.addi %add3A_344, %add3A_396 : i32
        %mul3A_398 = arith.constant 80 : i32
        %mul3A_399 = arith.muli %add3A_397, %mul3A_398 : i32
        %dma_start3A_400 = arith.constant 2 : i32
        %dma_start3A_401 = arith.constant 0 : i32
        %dma_start3A_402 = arith.constant 0 : i32
        %dma_start3A_403 = tpu.memref_slice %arg8[%dma_start3A_400, %dma_start3A_401, %dma_start3A_402] : memref<5x160x128xf32, #tpu.memory_space<vmem>> -> memref<1x80x128xf32, #tpu.memory_space<vmem>>
        %dma_start3A_404 = tpu.memref_squeeze %dma_start3A_403 : memref<1x80x128xf32, #tpu.memory_space<vmem>> -> memref<80x128xf32, #tpu.memory_space<vmem>>
        %dma_start3A_405 = tpu.memref_slice %arg6[%mul3A_399] : memref<10000xi32, #tpu.memory_space<vmem>> -> memref<80xi32, #tpu.memory_space<vmem>>
        %dma_start3A_406 = arith.constant 0 : i32
        %dma_start3A_407 = arith.constant 0 : i32
        %dma_start3A_408 = tpu.memref_slice %arg2[%dma_start3A_406, %dma_start3A_407] : memref<10000x128xf32, #tpu.memory_space<hbm>> -> memref<10000x128xf32, #tpu.memory_space<hbm>>
        tpu.enqueue_indirect_dma source(%dma_start3A_408 : memref<10000x128xf32, #tpu.memory_space<hbm>>) target(%dma_start3A_404 : memref<80x128xf32, #tpu.memory_space<vmem>>) offsets(%dma_start3A_405 : memref<80xi32, #tpu.memory_space<vmem>>) semaphore(%arg11 : memref<!tpu.dma_semaphore, #tpu.memory_space<semaphore_mem>>)
        %dma_start3A_409 = arith.constant 2 : i32
        %dma_start3A_410 = arith.constant 80 : i32
        %dma_start3A_411 = arith.constant 0 : i32
        %dma_start3A_412 = tpu.memref_slice %arg8[%dma_start3A_409, %dma_start3A_410, %dma_start3A_411] : memref<5x160x128xf32, #tpu.memory_space<vmem>> -> memref<1x80x128xf32, #tpu.memory_space<vmem>>
        %dma_start3A_413 = tpu.memref_squeeze %dma_start3A_412 : memref<1x80x128xf32, #tpu.memory_space<vmem>> -> memref<80x128xf32, #tpu.memory_space<vmem>>
        %dma_start3A_414 = tpu.memref_slice %arg7[%mul3A_399] : memref<10000xi32, #tpu.memory_space<vmem>> -> memref<80xi32, #tpu.memory_space<vmem>>
        %dma_start3A_415 = arith.constant 0 : i32
        %dma_start3A_416 = arith.constant 0 : i32
        %dma_start3A_417 = tpu.memref_slice %arg3[%dma_start3A_415, %dma_start3A_416] : memref<10000x128xf32, #tpu.memory_space<hbm>> -> memref<10000x128xf32, #tpu.memory_space<hbm>>
        tpu.enqueue_indirect_dma source(%dma_start3A_417 : memref<10000x128xf32, #tpu.memory_space<hbm>>) target(%dma_start3A_413 : memref<80x128xf32, #tpu.memory_space<vmem>>) offsets(%dma_start3A_414 : memref<80xi32, #tpu.memory_space<vmem>>) semaphore(%arg11 : memref<!tpu.dma_semaphore, #tpu.memory_space<semaphore_mem>>)
      } else {
      }
    }
    %scan3A_72 = arith.constant 25 : i32
    %add3A_73 = arith.constant 9600 : i32
    %add3A_74 = arith.addi %mul3A_2, %add3A_73 : i32
    %dma_wait3A = arith.constant 0 : i32
    %dma_wait3A_75 = arith.constant 0 : i32
    %dma_wait3A_76 = arith.constant 0 : i32
    %dma_wait3A_77 = tpu.memref_slice %arg8[%dma_wait3A, %dma_wait3A_75, %dma_wait3A_76] : memref<5x160x128xf32, #tpu.memory_space<vmem>> -> memref<1x80x128xf32, #tpu.memory_space<vmem>>
    %dma_wait3A_78 = tpu.memref_squeeze %dma_wait3A_77 : memref<1x80x128xf32, #tpu.memory_space<vmem>> -> memref<80x128xf32, #tpu.memory_space<vmem>>
    %dma_wait3A_79 = arith.constant 0 : i32
    %dma_wait3A_80 = tpu.memref_slice %arg5[%add3A_74, %dma_wait3A_79] : memref<320000x128xf32, #tpu.memory_space<hbm>> -> memref<80x128xf32, #tpu.memory_space<hbm>>
    %dma_wait3A_81 = arith.constant 0 : i32
    %dma_wait3A_82 = tpu.memref_slice %arg5[%add3A_74, %dma_wait3A_81] : memref<320000x128xf32, #tpu.memory_space<hbm>> -> memref<80x128xf32, #tpu.memory_space<hbm>>
    %dma_wait3A_83 = arith.constant 0 : i32
    %dma_wait3A_84 = arith.constant 0 : i32
    %dma_wait3A_85 = tpu.memref_slice %arg8[%dma_wait3A, %dma_wait3A_83, %dma_wait3A_84] : memref<5x160x128xf32, #tpu.memory_space<vmem>> -> memref<1x80x128xf32, #tpu.memory_space<vmem>>
    %dma_wait3A_86 = tpu.memref_squeeze %dma_wait3A_85 : memref<1x80x128xf32, #tpu.memory_space<vmem>> -> memref<80x128xf32, #tpu.memory_space<vmem>>
    tpu.wait_dma2 semaphore(%arg14 : memref<!tpu.dma_semaphore, #tpu.memory_space<semaphore_mem>>) src(%dma_wait3A_86 : memref<80x128xf32, #tpu.memory_space<vmem>>) dst(%dma_wait3A_82 : memref<80x128xf32, #tpu.memory_space<hbm>>)
    %add3A_87 = arith.constant 9680 : i32
    %add3A_88 = arith.addi %mul3A_2, %add3A_87 : i32
    %dma_wait3A_89 = arith.constant 1 : i32
    %dma_wait3A_90 = arith.constant 0 : i32
    %dma_wait3A_91 = arith.constant 0 : i32
    %dma_wait3A_92 = tpu.memref_slice %arg8[%dma_wait3A_89, %dma_wait3A_90, %dma_wait3A_91] : memref<5x160x128xf32, #tpu.memory_space<vmem>> -> memref<1x80x128xf32, #tpu.memory_space<vmem>>
    %dma_wait3A_93 = tpu.memref_squeeze %dma_wait3A_92 : memref<1x80x128xf32, #tpu.memory_space<vmem>> -> memref<80x128xf32, #tpu.memory_space<vmem>>
    %dma_wait3A_94 = arith.constant 0 : i32
    %dma_wait3A_95 = tpu.memref_slice %arg5[%add3A_88, %dma_wait3A_94] : memref<320000x128xf32, #tpu.memory_space<hbm>> -> memref<80x128xf32, #tpu.memory_space<hbm>>
    %dma_wait3A_96 = arith.constant 0 : i32
    %dma_wait3A_97 = tpu.memref_slice %arg5[%add3A_88, %dma_wait3A_96] : memref<320000x128xf32, #tpu.memory_space<hbm>> -> memref<80x128xf32, #tpu.memory_space<hbm>>
    %dma_wait3A_98 = arith.constant 0 : i32
    %dma_wait3A_99 = arith.constant 0 : i32
    %dma_wait3A_100 = tpu.memref_slice %arg8[%dma_wait3A_89, %dma_wait3A_98, %dma_wait3A_99] : memref<5x160x128xf32, #tpu.memory_space<vmem>> -> memref<1x80x128xf32, #tpu.memory_space<vmem>>
    %dma_wait3A_101 = tpu.memref_squeeze %dma_wait3A_100 : memref<1x80x128xf32, #tpu.memory_space<vmem>> -> memref<80x128xf32, #tpu.memory_space<vmem>>
    tpu.wait_dma2 semaphore(%arg15 : memref<!tpu.dma_semaphore, #tpu.memory_space<semaphore_mem>>) src(%dma_wait3A_101 : memref<80x128xf32, #tpu.memory_space<vmem>>) dst(%dma_wait3A_97 : memref<80x128xf32, #tpu.memory_space<hbm>>)
    %add3A_102 = arith.constant 9760 : i32
    %add3A_103 = arith.addi %mul3A_2, %add3A_102 : i32
    %dma_wait3A_104 = arith.constant 2 : i32
    %dma_wait3A_105 = arith.constant 0 : i32
    %dma_wait3A_106 = arith.constant 0 : i32
    %dma_wait3A_107 = tpu.memref_slice %arg8[%dma_wait3A_104, %dma_wait3A_105, %dma_wait3A_106] : memref<5x160x128xf32, #tpu.memory_space<vmem>> -> memref<1x80x128xf32, #tpu.memory_space<vmem>>
    %dma_wait3A_108 = tpu.memref_squeeze %dma_wait3A_107 : memref<1x80x128xf32, #tpu.memory_space<vmem>> -> memref<80x128xf32, #tpu.memory_space<vmem>>
    %dma_wait3A_109 = arith.constant 0 : i32
    %dma_wait3A_110 = tpu.memref_slice %arg5[%add3A_103, %dma_wait3A_109] : memref<320000x128xf32, #tpu.memory_space<hbm>> -> memref<80x128xf32, #tpu.memory_space<hbm>>
    %dma_wait3A_111 = arith.constant 0 : i32
    %dma_wait3A_112 = tpu.memref_slice %arg5[%add3A_103, %dma_wait3A_111] : memref<320000x128xf32, #tpu.memory_space<hbm>> -> memref<80x128xf32, #tpu.memory_space<hbm>>
    %dma_wait3A_113 = arith.constant 0 : i32
    %dma_wait3A_114 = arith.constant 0 : i32
    %dma_wait3A_115 = tpu.memref_slice %arg8[%dma_wait3A_104, %dma_wait3A_113, %dma_wait3A_114] : memref<5x160x128xf32, #tpu.memory_space<vmem>> -> memref<1x80x128xf32, #tpu.memory_space<vmem>>
    %dma_wait3A_116 = tpu.memref_squeeze %dma_wait3A_115 : memref<1x80x128xf32, #tpu.memory_space<vmem>> -> memref<80x128xf32, #tpu.memory_space<vmem>>
    tpu.wait_dma2 semaphore(%arg16 : memref<!tpu.dma_semaphore, #tpu.memory_space<semaphore_mem>>) src(%dma_wait3A_116 : memref<80x128xf32, #tpu.memory_space<vmem>>) dst(%dma_wait3A_112 : memref<80x128xf32, #tpu.memory_space<hbm>>)
    %add3A_117 = arith.constant 9840 : i32
    %add3A_118 = arith.addi %mul3A_2, %add3A_117 : i32
    %dma_wait3A_119 = arith.constant 3 : i32
    %dma_wait3A_120 = arith.constant 0 : i32
    %dma_wait3A_121 = arith.constant 0 : i32
    %dma_wait3A_122 = tpu.memref_slice %arg8[%dma_wait3A_119, %dma_wait3A_120, %dma_wait3A_121] : memref<5x160x128xf32, #tpu.memory_space<vmem>> -> memref<1x80x128xf32, #tpu.memory_space<vmem>>
    %dma_wait3A_123 = tpu.memref_squeeze %dma_wait3A_122 : memref<1x80x128xf32, #tpu.memory_space<vmem>> -> memref<80x128xf32, #tpu.memory_space<vmem>>
    %dma_wait3A_124 = arith.constant 0 : i32
    %dma_wait3A_125 = tpu.memref_slice %arg5[%add3A_118, %dma_wait3A_124] : memref<320000x128xf32, #tpu.memory_space<hbm>> -> memref<80x128xf32, #tpu.memory_space<hbm>>
    %dma_wait3A_126 = arith.constant 0 : i32
    %dma_wait3A_127 = tpu.memref_slice %arg5[%add3A_118, %dma_wait3A_126] : memref<320000x128xf32, #tpu.memory_space<hbm>> -> memref<80x128xf32, #tpu.memory_space<hbm>>
    %dma_wait3A_128 = arith.constant 0 : i32
    %dma_wait3A_129 = arith.constant 0 : i32
    %dma_wait3A_130 = tpu.memref_slice %arg8[%dma_wait3A_119, %dma_wait3A_128, %dma_wait3A_129] : memref<5x160x128xf32, #tpu.memory_space<vmem>> -> memref<1x80x128xf32, #tpu.memory_space<vmem>>
    %dma_wait3A_131 = tpu.memref_squeeze %dma_wait3A_130 : memref<1x80x128xf32, #tpu.memory_space<vmem>> -> memref<80x128xf32, #tpu.memory_space<vmem>>
    tpu.wait_dma2 semaphore(%arg17 : memref<!tpu.dma_semaphore, #tpu.memory_space<semaphore_mem>>) src(%dma_wait3A_131 : memref<80x128xf32, #tpu.memory_space<vmem>>) dst(%dma_wait3A_127 : memref<80x128xf32, #tpu.memory_space<hbm>>)
    %add3A_132 = arith.constant 9920 : i32
    %add3A_133 = arith.addi %mul3A_2, %add3A_132 : i32
    %dma_wait3A_134 = arith.constant 4 : i32
    %dma_wait3A_135 = arith.constant 0 : i32
    %dma_wait3A_136 = arith.constant 0 : i32
    %dma_wait3A_137 = tpu.memref_slice %arg8[%dma_wait3A_134, %dma_wait3A_135, %dma_wait3A_136] : memref<5x160x128xf32, #tpu.memory_space<vmem>> -> memref<1x80x128xf32, #tpu.memory_space<vmem>>
    %dma_wait3A_138 = tpu.memref_squeeze %dma_wait3A_137 : memref<1x80x128xf32, #tpu.memory_space<vmem>> -> memref<80x128xf32, #tpu.memory_space<vmem>>
    %dma_wait3A_139 = arith.constant 0 : i32
    %dma_wait3A_140 = tpu.memref_slice %arg5[%add3A_133, %dma_wait3A_139] : memref<320000x128xf32, #tpu.memory_space<hbm>> -> memref<80x128xf32, #tpu.memory_space<hbm>>
    %dma_wait3A_141 = arith.constant 0 : i32
    %dma_wait3A_142 = tpu.memref_slice %arg5[%add3A_133, %dma_wait3A_141] : memref<320000x128xf32, #tpu.memory_space<hbm>> -> memref<80x128xf32, #tpu.memory_space<hbm>>
    %dma_wait3A_143 = arith.constant 0 : i32
    %dma_wait3A_144 = arith.constant 0 : i32
    %dma_wait3A_145 = tpu.memref_slice %arg8[%dma_wait3A_134, %dma_wait3A_143, %dma_wait3A_144] : memref<5x160x128xf32, #tpu.memory_space<vmem>> -> memref<1x80x128xf32, #tpu.memory_space<vmem>>
    %dma_wait3A_146 = tpu.memref_squeeze %dma_wait3A_145 : memref<1x80x128xf32, #tpu.memory_space<vmem>> -> memref<80x128xf32, #tpu.memory_space<vmem>>
    tpu.wait_dma2 semaphore(%arg18 : memref<!tpu.dma_semaphore, #tpu.memory_space<semaphore_mem>>) src(%dma_wait3A_146 : memref<80x128xf32, #tpu.memory_space<vmem>>) dst(%dma_wait3A_142 : memref<80x128xf32, #tpu.memory_space<hbm>>)
    return
  }
}

</mosaic_0001>

<sc_bundles>
// kernel: kernel.3.cloned.1.call-start
scs
__scs_entry_jumppad:
0x0: {  	(pc) =	sbr.rel $0x88, $3  }
0x1: {  	(tag) =	ssettag $0x0;
	lr =	simm.s32 $0x1  }
0x2: {  	[smem:$0x3F9E] =	sst lr;
	_ =	strace $0xD0000000  }
0x3: {  	_ = 	snop  }
0x4: {  	_ = 	snop  }
0x5: {  	_ = 	snop  }
0x6: {  	_ = 	snop  }
0x7: {  	_ = 	snop  }
__scs_overlays_trampoline_lowered:
0x8: {  	[smem:$0x3FAD] =	sst s0  }
0x9: {  	[smem:$0x3FAE] =	sst s1  }
0xa: {  	[smem:$0x3FAF] =	sst s2  }
0xb: {  	[smem:$0x3FB0] =	sst s3  }
0xc: {  	[smem:$0x3FB1] =	sst s4  }
0xd: {  	[smem:$0x3FB2] =	sst s5  }
0xe: {  	[smem:$0x3FB3] =	sst s6  }
0xf: {  	[smem:$0x3FB4] =	sst s7  }
0x10: {  	[smem:$0x3FB5] =	sst s8  }
0x11: {  	[smem:$0x3FB6] =	sst s9;
	s0 =	simm.s32 @!p0 $0x0  }
0x12: {  	s1 =	sld [smem:$0x3F9C];
	s0 =	simm.s32 @p0 $0x1  }
0x13: {  	[smem:$0x3FB7] =	sst s0;
	s0 =	simm.s32 @!p1 $0x0  }
0x14: {  	s2 =	sld [smem:$0x3F9B];
	s0 =	simm.s32 @p1 $0x1  }
0x15: {  	[smem:$0x3FB8] =	sst s0;
	s0 =	simm.s32 @!p2 $0x0  }
0x16: {  	s3 =	sld [smem:$0x3FDB];
	s0 =	simm.s32 @p2 $0x1  }
0x17: {  	s4 =	simm.s32 $0x1BF5;
	[smem:$0x3FBA] =	sst s0  }
0x18: {  	s0 =	sld [smem:$0x3F9D];
	_ =	swait.ge [sflag:s4], $0x0  }
0x19: {  	s7 =	sld [smem:$0x3F9E]  }
0x1a: {  	s8 =	sadd.s32 $0xFFFFE003, lr  }
0x1b: {  	s9 =	sadd.s32 $0xFFFFFEF7, lr;
	s5 =	simm.s32 $0xFFFFFFFF;
	p2 =	slt.u32 s8, $0xFFFFF086  }
0x1c: {  	p1 =	slt.u32 s9, $0xF7A;
	s5 =	simm.s32 @!p2 $0x0  }
0x1d: {  	s5 =	simm.s32 @p1 $0x1;
	p0 =	seq.s32 s7, s2  }
0x1e: {  	s7 =	smul.u32 @!p0 $0xF7A, s2;
	p2 =	seq.s32 @!p0 s5, $0x0  }
0x1f: {  	s9 =	smul.u32 $0xF7A, s1;
	s8 =	simm.s32 @!p0 $0x1BF5;
	p2 =	por !p2, p0  }
0x20: {  	[sflag:s8] =	ssyncset.s32 @!p0 $0xFFFFF086;
	s6 =	sadd.s32 @!p0 s3, s7;
	s7 =	simm.s32 @!p0 $0x108  }
0x21: {  	s3 =	sadd.s32 s3, s9;
	s6 =	sadd.s32 @!p0 $0x88, s6;
	s7 =	simm.s32 @p2 $0x1082  }
0x22: {  	[simem:s7], [sflag:s8] =	dma.local @!p0 [hbm:s6], $0xF7A  }
0x23: {  	s9 =	sor.u32 $0xD0000000, s2;
	s6 =	simm.s32 $0x108;
	_ =	swait.ge @!p0 [sflag:s8], $0x0  }
0x24: {  	s3 =	sadd.s32 $0x88, s3;
	s6 =	simm.s32 @!p1 $0x1082;
	[sflag:s4] =	ssyncset.s32 $0xFFFFF086  }
0x25: {  	[simem:s6], [sflag:s4] =	dma.local [hbm:s3], $0xF7A  }
0x26: {  	[smem:$0x3F9E] =	sst s1;
	(tag) =	ssettag s2;
	_ =	strace s9  }
0x27: {  	s1 =	sld [smem:$0x3FAE]  }
0x28: {  	s2 =	sld [smem:$0x3FAF]  }
0x29: {  	s4 =	sld [smem:$0x3FB1]  }
0x2a: {  	p0 =	seq.s32 s5, $0x0;
	s5 =	sld [smem:$0x3FB2]  }
0x2b: {  	s6 =	sld [smem:$0x3FB3]  }
0x2c: {  	s7 =	sld [smem:$0x3FB4]  }
0x2d: {  	s3 =	simm.s32 $0x108;
	s8 =	sld [smem:$0x3FB5]  }
0x2e: {  	s3 =	simm.s32 @!p0 $0x1082;
	s9 =	sld [smem:$0x3FB6]  }
0x2f: {  	lr =	sadd.s32 s0, s3;
	s0 =	sld [smem:$0x3FAD]  }
0x30: {  	s3 =	sld [smem:$0x3FB0]  }
0x31: {  	[smem:$0x3FB9] =	sst s10  }
0x32: {  	s10 =	sld [smem:$0x3FB7];
	_ =	sdelay $0x3  }
0x33: {  	p0 =	seq.s32 s10, $0x1;
	s10 =	sld [smem:$0x3FB9];
	_ =	sdelay $0x3  }
0x34: {  	[smem:$0x3FB9] =	sst s10  }
0x35: {  	s10 =	sld [smem:$0x3FB8];
	_ =	sdelay $0x3  }
0x36: {  	p1 =	seq.s32 s10, $0x1;
	s10 =	sld [smem:$0x3FB9];
	_ =	sdelay $0x3  }
0x37: {  	[smem:$0x3FB9] =	sst s10  }
0x38: {  	s10 =	sld [smem:$0x3FBA]  }
0x39: {  	_ = 	snop;
	(pc) =	sbr.ind lr, $3  }
0x3a: {  	_ = 	snop  }
0x3b: {  	_ = 	snop  }
0x3c: {  	p2 =	seq.s32 s10, $0x1;
	s10 =	sld [smem:$0x3FB9]  }
0x3d: {  	_ =	shalt  }
0x3e: {  	_ =	shalt  }
0x3f: {  	_ =	shalt  }
0x40: {  	_ =	shalt  }
0x41: {  	_ =	shalt  }
0x42: {  	_ =	shalt  }
0x43: {  	_ =	shalt  }
0x44: {  	_ =	shalt  }
0x45: {  	_ =	shalt  }
0x46: {  	_ =	shalt  }
0x47: {  	_ =	shalt  }
0x48: {  	_ =	shalt  }
0x49: {  	_ =	shalt  }
0x4a: {  	_ =	shalt  }
0x4b: {  	_ =	shalt  }
0x4c: {  	_ =	shalt  }
0x4d: {  	_ =	shalt  }
0x4e: {  	_ =	shalt  }
0x4f: {  	_ =	shalt  }
0x50: {  	_ =	shalt  }
0x51: {  	_ =	shalt  }
0x52: {  	_ =	shalt  }
0x53: {  	_ =	shalt  }
0x54: {  	_ =	shalt  }
0x55: {  	_ =	shalt  }
0x56: {  	_ =	shalt  }
0x57: {  	_ =	shalt  }
0x58: {  	_ =	shalt  }
0x59: {  	_ =	shalt  }
0x5a: {  	_ =	shalt  }
0x5b: {  	_ =	shalt  }
0x5c: {  	_ =	shalt  }
0x5d: {  	_ =	shalt  }
0x5e: {  	_ =	shalt  }
0x5f: {  	_ =	shalt  }
0x60: {  	_ =	shalt  }
0x61: {  	_ =	shalt  }
0x62: {  	_ =	shalt  }
0x63: {  	_ =	shalt  }
0x64: {  	_ =	shalt  }
0x65: {  	_ =	shalt  }
0x66: {  	_ =	shalt  }
0x67: {  	_ =	shalt  }
0x68: {  	_ =	shalt  }
0x69: {  	_ =	shalt  }
0x6a: {  	_ =	shalt  }
0x6b: {  	_ =	shalt  }
0x6c: {  	_ =	shalt  }
0x6d: {  	_ =	shalt  }
0x6e: {  	_ =	shalt  }
0x6f: {  	_ =	shalt  }
0x70: {  	_ =	shalt  }
0x71: {  	_ =	shalt  }
0x72: {  	_ =	shalt  }
0x73: {  	_ =	shalt  }
0x74: {  	_ =	shalt  }
0x75: {  	_ =	shalt  }
0x76: {  	_ =	shalt  }
0x77: {  	_ =	shalt  }
0x78: {  	_ =	shalt  }
0x79: {  	_ =	shalt  }
0x7a: {  	_ =	shalt  }
0x7b: {  	_ =	shalt  }
0x7c: {  	_ =	shalt  }
0x7d: {  	_ =	shalt  }
0x7e: {  	_ =	shalt  }
0x7f: {  	_ =	shalt  }
0x80: {  	_ =	shalt  }
0x81: {  	_ =	shalt  }
0x82: {  	_ =	shalt  }
0x83: {  	_ =	shalt  }
0x84: {  	_ =	shalt  }
0x85: {  	_ =	shalt  }
0x86: {  	_ =	shalt  }
0x87: {  	_ =	shalt  }
.Lfunc_end0:
.L_simem_size_0:
called_computation_lowered:
.L_overlay_start_0:
0x88: {  	s2 =	sld [smem:$0x3FD9]  }
0x89: {  	s3 =	sld [smem:$0x3FFE];
	_ =	sdelay $0x1  }
0x8a: {  	s1 =	srdreg.scid  }
0x8b: {  	s0 =	sand.u32 $0x1, s1  }
0x8c: {  	s17 =	sshll.u32 s0, $0xA;
	s2 =	sadd.s32 s3, s2  }
0x8d: {  	s2 =	sadd.s32 s2, s17  }
0x8e: {  	[smem:$0x3FC5] =	sst s2  }
0x8f: {  	_ = 	snop  }
0x90: {  	s2 =	sld [smem:$0x3FC9]  }
0x91: {  	s18 =	sld [smem:$0x3FC8]  }
0x92: {  	s4 =	sld [smem:$0x3FD0];
	(tm) =	ssettm $0x1  }
0x93: {  	s5 =	sld [smem:$0x3FFB];
	_ =	sdelay $0x3  }
0x94: {  	_ =	strace s5  }
0x95: {  	s5 =	sld [smem:$0x3FFC];
	_ =	sdelay $0x3  }
0x96: {  	_ =	strace s5  }
0x97: {  	s5 =	sld [smem:$0x3FFD];
	_ =	sdelay $0x3  }
0x98: {  	_ =	strace s5  }
0x99: {  	_ =	strace $0x8FFFFFFF  }
0x9a: {  	s19 =	sld [smem:$0x3FDB];
	_ =	sdelay $0x1  }
0x9b: {  	s6 =	simm.s32 $_scs_section_size  }
0x9c: {  	s7 =	simm.s32 $_size__tile_overlayer_lowered;
	s8 =	simm.s32 $_tile_overlayer_lowered  }
0x9d: {  	s22 =	simm.s32 $0x1BFF;
	s21 =	sshll.u32 s8, $0x1;
	s5 =	sadd.s32 s6, s19  }
0x9e: {  	s9 =	simm.s32 $0x0;
	s20 =	sshll.u32 s7, $0x1;
	s7 =	sadd.s32 s21, s5  }
0x9f: {  	[timem:s9], [sflag:s22] =	dma.local [hbm:s7], s20  }
0xa0: {  	_ =	swait.ge [sflag:s22], s20  }
0xa1: {  	s6 =	ssub.s32 $0x0, s20;
	[sflag:s22] =	ssyncset.done $0x0  }
0xa2: {  	[sflag:s22] =	ssyncadd.s32 s6;
	_ =	sdelay $0x1  }
0xa3: {  	s23 =	simm.s32 $0x1B8B  }
0xa4: {  	_ =	swait.ge [sflag:s23], $0x1  }
0xa5: {  	[sflag:s23] =	ssyncset.done $0x0  }
0xa6: {  	s25 =	simm.s32 $0x1B8E;
	s24 =	sld [smem:$0x3FFE];
	[sflag:s23] =	ssyncadd.s32 $0xFFFFFFFF  }
0xa7: {  	s26 =	simm.s32 $execute0_lowered;
	[smem:$0x3FD2] =	sst s25  }
0xa8: {  	s7 =	sshll.u32 s26, $0x1;
	_ =	strace $0x80000046;
	[dreg:$0x1] =	wrdreg $0xFFFFFFFF  }
0xa9: {  	s28 =	simm.s32 $_size_execute0_lowered;
	s5 =	sadd.s32 s5, s7;
	[dreg:$0x0] =	wrdreg $0x0  }
0xaa: {  	s7 =	sshll.u32 s28, $0x1;
	[dreg:$0x2] =	wrdreg s5  }
0xab: {  	[dreg:$0x3] =	wrdreg s7  }
0xac: {  	[dreg:$0x4] =	wrdreg $0xC0  }
0xad: {  	_ =	task [dreg:s9], $0x5FFFF  }
0xae: {  	[dreg:$0x1] =	wrdreg $0xFFFFFFFF  }
0xaf: {  	[dreg:$0x0] =	wrdreg $0x60  }
0xb0: {  	[dreg:$0x2] =	wrdreg s2  }
0xb1: {  	[dreg:$0x3] =	wrdreg s18  }
0xb2: {  	[dreg:$0x4] =	wrdreg s24  }
0xb3: {  	[dreg:$0x5] =	wrdreg s4  }
0xb4: {  	[dreg:$0x6] =	wrdreg $0x9  }
0xb5: {  	_ =	task.clear_ibuf [dreg:s9], $0x7FFFF;
	_ =	strace $0x90000046  }
0xb6: {  	s29 =	simm.s32 $0x9;
	_ =	strace $0x80000048  }
0xb7: {  	_ =	swait.ge [sflag:s29], $0x1  }
0xb8: {  	[sflag:s29] =	ssyncadd.s32 $0xFFFFFFFF  }
0xb9: {  	_ =	strace $0x90000048  }
0xba: {  	_ =	sfence  }
0xbb: {  	s30 =	sld [smem:$0x0];
	_ =	sdelay $0x2  }
0xbc: {  	s31 =	sshll.u32 s1, $0xD;
	s1 =	sshrl.u32 s1, $0x2  }
0xbd: {  	s3 =	sand.u32 $0x4000, s31;
	s1 =	sadd.s32 s1, s30  }
0xbe: {  	s0 =	sor.u32 s3, s0;
	s1 =	sshll.u32 s1, $0x11  }
0xbf: {  	s0 =	sor.u32 s1, s0  }
0xc0: {  	s0 =	sadd.s32 $0x8F2B, s0  }
0xc1: {  	[sflag:s0] =	ssyncadd.remote.s32 $0x1  }
0xc2: {  	_ =	sfence.sel $0xFFFF  }
0xc3: {  	[dreg:$0x0] =	wrdreg $0xFFFFFFFF;
	(pc) =	sbr.abs _section_cstart, $3  }
0xc4: {  	[dreg:$0x1] =	wrdreg $0xFFFFFFFF  }
0xc5: {  	_ =	task.clear_ibuf [dreg:s9], $0x2FFFF;
	_ =	strace $0x9FFFFFFF  }
0xc6: {  	(tm) =	ssettm $0x7FFFFFFF  }
0xc7: {  	_ =	shalt  }
tec
execute0_lowered:
.L_overlay_start_1:
0x0: {  	(tag) =	ssettag $0x1  }
0x1: {  	s1 =	rddreg [dreg:$0x0]  }
0x2: {  	s0 =	srdreg.scid;
	s2 =	rddreg [dreg:$0x1]  }
0x3: {  	s3 =	stileid.u32;
	s7 =	rddreg [dreg:$0x2]  }
0x4: {  	s4 =	rddreg [dreg:$0x3];
	s6 =	simm.s32 $0x0;
	s12 =	simm.s32 $0xB  }
0x5: {  	s14 =	simm.s32 $0x50;
	s15 =	simm.s32 $0x4F00;
	s17 =	simm.s32 $0x9F00  }
0x6: {  	s21 =	simm.s32 $0xEF00;
	s23 =	simm.s32 $0x11700;
	s24 =	simm.s32 $0x1  }
0x7: {  	s28 =	simm.s32 $0x2;
	s29 =	simm.s32 $0x18F00;
	s30 =	simm.s32 $0x1B700  }
0x8: {  	s31 =	simm.s32 $0x3;
	s0 =	sand.u32 $0x1, s0;
	s3 =	sshll.u32 s3, $0x1  }
0x9: {  	s19 =	simm.s32 $0x8;
	s3 =	sor.u32 s0, s3;
	s0 =	ssub.s32 $0x2, s0  }
0xa: {  	[smem:$0x7FF] =	sst s6;
	s5 =	smul.u32 $0x2710, s3;
	s25 =	sshrl.u32 s0, $0x1  }
0xb: {  	s13 =	simm.s32 $0x0;
	_ =	strace $0x80000047;
	s0 =	ssub.s32 s0, s25  }
.Ltmp0:
0xc: {  	s25 =	simm.s32 $0x13F00;
	s3 =	sshrl.u32 s5, $0x3;
	(pc) =	sbr.rel .LBB2_1-.Ltmp0, $4  }
0xd: {  	s9 =	sadd.s32 $0x50, s5;
	s0 =	smax.u32 s0, $0x1;
	s3 =	sadd.s32 s3, s7  }
0xe: {  	s10 =	sadd.s32 $0xA0, s5;
	[dreg:$0x7] =	wrdreg s0;
	s26 =	sadd.s32 $0x400, s3  }
0xf: {  	s0 =	simm.s32 $0x5;
	s3 =	sadd.s32 $0xA040, s3;
	[dreg:$0x5] =	wrdreg s26  }
0x10: {  	[dreg:$0x6] =	wrdreg s3;
	s26 =	simm.s32 $0x16700;
	s3 =	simm.s32 $0x4  }
.LBB2_14:
0x11: {  	s7 =	simm.s32 $0x6  }
0x12: {  	_ =	swait.ge [sflag:s7], $0x2800  }
0x13: {  	[sflag:s7] =	ssyncset.done $0x0  }
0x14: {  	s18 =	simm.s32 $0x7;
	[sflag:s7] =	ssyncadd.s32 $0xFFFFD800  }
0x15: {  	_ =	swait.ge [sflag:s18], $0x2800  }
0x16: {  	[sflag:s18] =	ssyncset.done $0x0  }
0x17: {  	[sflag:s18] =	ssyncadd.s32 $0xFFFFD800  }
0x18: {  	_ =	swait.ge [sflag:s19], $0x2800  }
0x19: {  	[sflag:s19] =	ssyncset.done $0x0  }
0x1a: {  	s20 =	simm.s32 $0x9;
	[sflag:s19] =	ssyncadd.s32 $0xFFFFD800  }
0x1b: {  	_ =	swait.ge [sflag:s20], $0x2800  }
0x1c: {  	[sflag:s20] =	ssyncset.done $0x0  }
0x1d: {  	s8 =	simm.s32 $0xA;
	[sflag:s20] =	ssyncadd.s32 $0xFFFFD800  }
0x1e: {  	_ =	swait.ge [sflag:s8], $0x2800  }
0x1f: {  	s13 =	sadd.s32 $0x1, s13;
	s22 =	rddreg [dreg:$0x7]  }
0x20: {  	p0 =	sne.s32 s13, s22  }
.Ltmp1:
0x21: {  	_ = 	snop;
	(pc) =	sbr.rel @!p0 .LBB2_15-.Ltmp1, $3  }
0x22: {  	_ =	sdelay $0x1  }
0x23: {  	[sflag:s8] =	ssyncset.done $0x0  }
0x24: {  	[sflag:s8] =	ssyncadd.s32 $0xFFFFD800  }
.LBB2_1:
0x25: {  	s7 =	rddreg [dreg:$0x5]  }
0x26: {  	[tilespmem:s6], [sflag:$0xB] =	stream.linear.gather [hbm4b:s7+s6], $0x2710, $0x38;
	[tilespmem:$0x1DF00] =	vst v63  }
0x27: {  	_ =	swait.ge [sflag:s12], $0x2710  }
0x28: {  	[sflag:s12] =	ssyncset.done $0x0  }
0x29: {  	s8 =	simm.s32 $0x2780;
	s22 =	rddreg [dreg:$0x6];
	[sflag:s12] =	ssyncadd.s32 $0xFFFFD8F0  }
0x2a: {  	[tilespmem:s8], [sflag:$0xB] =	stream.linear.gather [hbm4b:s22+s6], $0x2710, $0x38;
	[tilespmem:$0x1DF00] =	vst v63  }
0x2b: {  	_ =	swait.ge [sflag:s12], $0x2710  }
0x2c: {  	[sflag:s12] =	ssyncset.done $0x0  }
0x2d: {  	[sflag:s12] =	ssyncadd.s32 $0xFFFFD8F0  }
0x2e: {  	[tilespmem:s15], [sflag:$0x1] =	stream.indirect.gather [hbm4b:s1+s14], $0x80, s6, s14, $0xb8;
	[tilespmem:$0x1DF00] =	vst v63  }
0x2f: {  	s11 =	simm.s32 $0x7700  }
0x30: {  	[tilespmem:s11], [sflag:$0x1] =	stream.indirect.gather [hbm4b:s2+s14], $0x80, s8, s14, $0xb8;
	[tilespmem:$0x1DF00] =	vst v63  }
0x31: {  	_ = 	snop  }
0x32: {  	[tilespmem:s17], [sflag:$0x2] =	stream.indirect.gather [hbm4b:s1+s14], $0x80, s14, s14, $0xb8;
	[tilespmem:$0x1DF00] =	vst v63  }
0x33: {  	s16 =	simm.s32 $0x27D0;
	s18 =	simm.s32 $0xC700  }
0x34: {  	[tilespmem:s18], [sflag:$0x2] =	stream.indirect.gather [hbm4b:s2+s14], $0x80, s16, s14, $0xb8;
	[tilespmem:$0x1DF00] =	vst v63  }
0x35: {  	s20 =	simm.s32 $0xA0  }
0x36: {  	[tilespmem:s21], [sflag:$0x3] =	stream.indirect.gather [hbm4b:s1+s14], $0x80, s20, s14, $0xb8;
	[tilespmem:$0x1DF00] =	vst v63  }
0x37: {  	s7 =	simm.s32 $0x0;
	s22 =	simm.s32 $0x2820  }
0x38: {  	[tilespmem:s23], [sflag:$0x3] =	stream.indirect.gather [hbm4b:s2+s14], $0x80, s22, s14, $0xb8;
	[tilespmem:$0x1DF00] =	vst v63  }
.LBB2_2:
0x39: {  	_ =	swait.ge [sflag:s24], $0x2800  }
0x3a: {  	[sflag:s24] =	ssyncset.done $0x0  }
0x3b: {  	[sflag:s24] =	ssyncadd.s32 $0xFFFFD800  }
0x3c: {  	_ =	swait.ge [sflag:s24], $0x2800  }
0x3d: {  	[sflag:s24] =	ssyncset.done $0x0  }
0x3e: {  	s11 =	simm.s32 $0x4F00;
	[sflag:s24] =	ssyncadd.s32 $0xFFFFD800  }
0x3f: {  	v8 =	vld [tilespmem:s11+$0x2800]  }
0x40: {  	v0 =	vld [tilespmem:s11+$0x28F0]  }
0x41: {  	v1 =	vld [tilespmem:s11+$0xF0]  }
0x42: {  	v3 =	vld [tilespmem:s11+$0x10]  }
0x43: {  	v5 =	vld [tilespmem:s11+$0x2810]  }
0x44: {  	v9 =	vld [tilespmem:s11+$0xB0]  }
0x45: {  	v4 =	vld [tilespmem:s11+$0x20]  }
0x46: {  	v10 =	vld [tilespmem:s11+$0x0]  }
0x47: {  	v6 =	vld [tilespmem:s11+$0x2820]  }
0x48: {  	v7 =	vld [tilespmem:s11+$0x30]  }
0x49: {  	v11 =	vld [tilespmem:s11+$0x2830]  }
0x4a: {  	v2 =	vld [tilespmem:s11+$0x40]  }
0x4b: {  	v12 =	vld [tilespmem:s11+$0x70]  }
0x4c: {  	v13 =	vld [tilespmem:s11+$0x2870]  }
0x4d: {  	v14 =	vld [tilespmem:s11+$0x2840]  }
0x4e: {  	v15 =	vld [tilespmem:s11+$0x50]  }
0x4f: {  	v16 =	vld [tilespmem:s11+$0x2850]  }
0x50: {  	v17 =	vld [tilespmem:s11+$0x60]  }
0x51: {  	v18 =	vld [tilespmem:s11+$0x2860]  }
0x52: {  	v60 =	vld [tilespmem:s11+$0x80]  }
0x53: {  	v19 =	vld [tilespmem:s11+$0x2880]  }
0x54: {  	v61 =	vld [tilespmem:s11+$0x90]  }
0x55: {  	v20 =	vld [tilespmem:s11+$0x2890];
	v12 =	vmul.f32 v13, v12  }
0x56: {  	v63 =	vld [tilespmem:s11+$0x28B0];
	v0 =	vmul.f32 v0, v1  }
0x57: {  	v21 =	vld [tilespmem:s11+$0xA0];
	v1 =	vmul.f32 v16, v15;
	[tilespmem:s11+$0x70] =	vst v12  }
0x58: {  	v62 =	vld [tilespmem:s11+$0x28A0];
	v2 =	vmul.f32 v14, v2;
	v13 =	vmul.f32 v19, v60;
	[tilespmem:s11+$0xF0] =	vst v0  }
0x59: {  	v11 =	vmul.f32 v11, v7;
	v4 =	vmul.f32 v6, v4;
	v7 =	vld [tilespmem:s11+$0xD0];
	[tilespmem:s11+$0x50] =	vst v1  }
0x5a: {  	v6 =	vmul.f32 v5, v3;
	v5 =	vld [tilespmem:s11+$0x28C0];
	v8 =	vmul.f32 v8, v10;
	[tilespmem:s11+$0x40] =	vst v2  }
0x5b: {  	v10 =	vmul.f32 v63, v9;
	v9 =	vld [tilespmem:s11+$0xE0];
	v1 =	vmul.f32 v18, v17;
	[tilespmem:s11+$0x80] =	vst v13  }
0x5c: {  	v2 =	vld [tilespmem:s11+$0x28D0];
	v12 =	vmul.f32 v20, v61;
	[tilespmem:s11+$0x30] =	vst v11  }
0x5d: {  	v0 =	vld [tilespmem:s11+$0xC0];
	[tilespmem:s11+$0x60] =	vst v1  }
0x5e: {  	s8 =	simm.s32 $0x0;
	s16 =	simm.s32 $0x5000;
	v3 =	vmul.f32 v62, v21;
	v1 =	vld [tilespmem:s11+$0x28E0];
	[tilespmem:s11+$0x90] =	vst v12  }
.LBB2_3:
0x5f: {  	v11 =	vld [tilespmem:s16+$0x2800];
	s8 =	sadd.s32 $0x2, s8;
	[tilespmem:s11+$0xB0] =	vst v10  }
0x60: {  	v10 =	vld [tilespmem:s16+$0x28F0];
	p0 =	slt.u32 s8, $0x4E;
	[tilespmem:s11+$0x20] =	vst v4  }
0x61: {  	v4 =	vld [tilespmem:s16+$0xF0];
	[tilespmem:s11+$0x10] =	vst v6;
	v2 =	vmul.f32 v2, v7  }
0x62: {  	v6 =	vld [tilespmem:s16+$0x10];
	[tilespmem:s11+$0x0] =	vst v8;
	v0 =	vmul.f32 v5, v0  }
0x63: {  	v5 =	vld [tilespmem:s16+$0x2810];
	[tilespmem:s11+$0xA0] =	vst v3;
	v1 =	vmul.f32 v1, v9  }
0x64: {  	v9 =	vld [tilespmem:s16+$0xB0];
	[tilespmem:s11+$0xD0] =	vst v2  }
0x65: {  	v2 =	vld [tilespmem:s16+$0x20];
	[tilespmem:s11+$0xE0] =	vst v1  }
0x66: {  	v8 =	vld [tilespmem:s16+$0x0];
	v1 =	vmul.f32 v10, v4;
	[tilespmem:s11+$0xC0] =	vst v0;
	s11 =	smov.u32 s16  }
0x67: {  	v3 =	vld [tilespmem:s16+$0x2820]  }
0x68: {  	v0 =	vld [tilespmem:s16+$0x30];
	[tilespmem:s16+$0xF0] =	vst v1  }
0x69: {  	v1 =	vld [tilespmem:s16+$0x2830]  }
0x6a: {  	v4 =	vld [tilespmem:s16+$0x40]  }
0x6b: {  	v7 =	vld [tilespmem:s16+$0x2840]  }
0x6c: {  	v10 =	vld [tilespmem:s16+$0x70]  }
0x6d: {  	v12 =	vld [tilespmem:s16+$0x2870]  }
0x6e: {  	v13 =	vld [tilespmem:s16+$0x50]  }
0x6f: {  	v14 =	vld [tilespmem:s16+$0x2850]  }
0x70: {  	v15 =	vld [tilespmem:s16+$0x60]  }
0x71: {  	v16 =	vld [tilespmem:s16+$0x2860]  }
0x72: {  	v10 =	vmul.f32 v12, v10;
	v12 =	vld [tilespmem:s16+$0x80]  }
0x73: {  	v17 =	vld [tilespmem:s16+$0x2880]  }
0x74: {  	v13 =	vmul.f32 v14, v13;
	[tilespmem:s16+$0x70] =	vst v10;
	v10 =	vld [tilespmem:s16+$0x90]  }
0x75: {  	v14 =	vld [tilespmem:s16+$0x2890]  }
0x76: {  	v4 =	vmul.f32 v7, v4;
	[tilespmem:s16+$0x50] =	vst v13;
	v7 =	vmul.f32 v16, v15;
	v13 =	vld [tilespmem:s16+$0xA0]  }
0x77: {  	v15 =	vld [tilespmem:s16+$0x28A0]  }
0x78: {  	v16 =	vmul.f32 v1, v0;
	[tilespmem:s16+$0x40] =	vst v4;
	v1 =	vmul.f32 v17, v12;
	v12 =	vld [tilespmem:s16+$0x28B0]  }
0x79: {  	[tilespmem:s16+$0x60] =	vst v7;
	v0 =	vld [tilespmem:s16+$0xC0]  }
.Ltmp2:
0x7a: {  	v4 =	vmul.f32 v3, v2;
	[tilespmem:s16+$0x80] =	vst v1;
	v14 =	vmul.f32 v14, v10;
	v2 =	vld [tilespmem:s16+$0x28D0];
	(pc) =	sbr.rel @p0 .LBB2_3-.Ltmp2, $4  }
0x7b: {  	v1 =	vld [tilespmem:s16+$0x28E0]  }
0x7c: {  	v6 =	vmul.f32 v5, v6;
	[tilespmem:s16+$0x30] =	vst v16;
	v3 =	vmul.f32 v15, v13;
	v7 =	vld [tilespmem:s16+$0xD0]  }
0x7d: {  	v8 =	vmul.f32 v11, v8;
	v10 =	vmul.f32 v12, v9;
	v5 =	vld [tilespmem:s16+$0x28C0]  }
0x7e: {  	s16 =	sadd.s32 $0x100, s16;
	[tilespmem:s11+$0x90] =	vst v14;
	v9 =	vld [tilespmem:s11+$0xE0]  }
0x7f: {  	[tilespmem:s11+$0xB0] =	vst v10  }
0x80: {  	[tilespmem:s11+$0x20] =	vst v4  }
0x81: {  	[tilespmem:s11+$0x10] =	vst v6  }
0x82: {  	[tilespmem:s11+$0x0] =	vst v8;
	s8 =	smul.u32 $0x190, s7;
	v2 =	vmul.f32 v2, v7  }
0x83: {  	[tilespmem:s11+$0xA0] =	vst v3;
	v0 =	vmul.f32 v5, v0  }
0x84: {  	s16 =	sadd.s32 s5, s8;
	v1 =	vmul.f32 v1, v9;
	[tilespmem:s11+$0xD0] =	vst v2  }
0x85: {  	p0 =	seq.s32 s7, $0x0;
	s16 =	sshll.u32 s16, $0x4;
	[tilespmem:s11+$0xC0] =	vst v0  }
0x86: {  	s20 =	sadd.s32 s4, s16;
	[tilespmem:s11+$0xE0] =	vst v1;
	s11 =	simm.s32 @!p0 $0x9  }
0x87: {  	[hbm4b:s20+s6] =	stream.linear.scatter [tilespmem:s15], [sflag:$0x6], $0x2800, $0x38;
	[tilespmem:$0x1DF00] =	vst v63  }
0x88: {  	_ =	swait.ge @!p0 [sflag:s11], $0x2800  }
0x89: {  	[sflag:s11] =	ssyncset.done @!p0 $0x0  }
0x8a: {  	s16 =	sadd.s32 $0xF0, s8;
	[sflag:s11] =	ssyncadd.s32 @!p0 $0xFFFFD800  }
0x8b: {  	[tilespmem:s25], [sflag:$0x4] =	stream.indirect.gather [hbm4b:s1+s14], $0x80, s16, s14, $0xb8;
	[tilespmem:$0x1DF00] =	vst v63  }
0x8c: {  	s22 =	sadd.s32 $0x2870, s8  }
0x8d: {  	[tilespmem:s26], [sflag:$0x4] =	stream.indirect.gather [hbm4b:s2+s14], $0x80, s22, s14, $0xb8;
	[tilespmem:$0x1DF00] =	vst v63  }
0x8e: {  	_ =	swait.ge [sflag:s28], $0x2800  }
0x8f: {  	[sflag:s28] =	ssyncset.done $0x0  }
0x90: {  	[sflag:s28] =	ssyncadd.s32 $0xFFFFD800  }
0x91: {  	_ =	swait.ge [sflag:s28], $0x2800  }
0x92: {  	[sflag:s28] =	ssyncset.done $0x0  }
0x93: {  	s11 =	simm.s32 $0x9F00;
	[sflag:s28] =	ssyncadd.s32 $0xFFFFD800  }
0x94: {  	v8 =	vld [tilespmem:s11+$0x2800]  }
0x95: {  	v0 =	vld [tilespmem:s11+$0x28F0]  }
0x96: {  	v1 =	vld [tilespmem:s11+$0xF0]  }
0x97: {  	v4 =	vld [tilespmem:s11+$0x10]  }
0x98: {  	v5 =	vld [tilespmem:s11+$0x2810]  }
0x99: {  	v9 =	vld [tilespmem:s11+$0xB0]  }
0x9a: {  	v3 =	vld [tilespmem:s11+$0x20]  }
0x9b: {  	v10 =	vld [tilespmem:s11+$0x0]  }
0x9c: {  	v6 =	vld [tilespmem:s11+$0x2820]  }
0x9d: {  	v7 =	vld [tilespmem:s11+$0x30]  }
0x9e: {  	v11 =	vld [tilespmem:s11+$0x2830]  }
0x9f: {  	v2 =	vld [tilespmem:s11+$0x40]  }
0xa0: {  	v12 =	vld [tilespmem:s11+$0x70]  }
0xa1: {  	v13 =	vld [tilespmem:s11+$0x2870]  }
0xa2: {  	v14 =	vld [tilespmem:s11+$0x2840]  }
0xa3: {  	v15 =	vld [tilespmem:s11+$0x50]  }
0xa4: {  	v16 =	vld [tilespmem:s11+$0x2850]  }
0xa5: {  	v17 =	vld [tilespmem:s11+$0x60]  }
0xa6: {  	v18 =	vld [tilespmem:s11+$0x2860]  }
0xa7: {  	v60 =	vld [tilespmem:s11+$0x80]  }
0xa8: {  	v19 =	vld [tilespmem:s11+$0x2880]  }
0xa9: {  	v61 =	vld [tilespmem:s11+$0x90]  }
0xaa: {  	v63 =	vld [tilespmem:s11+$0x28B0];
	v12 =	vmul.f32 v13, v12  }
0xab: {  	v20 =	vld [tilespmem:s11+$0x2890];
	v0 =	vmul.f32 v0, v1  }
0xac: {  	v21 =	vld [tilespmem:s11+$0xA0];
	v1 =	vmul.f32 v16, v15;
	[tilespmem:s11+$0x70] =	vst v12  }
0xad: {  	v62 =	vld [tilespmem:s11+$0x28A0];
	v2 =	vmul.f32 v14, v2;
	v13 =	vmul.f32 v19, v60;
	[tilespmem:s11+$0xF0] =	vst v0  }
0xae: {  	v7 =	vmul.f32 v11, v7;
	v3 =	vmul.f32 v6, v3;
	v6 =	vld [tilespmem:s11+$0xD0];
	[tilespmem:s11+$0x50] =	vst v1  }
0xaf: {  	v8 =	vmul.f32 v8, v10;
	v10 =	vmul.f32 v63, v9;
	v9 =	vld [tilespmem:s11+$0xE0];
	[tilespmem:s11+$0x40] =	vst v2  }
0xb0: {  	v11 =	vmul.f32 v20, v61;
	v0 =	vld [tilespmem:s11+$0xC0];
	[tilespmem:s11+$0x80] =	vst v13  }
0xb1: {  	v1 =	vmul.f32 v18, v17;
	v2 =	vld [tilespmem:s11+$0x28D0];
	[tilespmem:s11+$0x30] =	vst v7  }
0xb2: {  	v7 =	vld [tilespmem:s11+$0x28C0];
	[tilespmem:s11+$0x90] =	vst v11  }
0xb3: {  	s18 =	simm.s32 $0x0;
	s20 =	simm.s32 $0xA000;
	v5 =	vmul.f32 v5, v4;
	v4 =	vmul.f32 v62, v21;
	[tilespmem:s11+$0x60] =	vst v1;
	v1 =	vld [tilespmem:s11+$0x28E0]  }
.LBB2_5:
0xb4: {  	v11 =	vld [tilespmem:s20+$0x2800];
	s18 =	sadd.s32 $0x2, s18;
	[tilespmem:s11+$0xB0] =	vst v10  }
0xb5: {  	v10 =	vld [tilespmem:s20+$0x28F0];
	p1 =	slt.u32 s18, $0x4E;
	[tilespmem:s11+$0x20] =	vst v3  }
0xb6: {  	v3 =	vld [tilespmem:s20+$0xF0];
	[tilespmem:s11+$0x10] =	vst v5;
	v2 =	vmul.f32 v2, v6  }
0xb7: {  	v5 =	vld [tilespmem:s20+$0x10];
	[tilespmem:s11+$0x0] =	vst v8;
	v0 =	vmul.f32 v7, v0  }
0xb8: {  	v6 =	vld [tilespmem:s20+$0x2810];
	[tilespmem:s11+$0xA0] =	vst v4;
	v1 =	vmul.f32 v1, v9  }
0xb9: {  	v7 =	vld [tilespmem:s20+$0xB0];
	[tilespmem:s11+$0xD0] =	vst v2  }
0xba: {  	v2 =	vld [tilespmem:s20+$0x20];
	[tilespmem:s11+$0xE0] =	vst v1  }
0xbb: {  	v8 =	vld [tilespmem:s20+$0x0];
	v1 =	vmul.f32 v10, v3;
	[tilespmem:s11+$0xC0] =	vst v0;
	s11 =	smov.u32 s20  }
0xbc: {  	v3 =	vld [tilespmem:s20+$0x2820]  }
0xbd: {  	v0 =	vld [tilespmem:s20+$0x30];
	[tilespmem:s20+$0xF0] =	vst v1  }
0xbe: {  	v1 =	vld [tilespmem:s20+$0x2830]  }
0xbf: {  	v4 =	vld [tilespmem:s20+$0x40]  }
0xc0: {  	v9 =	vld [tilespmem:s20+$0x2840]  }
0xc1: {  	v10 =	vld [tilespmem:s20+$0x70]  }
0xc2: {  	v12 =	vld [tilespmem:s20+$0x2870]  }
0xc3: {  	v13 =	vld [tilespmem:s20+$0x50]  }
0xc4: {  	v14 =	vld [tilespmem:s20+$0x2850]  }
0xc5: {  	v15 =	vld [tilespmem:s20+$0x60]  }
0xc6: {  	v16 =	vld [tilespmem:s20+$0x2860]  }
0xc7: {  	v10 =	vmul.f32 v12, v10;
	v12 =	vld [tilespmem:s20+$0x80]  }
0xc8: {  	v17 =	vld [tilespmem:s20+$0x2880]  }
0xc9: {  	v13 =	vmul.f32 v14, v13;
	[tilespmem:s20+$0x70] =	vst v10;
	v10 =	vld [tilespmem:s20+$0x90]  }
0xca: {  	v14 =	vld [tilespmem:s20+$0x2890]  }
0xcb: {  	v4 =	vmul.f32 v9, v4;
	[tilespmem:s20+$0x50] =	vst v13;
	v9 =	vmul.f32 v16, v15;
	v13 =	vld [tilespmem:s20+$0xA0]  }
0xcc: {  	v15 =	vld [tilespmem:s20+$0x28A0]  }
0xcd: {  	v16 =	vmul.f32 v1, v0;
	[tilespmem:s20+$0x40] =	vst v4;
	v1 =	vmul.f32 v17, v12;
	v12 =	vld [tilespmem:s20+$0x28B0]  }
0xce: {  	[tilespmem:s20+$0x60] =	vst v9;
	v0 =	vld [tilespmem:s20+$0xC0]  }
.Ltmp3:
0xcf: {  	v3 =	vmul.f32 v3, v2;
	[tilespmem:s20+$0x80] =	vst v1;
	v9 =	vmul.f32 v14, v10;
	v2 =	vld [tilespmem:s20+$0x28D0];
	(pc) =	sbr.rel @p1 .LBB2_5-.Ltmp3, $4  }
0xd0: {  	v1 =	vld [tilespmem:s20+$0x28E0]  }
0xd1: {  	v5 =	vmul.f32 v6, v5;
	[tilespmem:s20+$0x30] =	vst v16;
	v4 =	vmul.f32 v15, v13;
	v6 =	vld [tilespmem:s20+$0xD0]  }
0xd2: {  	v8 =	vmul.f32 v11, v8;
	v10 =	vmul.f32 v12, v7;
	v7 =	vld [tilespmem:s20+$0x28C0]  }
0xd3: {  	s20 =	sadd.s32 $0x100, s20;
	[tilespmem:s11+$0x90] =	vst v9;
	v9 =	vld [tilespmem:s11+$0xE0]  }
0xd4: {  	[tilespmem:s11+$0xB0] =	vst v10  }
0xd5: {  	[tilespmem:s11+$0x20] =	vst v3  }
0xd6: {  	[tilespmem:s11+$0x10] =	vst v5  }
0xd7: {  	[tilespmem:s11+$0x0] =	vst v8;
	v2 =	vmul.f32 v2, v6  }
0xd8: {  	[tilespmem:s11+$0xA0] =	vst v4;
	v0 =	vmul.f32 v7, v0  }
0xd9: {  	s18 =	sadd.s32 s8, s9;
	v1 =	vmul.f32 v1, v9;
	[tilespmem:s11+$0xD0] =	vst v2  }
0xda: {  	s18 =	sshll.u32 s18, $0x4;
	[tilespmem:s11+$0xC0] =	vst v0  }
0xdb: {  	s20 =	sadd.s32 s4, s18;
	[tilespmem:s11+$0xE0] =	vst v1;
	s11 =	simm.s32 @!p0 $0xA  }
0xdc: {  	[hbm4b:s20+s6] =	stream.linear.scatter [tilespmem:s17], [sflag:$0x7], $0x2800, $0x38;
	[tilespmem:$0x1DF00] =	vst v63  }
0xdd: {  	_ =	swait.ge @!p0 [sflag:s11], $0x2800  }
0xde: {  	[sflag:s11] =	ssyncset.done @!p0 $0x0  }
0xdf: {  	[sflag:s11] =	ssyncadd.s32 @!p0 $0xFFFFD800;
	s11 =	sadd.s32 $0x140, s8  }
0xe0: {  	[tilespmem:s29], [sflag:$0x5] =	stream.indirect.gather [hbm4b:s1+s14], $0x80, s11, s14, $0xb8;
	[tilespmem:$0x1DF00] =	vst v63  }
0xe1: {  	s22 =	sadd.s32 $0x28C0, s8  }
0xe2: {  	[tilespmem:s30], [sflag:$0x5] =	stream.indirect.gather [hbm4b:s2+s14], $0x80, s22, s14, $0xb8;
	[tilespmem:$0x1DF00] =	vst v63  }
0xe3: {  	_ =	swait.ge [sflag:s31], $0x2800  }
0xe4: {  	[sflag:s31] =	ssyncset.done $0x0  }
0xe5: {  	[sflag:s31] =	ssyncadd.s32 $0xFFFFD800  }
0xe6: {  	_ =	swait.ge [sflag:s31], $0x2800  }
0xe7: {  	[sflag:s31] =	ssyncset.done $0x0  }
0xe8: {  	s18 =	simm.s32 $0xEF00;
	[sflag:s31] =	ssyncadd.s32 $0xFFFFD800  }
0xe9: {  	v8 =	vld [tilespmem:s18+$0x2800]  }
0xea: {  	v0 =	vld [tilespmem:s18+$0x28F0]  }
0xeb: {  	v1 =	vld [tilespmem:s18+$0xF0]  }
0xec: {  	v4 =	vld [tilespmem:s18+$0x10]  }
0xed: {  	v5 =	vld [tilespmem:s18+$0x2810]  }
0xee: {  	v9 =	vld [tilespmem:s18+$0xB0]  }
0xef: {  	v3 =	vld [tilespmem:s18+$0x20]  }
0xf0: {  	v10 =	vld [tilespmem:s18+$0x0]  }
0xf1: {  	v6 =	vld [tilespmem:s18+$0x2820]  }
0xf2: {  	v7 =	vld [tilespmem:s18+$0x30]  }
0xf3: {  	v11 =	vld [tilespmem:s18+$0x2830]  }
0xf4: {  	v2 =	vld [tilespmem:s18+$0x40]  }
0xf5: {  	v12 =	vld [tilespmem:s18+$0x70]  }
0xf6: {  	v13 =	vld [tilespmem:s18+$0x2870]  }
0xf7: {  	v14 =	vld [tilespmem:s18+$0x2840]  }
0xf8: {  	v15 =	vld [tilespmem:s18+$0x50]  }
0xf9: {  	v16 =	vld [tilespmem:s18+$0x2850]  }
0xfa: {  	v17 =	vld [tilespmem:s18+$0x60]  }
0xfb: {  	v18 =	vld [tilespmem:s18+$0x2860]  }
0xfc: {  	v60 =	vld [tilespmem:s18+$0x80]  }
0xfd: {  	v19 =	vld [tilespmem:s18+$0x2880]  }
0xfe: {  	v61 =	vld [tilespmem:s18+$0x90]  }
0xff: {  	v63 =	vld [tilespmem:s18+$0x28B0];
	v12 =	vmul.f32 v13, v12  }
0x100: {  	v20 =	vld [tilespmem:s18+$0x2890];
	v0 =	vmul.f32 v0, v1  }
0x101: {  	v21 =	vld [tilespmem:s18+$0xA0];
	v1 =	vmul.f32 v16, v15;
	[tilespmem:s18+$0x70] =	vst v12  }
0x102: {  	v62 =	vld [tilespmem:s18+$0x28A0];
	v2 =	vmul.f32 v14, v2;
	v13 =	vmul.f32 v19, v60;
	[tilespmem:s18+$0xF0] =	vst v0  }
0x103: {  	v7 =	vmul.f32 v11, v7;
	v3 =	vmul.f32 v6, v3;
	v6 =	vld [tilespmem:s18+$0xD0];
	[tilespmem:s18+$0x50] =	vst v1  }
0x104: {  	v8 =	vmul.f32 v8, v10;
	v10 =	vmul.f32 v63, v9;
	v9 =	vld [tilespmem:s18+$0xE0];
	[tilespmem:s18+$0x40] =	vst v2  }
0x105: {  	v11 =	vmul.f32 v20, v61;
	v0 =	vld [tilespmem:s18+$0xC0];
	[tilespmem:s18+$0x80] =	vst v13  }
0x106: {  	v1 =	vmul.f32 v18, v17;
	v2 =	vld [tilespmem:s18+$0x28D0];
	[tilespmem:s18+$0x30] =	vst v7  }
0x107: {  	v7 =	vld [tilespmem:s18+$0x28C0];
	[tilespmem:s18+$0x90] =	vst v11  }
0x108: {  	s20 =	simm.s32 $0x0;
	s22 =	simm.s32 $0xF000;
	v5 =	vmul.f32 v5, v4;
	v4 =	vmul.f32 v62, v21;
	[tilespmem:s18+$0x60] =	vst v1;
	v1 =	vld [tilespmem:s18+$0x28E0]  }
.LBB2_7:
0x109: {  	v11 =	vld [tilespmem:s22+$0x2800];
	s20 =	sadd.s32 $0x2, s20;
	[tilespmem:s18+$0xB0] =	vst v10  }
0x10a: {  	v10 =	vld [tilespmem:s22+$0x28F0];
	p0 =	slt.u32 s20, $0x4E;
	[tilespmem:s18+$0x20] =	vst v3  }
0x10b: {  	v3 =	vld [tilespmem:s22+$0xF0];
	[tilespmem:s18+$0x10] =	vst v5;
	v2 =	vmul.f32 v2, v6  }
0x10c: {  	v5 =	vld [tilespmem:s22+$0x10];
	[tilespmem:s18+$0x0] =	vst v8;
	v0 =	vmul.f32 v7, v0  }
0x10d: {  	v6 =	vld [tilespmem:s22+$0x2810];
	[tilespmem:s18+$0xA0] =	vst v4;
	v1 =	vmul.f32 v1, v9  }
0x10e: {  	v7 =	vld [tilespmem:s22+$0xB0];
	[tilespmem:s18+$0xD0] =	vst v2  }
0x10f: {  	v2 =	vld [tilespmem:s22+$0x20];
	[tilespmem:s18+$0xE0] =	vst v1  }
0x110: {  	v8 =	vld [tilespmem:s22+$0x0];
	v1 =	vmul.f32 v10, v3;
	[tilespmem:s18+$0xC0] =	vst v0;
	s18 =	smov.u32 s22  }
0x111: {  	v3 =	vld [tilespmem:s22+$0x2820]  }
0x112: {  	v0 =	vld [tilespmem:s22+$0x30];
	[tilespmem:s22+$0xF0] =	vst v1  }
0x113: {  	v1 =	vld [tilespmem:s22+$0x2830]  }
0x114: {  	v4 =	vld [tilespmem:s22+$0x40]  }
0x115: {  	v9 =	vld [tilespmem:s22+$0x2840]  }
0x116: {  	v10 =	vld [tilespmem:s22+$0x70]  }
0x117: {  	v12 =	vld [tilespmem:s22+$0x2870]  }
0x118: {  	v13 =	vld [tilespmem:s22+$0x50]  }
0x119: {  	v14 =	vld [tilespmem:s22+$0x2850]  }
0x11a: {  	v15 =	vld [tilespmem:s22+$0x60]  }
0x11b: {  	v16 =	vld [tilespmem:s22+$0x2860]  }
0x11c: {  	v10 =	vmul.f32 v12, v10;
	v12 =	vld [tilespmem:s22+$0x80]  }
0x11d: {  	v17 =	vld [tilespmem:s22+$0x2880]  }
0x11e: {  	v13 =	vmul.f32 v14, v13;
	[tilespmem:s22+$0x70] =	vst v10;
	v10 =	vld [tilespmem:s22+$0x90]  }
0x11f: {  	v14 =	vld [tilespmem:s22+$0x2890]  }
0x120: {  	v4 =	vmul.f32 v9, v4;
	[tilespmem:s22+$0x50] =	vst v13;
	v9 =	vmul.f32 v16, v15;
	v13 =	vld [tilespmem:s22+$0xA0]  }
0x121: {  	v15 =	vld [tilespmem:s22+$0x28A0]  }
0x122: {  	v16 =	vmul.f32 v1, v0;
	[tilespmem:s22+$0x40] =	vst v4;
	v1 =	vmul.f32 v17, v12;
	v12 =	vld [tilespmem:s22+$0x28B0]  }
0x123: {  	[tilespmem:s22+$0x60] =	vst v9;
	v0 =	vld [tilespmem:s22+$0xC0]  }
.Ltmp4:
0x124: {  	v3 =	vmul.f32 v3, v2;
	[tilespmem:s22+$0x80] =	vst v1;
	v9 =	vmul.f32 v14, v10;
	v2 =	vld [tilespmem:s22+$0x28D0];
	(pc) =	sbr.rel @p0 .LBB2_7-.Ltmp4, $4  }
0x125: {  	v1 =	vld [tilespmem:s22+$0x28E0]  }
0x126: {  	v5 =	vmul.f32 v6, v5;
	[tilespmem:s22+$0x30] =	vst v16;
	v4 =	vmul.f32 v15, v13;
	v6 =	vld [tilespmem:s22+$0xD0]  }
0x127: {  	v8 =	vmul.f32 v11, v8;
	v10 =	vmul.f32 v12, v7;
	v7 =	vld [tilespmem:s22+$0x28C0]  }
0x128: {  	s22 =	sadd.s32 $0x100, s22;
	[tilespmem:s18+$0x90] =	vst v9;
	v9 =	vld [tilespmem:s18+$0xE0]  }
0x129: {  	[tilespmem:s18+$0xB0] =	vst v10  }
0x12a: {  	[tilespmem:s18+$0x20] =	vst v3  }
0x12b: {  	[tilespmem:s18+$0x10] =	vst v5  }
0x12c: {  	[tilespmem:s18+$0x0] =	vst v8;
	v2 =	vmul.f32 v2, v6  }
0x12d: {  	[tilespmem:s18+$0xA0] =	vst v4;
	v0 =	vmul.f32 v7, v0  }
0x12e: {  	s20 =	sadd.s32 s8, s10;
	v1 =	vmul.f32 v1, v9;
	[tilespmem:s18+$0xD0] =	vst v2  }
0x12f: {  	p0 =	seq.s32 s7, $0x18;
	s20 =	sshll.u32 s20, $0x4;
	[tilespmem:s18+$0xC0] =	vst v0  }
0x130: {  	s22 =	sadd.s32 s4, s20;
	[tilespmem:s18+$0xE0] =	vst v1;
	s18 =	simm.s32 @!p0 $0x6  }
0x131: {  	[hbm4b:s22+s6] =	stream.linear.scatter [tilespmem:s21], [sflag:$0x8], $0x2800, $0x38;
	[tilespmem:$0x1DF00] =	vst v63  }
0x132: {  	_ =	swait.ge @!p0 [sflag:s18], $0x2800  }
0x133: {  	s20 =	simm.s32 @!p0 $0x50;
	[sflag:s18] =	ssyncset.done @!p0 $0x0  }
0x134: {  	s22 =	simm.s32 @!p0 $0x4F00;
	[sflag:s18] =	ssyncadd.s32 @!p0 $0xFFFFD800;
	s18 =	sadd.s32 @!p0 $0x190, s8  }
0x135: {  	[tilespmem:s22], [sflag:$0x1] =	stream.indirect.gather @!p0 [hbm4b:s1+s20], $0x80, s18, s20, $0xb8;
	[tilespmem:$0x1DF00] =	vst v63  }
0x136: {  	s18 =	sadd.s32 @!p0 $0x2910, s8;
	s22 =	simm.s32 @!p0 $0x7700  }
0x137: {  	[tilespmem:s22], [sflag:$0x1] =	stream.indirect.gather @!p0 [hbm4b:s2+s20], $0x80, s18, s20, $0xb8;
	[tilespmem:$0x1DF00] =	vst v63  }
0x138: {  	_ =	swait.ge [sflag:s3], $0x2800  }
0x139: {  	[sflag:s3] =	ssyncset.done $0x0  }
0x13a: {  	[sflag:s3] =	ssyncadd.s32 $0xFFFFD800  }
0x13b: {  	_ =	swait.ge [sflag:s3], $0x2800  }
0x13c: {  	[sflag:s3] =	ssyncset.done $0x0  }
0x13d: {  	s18 =	simm.s32 $0x13F00;
	[sflag:s3] =	ssyncadd.s32 $0xFFFFD800  }
0x13e: {  	v8 =	vld [tilespmem:s18+$0x2800]  }
0x13f: {  	v0 =	vld [tilespmem:s18+$0x28F0]  }
0x140: {  	v1 =	vld [tilespmem:s18+$0xF0]  }
0x141: {  	v4 =	vld [tilespmem:s18+$0x10]  }
0x142: {  	v5 =	vld [tilespmem:s18+$0x2810]  }
0x143: {  	v9 =	vld [tilespmem:s18+$0xB0]  }
0x144: {  	v3 =	vld [tilespmem:s18+$0x20]  }
0x145: {  	v10 =	vld [tilespmem:s18+$0x0]  }
0x146: {  	v6 =	vld [tilespmem:s18+$0x2820]  }
0x147: {  	v7 =	vld [tilespmem:s18+$0x30]  }
0x148: {  	v11 =	vld [tilespmem:s18+$0x2830]  }
0x149: {  	v2 =	vld [tilespmem:s18+$0x40]  }
0x14a: {  	v12 =	vld [tilespmem:s18+$0x70]  }
0x14b: {  	v13 =	vld [tilespmem:s18+$0x2870]  }
0x14c: {  	v14 =	vld [tilespmem:s18+$0x2840]  }
0x14d: {  	v15 =	vld [tilespmem:s18+$0x50]  }
0x14e: {  	v16 =	vld [tilespmem:s18+$0x2850]  }
0x14f: {  	v17 =	vld [tilespmem:s18+$0x60]  }
0x150: {  	v18 =	vld [tilespmem:s18+$0x2860]  }
0x151: {  	v60 =	vld [tilespmem:s18+$0x80]  }
0x152: {  	v19 =	vld [tilespmem:s18+$0x2880]  }
0x153: {  	v61 =	vld [tilespmem:s18+$0x90]  }
0x154: {  	v63 =	vld [tilespmem:s18+$0x28B0];
	v12 =	vmul.f32 v13, v12  }
0x155: {  	v20 =	vld [tilespmem:s18+$0x2890];
	v0 =	vmul.f32 v0, v1  }
0x156: {  	v21 =	vld [tilespmem:s18+$0xA0];
	v1 =	vmul.f32 v16, v15;
	[tilespmem:s18+$0x70] =	vst v12  }
0x157: {  	v62 =	vld [tilespmem:s18+$0x28A0];
	v2 =	vmul.f32 v14, v2;
	v13 =	vmul.f32 v19, v60;
	[tilespmem:s18+$0xF0] =	vst v0  }
0x158: {  	v7 =	vmul.f32 v11, v7;
	v3 =	vmul.f32 v6, v3;
	v6 =	vld [tilespmem:s18+$0xD0];
	[tilespmem:s18+$0x50] =	vst v1  }
0x159: {  	v8 =	vmul.f32 v8, v10;
	v10 =	vmul.f32 v63, v9;
	v9 =	vld [tilespmem:s18+$0xE0];
	[tilespmem:s18+$0x40] =	vst v2  }
0x15a: {  	v11 =	vmul.f32 v20, v61;
	v0 =	vld [tilespmem:s18+$0xC0];
	[tilespmem:s18+$0x80] =	vst v13  }
0x15b: {  	v1 =	vmul.f32 v18, v17;
	v2 =	vld [tilespmem:s18+$0x28D0];
	[tilespmem:s18+$0x30] =	vst v7  }
0x15c: {  	v7 =	vld [tilespmem:s18+$0x28C0];
	[tilespmem:s18+$0x90] =	vst v11  }
0x15d: {  	s20 =	simm.s32 $0x0;
	s22 =	simm.s32 $0x14000;
	v5 =	vmul.f32 v5, v4;
	v4 =	vmul.f32 v62, v21;
	[tilespmem:s18+$0x60] =	vst v1;
	v1 =	vld [tilespmem:s18+$0x28E0]  }
.LBB2_9:
0x15e: {  	v11 =	vld [tilespmem:s22+$0x2800];
	s20 =	sadd.s32 $0x2, s20;
	[tilespmem:s18+$0xB0] =	vst v10  }
0x15f: {  	v10 =	vld [tilespmem:s22+$0x28F0];
	p1 =	slt.u32 s20, $0x4E;
	[tilespmem:s18+$0x20] =	vst v3  }
0x160: {  	v3 =	vld [tilespmem:s22+$0xF0];
	[tilespmem:s18+$0x10] =	vst v5;
	v2 =	vmul.f32 v2, v6  }
0x161: {  	v5 =	vld [tilespmem:s22+$0x10];
	[tilespmem:s18+$0x0] =	vst v8;
	v0 =	vmul.f32 v7, v0  }
0x162: {  	v6 =	vld [tilespmem:s22+$0x2810];
	[tilespmem:s18+$0xA0] =	vst v4;
	v1 =	vmul.f32 v1, v9  }
0x163: {  	v7 =	vld [tilespmem:s22+$0xB0];
	[tilespmem:s18+$0xD0] =	vst v2  }
0x164: {  	v2 =	vld [tilespmem:s22+$0x20];
	[tilespmem:s18+$0xE0] =	vst v1  }
0x165: {  	v8 =	vld [tilespmem:s22+$0x0];
	v1 =	vmul.f32 v10, v3;
	[tilespmem:s18+$0xC0] =	vst v0;
	s18 =	smov.u32 s22  }
0x166: {  	v3 =	vld [tilespmem:s22+$0x2820]  }
0x167: {  	v0 =	vld [tilespmem:s22+$0x30];
	[tilespmem:s22+$0xF0] =	vst v1  }
0x168: {  	v1 =	vld [tilespmem:s22+$0x2830]  }
0x169: {  	v4 =	vld [tilespmem:s22+$0x40]  }
0x16a: {  	v9 =	vld [tilespmem:s22+$0x2840]  }
0x16b: {  	v10 =	vld [tilespmem:s22+$0x70]  }
0x16c: {  	v12 =	vld [tilespmem:s22+$0x2870]  }
0x16d: {  	v13 =	vld [tilespmem:s22+$0x50]  }
0x16e: {  	v14 =	vld [tilespmem:s22+$0x2850]  }
0x16f: {  	v15 =	vld [tilespmem:s22+$0x60]  }
0x170: {  	v16 =	vld [tilespmem:s22+$0x2860]  }
0x171: {  	v10 =	vmul.f32 v12, v10;
	v12 =	vld [tilespmem:s22+$0x80]  }
0x172: {  	v17 =	vld [tilespmem:s22+$0x2880]  }
0x173: {  	v13 =	vmul.f32 v14, v13;
	[tilespmem:s22+$0x70] =	vst v10;
	v10 =	vld [tilespmem:s22+$0x90]  }
0x174: {  	v14 =	vld [tilespmem:s22+$0x2890]  }
0x175: {  	v4 =	vmul.f32 v9, v4;
	[tilespmem:s22+$0x50] =	vst v13;
	v9 =	vmul.f32 v16, v15;
	v13 =	vld [tilespmem:s22+$0xA0]  }
0x176: {  	v15 =	vld [tilespmem:s22+$0x28A0]  }
0x177: {  	v16 =	vmul.f32 v1, v0;
	[tilespmem:s22+$0x40] =	vst v4;
	v1 =	vmul.f32 v17, v12;
	v12 =	vld [tilespmem:s22+$0x28B0]  }
0x178: {  	[tilespmem:s22+$0x60] =	vst v9;
	v0 =	vld [tilespmem:s22+$0xC0]  }
.Ltmp5:
0x179: {  	v3 =	vmul.f32 v3, v2;
	[tilespmem:s22+$0x80] =	vst v1;
	v9 =	vmul.f32 v14, v10;
	v2 =	vld [tilespmem:s22+$0x28D0];
	(pc) =	sbr.rel @p1 .LBB2_9-.Ltmp5, $4  }
0x17a: {  	v1 =	vld [tilespmem:s22+$0x28E0]  }
0x17b: {  	v5 =	vmul.f32 v6, v5;
	[tilespmem:s22+$0x30] =	vst v16;
	v4 =	vmul.f32 v15, v13;
	v6 =	vld [tilespmem:s22+$0xD0]  }
0x17c: {  	v8 =	vmul.f32 v11, v8;
	v10 =	vmul.f32 v12, v7;
	v7 =	vld [tilespmem:s22+$0x28C0]  }
0x17d: {  	s22 =	sadd.s32 $0x100, s22;
	[tilespmem:s18+$0x90] =	vst v9;
	v9 =	vld [tilespmem:s18+$0xE0]  }
0x17e: {  	[tilespmem:s18+$0xB0] =	vst v10  }
0x17f: {  	[tilespmem:s18+$0x20] =	vst v3  }
0x180: {  	[tilespmem:s18+$0x10] =	vst v5  }
0x181: {  	[tilespmem:s18+$0x0] =	vst v8;
	v2 =	vmul.f32 v2, v6  }
0x182: {  	[tilespmem:s18+$0xA0] =	vst v4;
	v0 =	vmul.f32 v7, v0  }
0x183: {  	s16 =	sadd.s32 s5, s16;
	v1 =	vmul.f32 v1, v9;
	[tilespmem:s18+$0xD0] =	vst v2  }
0x184: {  	s16 =	sshll.u32 s16, $0x4;
	[tilespmem:s18+$0xC0] =	vst v0  }
0x185: {  	s16 =	sadd.s32 s4, s16;
	[tilespmem:s18+$0xE0] =	vst v1  }
0x186: {  	[hbm4b:s16+s6] =	stream.linear.scatter [tilespmem:s25], [sflag:$0x9], $0x2800, $0x38;
	[tilespmem:$0x1DF00] =	vst v63  }
0x187: {  	s16 =	simm.s32 @!p0 $0x7  }
0x188: {  	_ =	swait.ge @!p0 [sflag:s16], $0x2800  }
0x189: {  	s20 =	simm.s32 @!p0 $0x9F00;
	[sflag:s16] =	ssyncset.done @!p0 $0x0  }
0x18a: {  	s18 =	simm.s32 @!p0 $0x50;
	[sflag:s16] =	ssyncadd.s32 @!p0 $0xFFFFD800;
	s16 =	sadd.s32 @!p0 $0x1E0, s8  }
0x18b: {  	[tilespmem:s20], [sflag:$0x2] =	stream.indirect.gather @!p0 [hbm4b:s1+s18], $0x80, s16, s18, $0xb8;
	[tilespmem:$0x1DF00] =	vst v63  }
0x18c: {  	s16 =	sadd.s32 @!p0 $0x2960, s8;
	s20 =	simm.s32 @!p0 $0xC700  }
0x18d: {  	[tilespmem:s20], [sflag:$0x2] =	stream.indirect.gather @!p0 [hbm4b:s2+s18], $0x80, s16, s18, $0xb8;
	[tilespmem:$0x1DF00] =	vst v63  }
0x18e: {  	_ =	swait.ge [sflag:s0], $0x2800  }
0x18f: {  	[sflag:s0] =	ssyncset.done $0x0  }
0x190: {  	[sflag:s0] =	ssyncadd.s32 $0xFFFFD800  }
0x191: {  	_ =	swait.ge [sflag:s0], $0x2800  }
0x192: {  	[sflag:s0] =	ssyncset.done $0x0  }
0x193: {  	s16 =	simm.s32 $0x18F00;
	[sflag:s0] =	ssyncadd.s32 $0xFFFFD800  }
0x194: {  	v8 =	vld [tilespmem:s16+$0x2800]  }
0x195: {  	v0 =	vld [tilespmem:s16+$0x28F0]  }
0x196: {  	v1 =	vld [tilespmem:s16+$0xF0]  }
0x197: {  	v4 =	vld [tilespmem:s16+$0x10]  }
0x198: {  	v5 =	vld [tilespmem:s16+$0x2810]  }
0x199: {  	v9 =	vld [tilespmem:s16+$0xB0]  }
0x19a: {  	v3 =	vld [tilespmem:s16+$0x20]  }
0x19b: {  	v10 =	vld [tilespmem:s16+$0x0]  }
0x19c: {  	v6 =	vld [tilespmem:s16+$0x2820]  }
0x19d: {  	v7 =	vld [tilespmem:s16+$0x30]  }
0x19e: {  	v11 =	vld [tilespmem:s16+$0x2830]  }
0x19f: {  	v2 =	vld [tilespmem:s16+$0x40]  }
0x1a0: {  	v12 =	vld [tilespmem:s16+$0x70]  }
0x1a1: {  	v13 =	vld [tilespmem:s16+$0x2870]  }
0x1a2: {  	v14 =	vld [tilespmem:s16+$0x2840]  }
0x1a3: {  	v15 =	vld [tilespmem:s16+$0x50]  }
0x1a4: {  	v16 =	vld [tilespmem:s16+$0x2850]  }
0x1a5: {  	v17 =	vld [tilespmem:s16+$0x60]  }
0x1a6: {  	v18 =	vld [tilespmem:s16+$0x2860]  }
0x1a7: {  	v60 =	vld [tilespmem:s16+$0x80]  }
0x1a8: {  	v19 =	vld [tilespmem:s16+$0x2880]  }
0x1a9: {  	v61 =	vld [tilespmem:s16+$0x90]  }
0x1aa: {  	v63 =	vld [tilespmem:s16+$0x28B0];
	v12 =	vmul.f32 v13, v12  }
0x1ab: {  	v20 =	vld [tilespmem:s16+$0x2890];
	v0 =	vmul.f32 v0, v1  }
0x1ac: {  	v21 =	vld [tilespmem:s16+$0xA0];
	v1 =	vmul.f32 v16, v15;
	[tilespmem:s16+$0x70] =	vst v12  }
0x1ad: {  	v62 =	vld [tilespmem:s16+$0x28A0];
	v2 =	vmul.f32 v14, v2;
	v13 =	vmul.f32 v19, v60;
	[tilespmem:s16+$0xF0] =	vst v0  }
0x1ae: {  	v7 =	vmul.f32 v11, v7;
	v3 =	vmul.f32 v6, v3;
	v6 =	vld [tilespmem:s16+$0xD0];
	[tilespmem:s16+$0x50] =	vst v1  }
0x1af: {  	v8 =	vmul.f32 v8, v10;
	v10 =	vmul.f32 v63, v9;
	v9 =	vld [tilespmem:s16+$0xE0];
	[tilespmem:s16+$0x40] =	vst v2  }
0x1b0: {  	v11 =	vmul.f32 v20, v61;
	v0 =	vld [tilespmem:s16+$0xC0];
	[tilespmem:s16+$0x80] =	vst v13  }
0x1b1: {  	v1 =	vmul.f32 v18, v17;
	v2 =	vld [tilespmem:s16+$0x28D0];
	[tilespmem:s16+$0x30] =	vst v7  }
0x1b2: {  	v7 =	vld [tilespmem:s16+$0x28C0];
	[tilespmem:s16+$0x90] =	vst v11  }
0x1b3: {  	s18 =	simm.s32 $0x0;
	s20 =	simm.s32 $0x19000;
	v5 =	vmul.f32 v5, v4;
	v4 =	vmul.f32 v62, v21;
	[tilespmem:s16+$0x60] =	vst v1;
	v1 =	vld [tilespmem:s16+$0x28E0]  }
.LBB2_11:
0x1b4: {  	v11 =	vld [tilespmem:s20+$0x2800];
	s18 =	sadd.s32 $0x2, s18;
	[tilespmem:s16+$0xB0] =	vst v10  }
0x1b5: {  	v10 =	vld [tilespmem:s20+$0x28F0];
	p1 =	slt.u32 s18, $0x4E;
	[tilespmem:s16+$0x20] =	vst v3  }
0x1b6: {  	v3 =	vld [tilespmem:s20+$0xF0];
	[tilespmem:s16+$0x10] =	vst v5;
	v2 =	vmul.f32 v2, v6  }
0x1b7: {  	v5 =	vld [tilespmem:s20+$0x10];
	[tilespmem:s16+$0x0] =	vst v8;
	v0 =	vmul.f32 v7, v0  }
0x1b8: {  	v6 =	vld [tilespmem:s20+$0x2810];
	[tilespmem:s16+$0xA0] =	vst v4;
	v1 =	vmul.f32 v1, v9  }
0x1b9: {  	v7 =	vld [tilespmem:s20+$0xB0];
	[tilespmem:s16+$0xD0] =	vst v2  }
0x1ba: {  	v2 =	vld [tilespmem:s20+$0x20];
	[tilespmem:s16+$0xE0] =	vst v1  }
0x1bb: {  	v8 =	vld [tilespmem:s20+$0x0];
	v1 =	vmul.f32 v10, v3;
	[tilespmem:s16+$0xC0] =	vst v0;
	s16 =	smov.u32 s20  }
0x1bc: {  	v3 =	vld [tilespmem:s20+$0x2820]  }
0x1bd: {  	v0 =	vld [tilespmem:s20+$0x30];
	[tilespmem:s20+$0xF0] =	vst v1  }
0x1be: {  	v1 =	vld [tilespmem:s20+$0x2830]  }
0x1bf: {  	v4 =	vld [tilespmem:s20+$0x40]  }
0x1c0: {  	v9 =	vld [tilespmem:s20+$0x2840]  }
0x1c1: {  	v10 =	vld [tilespmem:s20+$0x70]  }
0x1c2: {  	v12 =	vld [tilespmem:s20+$0x2870]  }
0x1c3: {  	v13 =	vld [tilespmem:s20+$0x50]  }
0x1c4: {  	v14 =	vld [tilespmem:s20+$0x2850]  }
0x1c5: {  	v15 =	vld [tilespmem:s20+$0x60]  }
0x1c6: {  	v16 =	vld [tilespmem:s20+$0x2860]  }
0x1c7: {  	v10 =	vmul.f32 v12, v10;
	v12 =	vld [tilespmem:s20+$0x80]  }
0x1c8: {  	v17 =	vld [tilespmem:s20+$0x2880]  }
0x1c9: {  	v13 =	vmul.f32 v14, v13;
	[tilespmem:s20+$0x70] =	vst v10;
	v10 =	vld [tilespmem:s20+$0x90]  }
0x1ca: {  	v14 =	vld [tilespmem:s20+$0x2890]  }
0x1cb: {  	v4 =	vmul.f32 v9, v4;
	[tilespmem:s20+$0x50] =	vst v13;
	v9 =	vmul.f32 v16, v15;
	v13 =	vld [tilespmem:s20+$0xA0]  }
0x1cc: {  	v15 =	vld [tilespmem:s20+$0x28A0]  }
0x1cd: {  	v16 =	vmul.f32 v1, v0;
	[tilespmem:s20+$0x40] =	vst v4;
	v1 =	vmul.f32 v17, v12;
	v12 =	vld [tilespmem:s20+$0x28B0]  }
0x1ce: {  	[tilespmem:s20+$0x60] =	vst v9;
	v0 =	vld [tilespmem:s20+$0xC0]  }
.Ltmp6:
0x1cf: {  	v3 =	vmul.f32 v3, v2;
	[tilespmem:s20+$0x80] =	vst v1;
	v9 =	vmul.f32 v14, v10;
	v2 =	vld [tilespmem:s20+$0x28D0];
	(pc) =	sbr.rel @p1 .LBB2_11-.Ltmp6, $4  }
0x1d0: {  	v1 =	vld [tilespmem:s20+$0x28E0]  }
0x1d1: {  	v5 =	vmul.f32 v6, v5;
	[tilespmem:s20+$0x30] =	vst v16;
	v4 =	vmul.f32 v15, v13;
	v6 =	vld [tilespmem:s20+$0xD0]  }
0x1d2: {  	v8 =	vmul.f32 v11, v8;
	v10 =	vmul.f32 v12, v7;
	v7 =	vld [tilespmem:s20+$0x28C0]  }
0x1d3: {  	s20 =	sadd.s32 $0x100, s20;
	[tilespmem:s16+$0x90] =	vst v9;
	v9 =	vld [tilespmem:s16+$0xE0]  }
0x1d4: {  	[tilespmem:s16+$0xB0] =	vst v10  }
0x1d5: {  	[tilespmem:s16+$0x20] =	vst v3  }
0x1d6: {  	[tilespmem:s16+$0x10] =	vst v5  }
0x1d7: {  	[tilespmem:s16+$0x0] =	vst v8;
	v2 =	vmul.f32 v2, v6  }
.Ltmp7:
0x1d8: {  	[tilespmem:s16+$0xA0] =	vst v4;
	v0 =	vmul.f32 v7, v0;
	(pc) =	sbr.rel @p0 .LBB2_14-.Ltmp7, $4  }
0x1d9: {  	s11 =	sadd.s32 s5, s11;
	v1 =	vmul.f32 v1, v9;
	[tilespmem:s16+$0xD0] =	vst v2  }
0x1da: {  	s11 =	sshll.u32 s11, $0x4;
	[tilespmem:s16+$0xC0] =	vst v0  }
0x1db: {  	s11 =	sadd.s32 s4, s11;
	[tilespmem:s16+$0xE0] =	vst v1  }
0x1dc: {  	[hbm4b:s11+s6] =	stream.linear.scatter [tilespmem:s29], [sflag:$0xA], $0x2800, $0x38;
	[tilespmem:$0x1DF00] =	vst v63  }
0x1dd: {  	_ =	swait.ge [sflag:s19], $0x2800  }
.Ltmp8:
0x1de: {  	[sflag:s19] =	ssyncset.done $0x0;
	(pc) =	sbr.rel .LBB2_2-.Ltmp8, $4  }
0x1df: {  	s11 =	sadd.s32 $0x230, s8;
	[sflag:s19] =	ssyncadd.s32 $0xFFFFD800  }
0x1e0: {  	[tilespmem:s21], [sflag:$0x3] =	stream.indirect.gather [hbm4b:s1+s14], $0x80, s11, s14, $0xb8;
	[tilespmem:$0x1DF00] =	vst v63  }
0x1e1: {  	s22 =	sadd.s32 $0x29B0, s8;
	s7 =	sadd.s32 $0x1, s7  }
0x1e2: {  	[tilespmem:s23], [sflag:$0x3] =	stream.indirect.gather [hbm4b:s2+s14], $0x80, s22, s14, $0xb8;
	[tilespmem:$0x1DF00] =	vst v63  }
.LBB2_15:
0x1e3: {  	_ =	sfence.sel $0x180000  }
0x1e4: {  	[bflag:$0x0] =	sbarrier.arrive $0xFFFF  }
0x1e5: {  	_ =	strace $0x90000047  }
0x1e6: {  	s0 =	stileid.u32;
	[bflag:$0x2] =	sbarrier.arrive $0xFFFF  }
0x1e7: {  	p0 =	sne.s32 s0, $0x0;
	s0 =	rddreg [dreg:$0x4]  }
0x1e8: {  	s0 =	sadd.s32 @!p0 $0x100000, s0  }
0x1e9: {  	[sflag:s0] =	ssyncadd.tile.s32 @!p0 $0x1;
	_ =	shalt  }
.Lfunc_end2:
_tile_overlayer_lowered:
.L_overlay_start_2:
0x1ea: {  	(tag) =	ssettag $0x2  }
0x1eb: {  	s0 =	rddreg [dreg:$0x0];
	s2 =	stileid.u32  }
0x1ec: {  	s1 =	rddreg [dreg:$0x1];
	p0 =	sne.s32 s2, $0x0  }
0x1ed: {  	s3 =	rddreg [dreg:$0x2];
	[bflag:$0x3] =	sbarrier.arrive $0xFFFF;
	s2 =	simm.s32 @!p0 $0x1C0B  }
0x1ee: {  	[timem:s3], [sflag:s2] =	dma.local @!p0 [hbm:s0], s1  }
0x1ef: {  	s0 =	simm.s32 @!p0 $0xB  }
0x1f0: {  	_ =	swait.ge @!p0 [sflag:s0], s1  }
0x1f1: {  	s1 =	ssub.s32 @!p0 $0x0, s1;
	[sflag:s0] =	ssyncset.done @!p0 $0x0  }
0x1f2: {  	[sflag:s0] =	ssyncadd.s32 @!p0 s1  }
0x1f3: {  	[bflag:$0x3] =	sbarrier.arrive $0xFFFF  }
0x1f4: {  	_ =	shalt  }

</sc_bundles>
